<compile_context>
chip_gen: v7x
topology: tpu7x:2x2x1
jax: 0.10.2.dev20260603
libtpu: 0.0.44.dev20260713+nightly
codegen_flags: <defaults>
</compile_context>

<pallas_src>
import functools

import jax
import jax.numpy as jnp
from jax import lax
from jax.experimental import pallas as pl
from jax.experimental.pallas import tpu as pltpu
from jax.experimental.pallas import tpu_sc as plsc

DIST_DIM = 128
NODE_DIM = 256
N_POINTS = 4096
N_BATCH = 4
BIN_SIZE = 128
N_BINS = 32
N_KEYS = 64
CHUNK = 128
PAY_W = 128
DIST_MULT = 0.1


def _rank_body(x_ref, w_ref, m_ref, rank_ref):
    x = x_ref[0]
    w = w_ref[...]
    mk = m_ref[0]

    mul = lax.dot_general(x, w, (((1,), (0,)), ((), ())),
                          preferred_element_type=jnp.float32)
    cmul = jnp.concatenate([mul, -mul], axis=1)
    mx = jnp.max(cmul, axis=1, keepdims=True)
    lane = lax.broadcasted_iota(jnp.int32, (N_POINTS, N_BINS), 1).astype(jnp.float32)
    amax = jnp.min(jnp.where(cmul == mx, lane, float(N_KEYS)),
                   axis=1, keepdims=True)
    binf = amax + (N_BINS - 1) * (1.0 - mk)

    keylane = lax.broadcasted_iota(jnp.int32, (N_POINTS, N_KEYS), 1).astype(jnp.float32)
    onehot = jnp.where(binf == keylane, 1.0, 0.0)

    ones_col = jnp.ones((N_POINTS, 1), jnp.float32)
    total = lax.dot_general(ones_col, onehot, (((0,), (0,)), ((), ())))
    r64 = lax.broadcasted_iota(jnp.int32, (N_KEYS, N_KEYS), 0).astype(jnp.float32)
    c64 = lax.broadcasted_iota(jnp.int32, (N_KEYS, N_KEYS), 1).astype(jnp.float32)
    strict_upper = jnp.where(r64 < c64, 1.0, 0.0)
    offset = lax.dot_general(total, strict_upper, (((1,), (0,)), ((), ())))

    rr = lax.broadcasted_iota(jnp.int32, (CHUNK, CHUNK), 0).astype(jnp.float32)
    cc = lax.broadcasted_iota(jnp.int32, (CHUNK, CHUNK), 1).astype(jnp.float32)
    strict_lower = jnp.where(cc < rr, 1.0, 0.0)
    ones_row = jnp.ones((1, CHUNK), jnp.float32)

    base = offset
    for blk in range(N_POINTS // CHUNK):
        ob = onehot[blk * CHUNK:(blk + 1) * CHUNK]
        pre = lax.dot_general(strict_lower, ob, (((1,), (0,)), ((), ()))) + base
        rk = jnp.sum(ob * pre, axis=1, keepdims=True)
        rank_ref[0, blk * CHUNK:(blk + 1) * CHUNK, :] = rk.astype(jnp.int32)
        base = base + lax.dot_general(ones_row, ob, (((1,), (0,)), ((), ())))


def _dm_body(x_ref, m_ref, id_ref, o_ref):
    x = x_ref[0]
    m = m_ref[0]
    ident = id_ref[...]
    xm = x * m
    na = jnp.sum(xm * xm, axis=1, keepdims=True)
    nb = lax.dot_general(na, ident, (((0,), (0,)), ((), ())))
    mrow = lax.dot_general(m, ident, (((0,), (0,)), ((), ())))
    g = lax.dot_general(xm, xm, (((1,), (1,)), ((), ())),
                        preferred_element_type=jnp.float32)
    d2 = (na - 2.0 * g + nb) * (1.0 - ident)
    d = jnp.sqrt(jnp.maximum(d2, 1e-6))
    e = jnp.minimum(jnp.exp(-DIST_MULT * d), 1.0)
    e = jnp.maximum(e, 0.0)
    o_ref[0] = e * m * mrow


@functools.lru_cache(maxsize=1)
def _make_sc_scatter_a():
    info = plsc.get_sparse_core_info()
    nc = info.num_cores
    mesh = plsc.VectorSubcoreMesh(core_axis_name="c", subcore_axis_name="s")
    out_type = [
        jax.ShapeDtypeStruct((N_BATCH, N_POINTS, PAY_W), jnp.int32),
        jax.ShapeDtypeStruct((N_BATCH, N_POINTS, DIST_DIM), jnp.float32),
    ]
    scratch = [
        pltpu.VMEM((CHUNK,), jnp.int32),
        pltpu.VMEM((CHUNK, PAY_W), jnp.int32),
        pltpu.VMEM((CHUNK, DIST_DIM), jnp.float32),
        pltpu.SemaphoreType.DMA,
    ]

    @functools.partial(pl.kernel, mesh=mesh, out_type=out_type,
                       scratch_types=scratch)
    def scatter_a(rank_hbm, pay_hbm, xmsg_hbm,
                  pay_out, xmsgb_out,
                  idx_v, pay_v, xm_v, sem):
        wid = lax.axis_index("s") * nc + lax.axis_index("c")
        base = wid * CHUNK
        for b in range(N_BATCH):
            pltpu.sync_copy(rank_hbm.at[b].at[pl.ds(base, CHUNK)], idx_v)
            pltpu.sync_copy(pay_hbm.at[b].at[pl.ds(base, CHUNK), :], pay_v)
            pltpu.sync_copy(xmsg_hbm.at[b].at[pl.ds(base, CHUNK), :], xm_v)
            c1 = pltpu.async_copy(pay_v, pay_out.at[b].at[idx_v], sem)
            c2 = pltpu.async_copy(xm_v, xmsgb_out.at[b].at[idx_v], sem)
            c1.wait()
            c2.wait()

    return scatter_a


@functools.lru_cache(maxsize=1)
def _make_sc_scatter_b():
    info = plsc.get_sparse_core_info()
    nc = info.num_cores
    mesh = plsc.VectorSubcoreMesh(core_axis_name="c", subcore_axis_name="s")
    out_type = jax.ShapeDtypeStruct((N_BATCH, N_POINTS, NODE_DIM), jnp.float32)
    scratch = [
        pltpu.VMEM((CHUNK,), jnp.int32),
        pltpu.VMEM((CHUNK, NODE_DIM), jnp.float32),
        pltpu.SemaphoreType.DMA,
    ]

    @functools.partial(pl.kernel, mesh=mesh, out_type=out_type,
                       scratch_types=scratch)
    def scatter_b(rank_hbm, xnode_hbm, xnodeb_out, idx_v, xn_v, sem):
        wid = lax.axis_index("s") * nc + lax.axis_index("c")
        base = wid * CHUNK
        for b in range(N_BATCH):
            pltpu.sync_copy(rank_hbm.at[b].at[pl.ds(base, CHUNK)], idx_v)
            pltpu.sync_copy(xnode_hbm.at[b].at[pl.ds(base, CHUNK), :], xn_v)
            pltpu.async_copy(xn_v, xnodeb_out.at[b].at[idx_v], sem).wait()

    return scatter_b


def _rank_call(x_msg, w16, mskf_col):
    return pl.pallas_call(
        _rank_body,
        grid=(N_BATCH,),
        in_specs=[
            pl.BlockSpec((1, N_POINTS, DIST_DIM), lambda b: (b, 0, 0)),
            pl.BlockSpec((DIST_DIM, N_BINS // 2), lambda b: (0, 0)),
            pl.BlockSpec((1, N_POINTS, 1), lambda b: (b, 0, 0)),
        ],
        out_specs=pl.BlockSpec((1, N_POINTS, 1), lambda b: (b, 0, 0)),
        out_shape=jax.ShapeDtypeStruct((N_BATCH, N_POINTS, 1), jnp.int32),
    )(x_msg, w16, mskf_col)


def _dm_call(xb, mb, ident):
    return pl.pallas_call(
        _dm_body,
        grid=(N_BATCH * N_BINS,),
        in_specs=[
            pl.BlockSpec((1, BIN_SIZE, DIST_DIM), lambda i: (i, 0, 0)),
            pl.BlockSpec((1, BIN_SIZE, 1), lambda i: (i, 0, 0)),
            pl.BlockSpec((BIN_SIZE, BIN_SIZE), lambda i: (0, 0)),
        ],
        out_specs=pl.BlockSpec((1, BIN_SIZE, BIN_SIZE), lambda i: (i, 0, 0)),
        out_shape=jax.ShapeDtypeStruct(
            (N_BATCH * N_BINS, BIN_SIZE, BIN_SIZE), jnp.float32),
    )(xb, mb, ident)


@jax.jit
def kernel(x_msg, x_node, msk, W):
    mskf = msk.astype(jnp.float32)
    w16 = W[:, : N_BINS // 2]

    rank = _rank_call(x_msg, w16, mskf[..., None])
    rank2 = rank.reshape(N_BATCH, N_POINTS)

    packed = 2 * jnp.arange(N_POINTS, dtype=jnp.int32)[None, :] + msk.astype(
        jnp.int32)
    pay = jnp.broadcast_to(packed[..., None], (N_BATCH, N_POINTS, PAY_W))

    pay_out, xmsgb = _make_sc_scatter_a()(rank2, pay, x_msg)
    xnodeb = _make_sc_scatter_b()(rank2, x_node)

    packed_sorted = pay_out[..., 0]
    mskb_flat = (packed_sorted & 1).astype(jnp.float32)
    xb = xmsgb.reshape(N_BATCH * N_BINS, BIN_SIZE, DIST_DIM)
    mb = mskb_flat.reshape(N_BATCH * N_BINS, BIN_SIZE, 1)
    ident = jnp.eye(BIN_SIZE, dtype=jnp.float32)
    dm = _dm_call(xb, mb, ident)

    bins_split = (packed_sorted >> 1).reshape(N_BATCH, N_BINS, BIN_SIZE)
    x_features_binned = xnodeb.reshape(N_BATCH, N_BINS, BIN_SIZE, NODE_DIM)
    dm_out = dm.reshape(N_BATCH, N_BINS, BIN_SIZE, BIN_SIZE, 1)
    msk_f_binned = mskb_flat.reshape(N_BATCH, N_BINS, BIN_SIZE, 1)
    return (bins_split, x_features_binned, dm_out, msk_f_binned)

# --- scband reference (transcript-rebuilt; emitter-appended) ---
"""Pipeline reference for scband-message-building-layer-lsh-30288109371692 (READ-ONLY COPY).

The authoritative reference and input builder live on the scoring server;
editing this copy changes nothing except your own understanding.
"""

import jax, jax.numpy as jnp
import numpy as np

DIST_DIM = 128
MAX_NUM_BINS = 200
BIN_SIZE = 128
DIST_MULT = 0.1
CLIP_LOW = 0.0


def setup_inputs(seed: int = 0) -> dict:
    key = jax.random.key(seed)
    k1, k2, k3, k4 = jax.random.split(key, 4)
    x_msg = jax.random.normal(k1, (4, 4096, DIST_DIM), dtype=jnp.float32)
    x_node = jax.random.normal(k2, (4, 4096, 256), dtype=jnp.float32)
    msk = jax.random.randint(k3, (4, 4096), 0, 2) > 0
    # lsh_projections: non-trainable weight, shape (distance_dim, max_num_bins//2), random_normal init
    W = jax.random.normal(k4, (DIST_DIM, MAX_NUM_BINS // 2), dtype=jnp.float32) * 0.05
    return {"x_msg": x_msg, "x_node": x_node, "msk": msk, "W": W}


def pairwise_gaussian_dist(A, B):
    na = jnp.sum(jnp.square(A), -1)[..., :, None]
    nb = jnp.sum(jnp.square(B), -1)[..., None, :]
    D = jnp.sqrt(jnp.maximum(na - 2.0 * jnp.einsum('...ik,...jk->...ij', A, B) + nb, 1e-06))
    return D


def reference(x_msg, x_node, msk, W):
    msk_f = msk.astype(x_msg.dtype)[..., None]
    n_batches, n_points, _ = x_msg.shape
    n_bins = n_points // BIN_SIZE
    # LSH projection and signed-hash binning
    mul = jnp.matmul(x_msg, W[:, : n_bins // 2])
    cmul = jnp.concatenate([mul, -mul], axis=-1)
    bin_idx = jnp.argmax(cmul, axis=-1).astype(jnp.int64) + jnp.where(~msk, n_bins - 1, 0).astype(jnp.int64)
    bins_split = jnp.argsort(bin_idx, axis=-1).reshape(n_batches, n_bins, BIN_SIZE)
    flat = bins_split.reshape(n_batches, -1)
    x_msg_binned = jnp.take_along_axis(x_msg, flat[..., None], axis=1).reshape(n_batches, n_bins, BIN_SIZE, x_msg.shape[-1])
    x_features_binned = jnp.take_along_axis(x_node, flat[..., None], axis=1).reshape(n_batches, n_bins, BIN_SIZE, x_node.shape[-1])
    msk_f_binned = jnp.take_along_axis(msk_f, flat[..., None], axis=1).reshape(n_batches, n_bins, BIN_SIZE, 1)
    # NodePairGaussianKernel
    xm = x_msg_binned * msk_f_binned
    dm = pairwise_gaussian_dist(xm, xm)[..., None]
    dm = jnp.exp(-DIST_MULT * dm)
    dm = jnp.clip(dm, CLIP_LOW, 1.0)
    m = jnp.squeeze(msk_f_binned, axis=-1)
    dm = dm * m[:, :, :, None, None]
    dm = dm * m[:, :, None, :, None]
    return (bins_split, x_features_binned, dm, msk_f_binned)

if __name__ == "__main__":
    import jax
    _d = setup_inputs()
    print(jax.jit(kernel)(*tuple(_d.values())))

</pallas_src>

<mosaic_0001>
#map = affine_map<(d0, d1) -> (0, 0)>
#map1 = affine_map<(d0, d1) -> (0, 0, 0)>
module attributes {stable_mosaic.version = 14 : i64} {
  func.func @scatter_b(%arg0: i32, %arg1: i32, %arg2: memref<4x4096xi32, #tpu.memory_space<hbm>>, %arg3: memref<4x4096x256xf32, #tpu.memory_space<hbm>>, %arg4: memref<4x4096x256xf32, #tpu.memory_space<hbm>>, %arg5: memref<128xi32, #tpu.memory_space<vmem>>, %arg6: memref<128x256xf32, #tpu.memory_space<vmem>>, %arg7: memref<!tpu.dma_semaphore, #tpu.memory_space<semaphore_mem>>) attributes {dimension_semantics = [#tpu.dimension_semantics<core_parallel>, #tpu.dimension_semantics<subcore_parallel>], iteration_bounds = array<i64: 2, 16>, scalar_prefetch = 0 : i64, scratch_operands = 3 : i64, tpu.core_type = #tpu.core_type<sc_vector_subcore>, window_params = [{transform_indices = #map}, {transform_indices = #map1}, {transform_indices = #map1}]} {
    %mul3A = arith.constant 2 : i32
    %mul3A_0 = arith.muli %arg1, %mul3A : i32
    %add3A = arith.addi %mul3A_0, %arg0 : i32
    %mul3A_1 = arith.constant 128 : i32
    %mul3A_2 = arith.muli %add3A, %mul3A_1 : i32
    %run_scoped3A = arith.constant 0 : i32
    "tpu.region"() ({
      %run_scoped3A_72 = tpu.sem_alloc : memref<!tpu.dma_semaphore, #tpu.memory_space<semaphore_mem>>
      %dma_start3A_73 = arith.constant 0 : i32
      %dma_start3A_74 = tpu.memref_slice %arg2[%run_scoped3A, %dma_start3A_73] : memref<4x4096xi32, #tpu.memory_space<hbm>> -> memref<1x4096xi32, #tpu.memory_space<hbm>>
      %dma_start3A_75 = tpu.memref_squeeze %dma_start3A_74 : memref<1x4096xi32, #tpu.memory_space<hbm>> -> memref<4096xi32, #tpu.memory_space<hbm>>
      %dma_start3A_76 = tpu.memref_slice %dma_start3A_75[%mul3A_2] : memref<4096xi32, #tpu.memory_space<hbm>> -> memref<128xi32, #tpu.memory_space<hbm>>
      %dma_start3A_77 = arith.constant 0 : i32
      %dma_start3A_78 = tpu.memref_slice %arg2[%run_scoped3A, %dma_start3A_77] : memref<4x4096xi32, #tpu.memory_space<hbm>> -> memref<1x4096xi32, #tpu.memory_space<hbm>>
      %dma_start3A_79 = tpu.memref_squeeze %dma_start3A_78 : memref<1x4096xi32, #tpu.memory_space<hbm>> -> memref<4096xi32, #tpu.memory_space<hbm>>
      %dma_start3A_80 = tpu.memref_slice %dma_start3A_79[%mul3A_2] : memref<4096xi32, #tpu.memory_space<hbm>> -> memref<128xi32, #tpu.memory_space<hbm>>
      tpu.enqueue_dma source(%dma_start3A_80 : memref<128xi32, #tpu.memory_space<hbm>>) target(%arg5 : memref<128xi32, #tpu.memory_space<vmem>>) target_semaphore(%run_scoped3A_72 : memref<!tpu.dma_semaphore, #tpu.memory_space<semaphore_mem>>)
      %dma_wait3A_81 = arith.constant 0 : i32
      %dma_wait3A_82 = tpu.memref_slice %arg2[%run_scoped3A, %dma_wait3A_81] : memref<4x4096xi32, #tpu.memory_space<hbm>> -> memref<1x4096xi32, #tpu.memory_space<hbm>>
      %dma_wait3A_83 = tpu.memref_squeeze %dma_wait3A_82 : memref<1x4096xi32, #tpu.memory_space<hbm>> -> memref<4096xi32, #tpu.memory_space<hbm>>
      %dma_wait3A_84 = tpu.memref_slice %dma_wait3A_83[%mul3A_2] : memref<4096xi32, #tpu.memory_space<hbm>> -> memref<128xi32, #tpu.memory_space<hbm>>
      %dma_wait3A_85 = arith.constant 0 : i32
      %dma_wait3A_86 = tpu.memref_slice %arg2[%run_scoped3A, %dma_wait3A_85] : memref<4x4096xi32, #tpu.memory_space<hbm>> -> memref<1x4096xi32, #tpu.memory_space<hbm>>
      %dma_wait3A_87 = tpu.memref_squeeze %dma_wait3A_86 : memref<1x4096xi32, #tpu.memory_space<hbm>> -> memref<4096xi32, #tpu.memory_space<hbm>>
      %dma_wait3A_88 = tpu.memref_slice %dma_wait3A_87[%mul3A_2] : memref<4096xi32, #tpu.memory_space<hbm>> -> memref<128xi32, #tpu.memory_space<hbm>>
      tpu.wait_dma2 semaphore(%run_scoped3A_72 : memref<!tpu.dma_semaphore, #tpu.memory_space<semaphore_mem>>) src(%dma_wait3A_88 : memref<128xi32, #tpu.memory_space<hbm>>) dst(%arg5 : memref<128xi32, #tpu.memory_space<vmem>>)
      tpu.yield
    }) : () -> ()
    %run_scoped3A_3 = arith.constant 0 : i32
    "tpu.region"() ({
      %run_scoped3A_72 = tpu.sem_alloc : memref<!tpu.dma_semaphore, #tpu.memory_space<semaphore_mem>>
      %dma_start3A_73 = arith.constant 0 : i32
      %dma_start3A_74 = arith.constant 0 : i32
      %dma_start3A_75 = tpu.memref_slice %arg3[%run_scoped3A_3, %dma_start3A_73, %dma_start3A_74] : memref<4x4096x256xf32, #tpu.memory_space<hbm>> -> memref<1x4096x256xf32, #tpu.memory_space<hbm>>
      %dma_start3A_76 = tpu.memref_squeeze %dma_start3A_75 : memref<1x4096x256xf32, #tpu.memory_space<hbm>> -> memref<4096x256xf32, #tpu.memory_space<hbm>>
      %dma_start3A_77 = arith.constant 0 : i32
      %dma_start3A_78 = tpu.memref_slice %dma_start3A_76[%mul3A_2, %dma_start3A_77] : memref<4096x256xf32, #tpu.memory_space<hbm>> -> memref<128x256xf32, #tpu.memory_space<hbm>>
      %dma_start3A_79 = arith.constant 0 : i32
      %dma_start3A_80 = arith.constant 0 : i32
      %dma_start3A_81 = tpu.memref_slice %arg3[%run_scoped3A_3, %dma_start3A_79, %dma_start3A_80] : memref<4x4096x256xf32, #tpu.memory_space<hbm>> -> memref<1x4096x256xf32, #tpu.memory_space<hbm>>
      %dma_start3A_82 = tpu.memref_squeeze %dma_start3A_81 : memref<1x4096x256xf32, #tpu.memory_space<hbm>> -> memref<4096x256xf32, #tpu.memory_space<hbm>>
      %dma_start3A_83 = arith.constant 0 : i32
      %dma_start3A_84 = tpu.memref_slice %dma_start3A_82[%mul3A_2, %dma_start3A_83] : memref<4096x256xf32, #tpu.memory_space<hbm>> -> memref<128x256xf32, #tpu.memory_space<hbm>>
      tpu.enqueue_dma source(%dma_start3A_84 : memref<128x256xf32, #tpu.memory_space<hbm>>) target(%arg6 : memref<128x256xf32, #tpu.memory_space<vmem>>) target_semaphore(%run_scoped3A_72 : memref<!tpu.dma_semaphore, #tpu.memory_space<semaphore_mem>>)
      %dma_wait3A_85 = arith.constant 0 : i32
      %dma_wait3A_86 = arith.constant 0 : i32
      %dma_wait3A_87 = tpu.memref_slice %arg3[%run_scoped3A_3, %dma_wait3A_85, %dma_wait3A_86] : memref<4x4096x256xf32, #tpu.memory_space<hbm>> -> memref<1x4096x256xf32, #tpu.memory_space<hbm>>
      %dma_wait3A_88 = tpu.memref_squeeze %dma_wait3A_87 : memref<1x4096x256xf32, #tpu.memory_space<hbm>> -> memref<4096x256xf32, #tpu.memory_space<hbm>>
      %dma_wait3A_89 = arith.constant 0 : i32
      %dma_wait3A_90 = tpu.memref_slice %dma_wait3A_88[%mul3A_2, %dma_wait3A_89] : memref<4096x256xf32, #tpu.memory_space<hbm>> -> memref<128x256xf32, #tpu.memory_space<hbm>>
      %dma_wait3A_91 = arith.constant 0 : i32
      %dma_wait3A_92 = arith.constant 0 : i32
      %dma_wait3A_93 = tpu.memref_slice %arg3[%run_scoped3A_3, %dma_wait3A_91, %dma_wait3A_92] : memref<4x4096x256xf32, #tpu.memory_space<hbm>> -> memref<1x4096x256xf32, #tpu.memory_space<hbm>>
      %dma_wait3A_94 = tpu.memref_squeeze %dma_wait3A_93 : memref<1x4096x256xf32, #tpu.memory_space<hbm>> -> memref<4096x256xf32, #tpu.memory_space<hbm>>
      %dma_wait3A_95 = arith.constant 0 : i32
      %dma_wait3A_96 = tpu.memref_slice %dma_wait3A_94[%mul3A_2, %dma_wait3A_95] : memref<4096x256xf32, #tpu.memory_space<hbm>> -> memref<128x256xf32, #tpu.memory_space<hbm>>
      tpu.wait_dma2 semaphore(%run_scoped3A_72 : memref<!tpu.dma_semaphore, #tpu.memory_space<semaphore_mem>>) src(%dma_wait3A_96 : memref<128x256xf32, #tpu.memory_space<hbm>>) dst(%arg6 : memref<128x256xf32, #tpu.memory_space<vmem>>)
      tpu.yield
    }) : () -> ()
    %dma_start3A = arith.constant 0 : i32
    %dma_start3A_4 = arith.constant 0 : i32
    %dma_start3A_5 = arith.constant 0 : i32
    %dma_start3A_6 = tpu.memref_slice %arg4[%dma_start3A, %dma_start3A_4, %dma_start3A_5] : memref<4x4096x256xf32, #tpu.memory_space<hbm>> -> memref<1x4096x256xf32, #tpu.memory_space<hbm>>
    %dma_start3A_7 = tpu.memref_squeeze %dma_start3A_6 : memref<1x4096x256xf32, #tpu.memory_space<hbm>> -> memref<4096x256xf32, #tpu.memory_space<hbm>>
    %dma_start3A_8 = arith.constant 0 : i32
    %dma_start3A_9 = arith.constant 0 : i32
    %dma_start3A_10 = tpu.memref_slice %dma_start3A_7[%dma_start3A_8, %dma_start3A_9] : memref<4096x256xf32, #tpu.memory_space<hbm>> -> memref<4096x256xf32, #tpu.memory_space<hbm>>
    tpu.enqueue_indirect_dma source(%arg6 : memref<128x256xf32, #tpu.memory_space<vmem>>) target(%dma_start3A_10 : memref<4096x256xf32, #tpu.memory_space<hbm>>) offsets(%arg5 : memref<128xi32, #tpu.memory_space<vmem>>) semaphore(%arg7 : memref<!tpu.dma_semaphore, #tpu.memory_space<semaphore_mem>>)
    %dma_wait3A = arith.constant 0 : i32
    %dma_wait3A_11 = arith.constant 0 : i32
    %dma_wait3A_12 = arith.constant 0 : i32
    %dma_wait3A_13 = tpu.memref_slice %arg4[%dma_wait3A, %dma_wait3A_11, %dma_wait3A_12] : memref<4x4096x256xf32, #tpu.memory_space<hbm>> -> memref<1x4096x256xf32, #tpu.memory_space<hbm>>
    %dma_wait3A_14 = tpu.memref_squeeze %dma_wait3A_13 : memref<1x4096x256xf32, #tpu.memory_space<hbm>> -> memref<4096x256xf32, #tpu.memory_space<hbm>>
    %dma_wait3A_15 = arith.constant 0 : i32
    %dma_wait3A_16 = arith.constant 0 : i32
    %dma_wait3A_17 = tpu.memref_slice %dma_wait3A_14[%dma_wait3A_15, %dma_wait3A_16] : memref<4096x256xf32, #tpu.memory_space<hbm>> -> memref<4096x256xf32, #tpu.memory_space<hbm>>
    tpu.wait_indirect_dma semaphore(%arg7 : memref<!tpu.dma_semaphore, #tpu.memory_space<semaphore_mem>>) src(%arg6 : memref<128x256xf32, #tpu.memory_space<vmem>>) dst(%dma_wait3A_17 : memref<4096x256xf32, #tpu.memory_space<hbm>>)
    %run_scoped3A_18 = arith.constant 1 : i32
    "tpu.region"() ({
      %run_scoped3A_72 = tpu.sem_alloc : memref<!tpu.dma_semaphore, #tpu.memory_space<semaphore_mem>>
      %dma_start3A_73 = arith.constant 0 : i32
      %dma_start3A_74 = tpu.memref_slice %arg2[%run_scoped3A_18, %dma_start3A_73] : memref<4x4096xi32, #tpu.memory_space<hbm>> -> memref<1x4096xi32, #tpu.memory_space<hbm>>
      %dma_start3A_75 = tpu.memref_squeeze %dma_start3A_74 : memref<1x4096xi32, #tpu.memory_space<hbm>> -> memref<4096xi32, #tpu.memory_space<hbm>>
      %dma_start3A_76 = tpu.memref_slice %dma_start3A_75[%mul3A_2] : memref<4096xi32, #tpu.memory_space<hbm>> -> memref<128xi32, #tpu.memory_space<hbm>>
      %dma_start3A_77 = arith.constant 0 : i32
      %dma_start3A_78 = tpu.memref_slice %arg2[%run_scoped3A_18, %dma_start3A_77] : memref<4x4096xi32, #tpu.memory_space<hbm>> -> memref<1x4096xi32, #tpu.memory_space<hbm>>
      %dma_start3A_79 = tpu.memref_squeeze %dma_start3A_78 : memref<1x4096xi32, #tpu.memory_space<hbm>> -> memref<4096xi32, #tpu.memory_space<hbm>>
      %dma_start3A_80 = tpu.memref_slice %dma_start3A_79[%mul3A_2] : memref<4096xi32, #tpu.memory_space<hbm>> -> memref<128xi32, #tpu.memory_space<hbm>>
      tpu.enqueue_dma source(%dma_start3A_80 : memref<128xi32, #tpu.memory_space<hbm>>) target(%arg5 : memref<128xi32, #tpu.memory_space<vmem>>) target_semaphore(%run_scoped3A_72 : memref<!tpu.dma_semaphore, #tpu.memory_space<semaphore_mem>>)
      %dma_wait3A_81 = arith.constant 0 : i32
      %dma_wait3A_82 = tpu.memref_slice %arg2[%run_scoped3A_18, %dma_wait3A_81] : memref<4x4096xi32, #tpu.memory_space<hbm>> -> memref<1x4096xi32, #tpu.memory_space<hbm>>
      %dma_wait3A_83 = tpu.memref_squeeze %dma_wait3A_82 : memref<1x4096xi32, #tpu.memory_space<hbm>> -> memref<4096xi32, #tpu.memory_space<hbm>>
      %dma_wait3A_84 = tpu.memref_slice %dma_wait3A_83[%mul3A_2] : memref<4096xi32, #tpu.memory_space<hbm>> -> memref<128xi32, #tpu.memory_space<hbm>>
      %dma_wait3A_85 = arith.constant 0 : i32
      %dma_wait3A_86 = tpu.memref_slice %arg2[%run_scoped3A_18, %dma_wait3A_85] : memref<4x4096xi32, #tpu.memory_space<hbm>> -> memref<1x4096xi32, #tpu.memory_space<hbm>>
      %dma_wait3A_87 = tpu.memref_squeeze %dma_wait3A_86 : memref<1x4096xi32, #tpu.memory_space<hbm>> -> memref<4096xi32, #tpu.memory_space<hbm>>
      %dma_wait3A_88 = tpu.memref_slice %dma_wait3A_87[%mul3A_2] : memref<4096xi32, #tpu.memory_space<hbm>> -> memref<128xi32, #tpu.memory_space<hbm>>
      tpu.wait_dma2 semaphore(%run_scoped3A_72 : memref<!tpu.dma_semaphore, #tpu.memory_space<semaphore_mem>>) src(%dma_wait3A_88 : memref<128xi32, #tpu.memory_space<hbm>>) dst(%arg5 : memref<128xi32, #tpu.memory_space<vmem>>)
      tpu.yield
    }) : () -> ()
    %run_scoped3A_19 = arith.constant 1 : i32
    "tpu.region"() ({
      %run_scoped3A_72 = tpu.sem_alloc : memref<!tpu.dma_semaphore, #tpu.memory_space<semaphore_mem>>
      %dma_start3A_73 = arith.constant 0 : i32
      %dma_start3A_74 = arith.constant 0 : i32
      %dma_start3A_75 = tpu.memref_slice %arg3[%run_scoped3A_19, %dma_start3A_73, %dma_start3A_74] : memref<4x4096x256xf32, #tpu.memory_space<hbm>> -> memref<1x4096x256xf32, #tpu.memory_space<hbm>>
      %dma_start3A_76 = tpu.memref_squeeze %dma_start3A_75 : memref<1x4096x256xf32, #tpu.memory_space<hbm>> -> memref<4096x256xf32, #tpu.memory_space<hbm>>
      %dma_start3A_77 = arith.constant 0 : i32
      %dma_start3A_78 = tpu.memref_slice %dma_start3A_76[%mul3A_2, %dma_start3A_77] : memref<4096x256xf32, #tpu.memory_space<hbm>> -> memref<128x256xf32, #tpu.memory_space<hbm>>
      %dma_start3A_79 = arith.constant 0 : i32
      %dma_start3A_80 = arith.constant 0 : i32
      %dma_start3A_81 = tpu.memref_slice %arg3[%run_scoped3A_19, %dma_start3A_79, %dma_start3A_80] : memref<4x4096x256xf32, #tpu.memory_space<hbm>> -> memref<1x4096x256xf32, #tpu.memory_space<hbm>>
      %dma_start3A_82 = tpu.memref_squeeze %dma_start3A_81 : memref<1x4096x256xf32, #tpu.memory_space<hbm>> -> memref<4096x256xf32, #tpu.memory_space<hbm>>
      %dma_start3A_83 = arith.constant 0 : i32
      %dma_start3A_84 = tpu.memref_slice %dma_start3A_82[%mul3A_2, %dma_start3A_83] : memref<4096x256xf32, #tpu.memory_space<hbm>> -> memref<128x256xf32, #tpu.memory_space<hbm>>
      tpu.enqueue_dma source(%dma_start3A_84 : memref<128x256xf32, #tpu.memory_space<hbm>>) target(%arg6 : memref<128x256xf32, #tpu.memory_space<vmem>>) target_semaphore(%run_scoped3A_72 : memref<!tpu.dma_semaphore, #tpu.memory_space<semaphore_mem>>)
      %dma_wait3A_85 = arith.constant 0 : i32
      %dma_wait3A_86 = arith.constant 0 : i32
      %dma_wait3A_87 = tpu.memref_slice %arg3[%run_scoped3A_19, %dma_wait3A_85, %dma_wait3A_86] : memref<4x4096x256xf32, #tpu.memory_space<hbm>> -> memref<1x4096x256xf32, #tpu.memory_space<hbm>>
      %dma_wait3A_88 = tpu.memref_squeeze %dma_wait3A_87 : memref<1x4096x256xf32, #tpu.memory_space<hbm>> -> memref<4096x256xf32, #tpu.memory_space<hbm>>
      %dma_wait3A_89 = arith.constant 0 : i32
      %dma_wait3A_90 = tpu.memref_slice %dma_wait3A_88[%mul3A_2, %dma_wait3A_89] : memref<4096x256xf32, #tpu.memory_space<hbm>> -> memref<128x256xf32, #tpu.memory_space<hbm>>
      %dma_wait3A_91 = arith.constant 0 : i32
      %dma_wait3A_92 = arith.constant 0 : i32
      %dma_wait3A_93 = tpu.memref_slice %arg3[%run_scoped3A_19, %dma_wait3A_91, %dma_wait3A_92] : memref<4x4096x256xf32, #tpu.memory_space<hbm>> -> memref<1x4096x256xf32, #tpu.memory_space<hbm>>
      %dma_wait3A_94 = tpu.memref_squeeze %dma_wait3A_93 : memref<1x4096x256xf32, #tpu.memory_space<hbm>> -> memref<4096x256xf32, #tpu.memory_space<hbm>>
      %dma_wait3A_95 = arith.constant 0 : i32
      %dma_wait3A_96 = tpu.memref_slice %dma_wait3A_94[%mul3A_2, %dma_wait3A_95] : memref<4096x256xf32, #tpu.memory_space<hbm>> -> memref<128x256xf32, #tpu.memory_space<hbm>>
      tpu.wait_dma2 semaphore(%run_scoped3A_72 : memref<!tpu.dma_semaphore, #tpu.memory_space<semaphore_mem>>) src(%dma_wait3A_96 : memref<128x256xf32, #tpu.memory_space<hbm>>) dst(%arg6 : memref<128x256xf32, #tpu.memory_space<vmem>>)
      tpu.yield
    }) : () -> ()
    %dma_start3A_20 = arith.constant 1 : i32
    %dma_start3A_21 = arith.constant 0 : i32
    %dma_start3A_22 = arith.constant 0 : i32
    %dma_start3A_23 = tpu.memref_slice %arg4[%dma_start3A_20, %dma_start3A_21, %dma_start3A_22] : memref<4x4096x256xf32, #tpu.memory_space<hbm>> -> memref<1x4096x256xf32, #tpu.memory_space<hbm>>
    %dma_start3A_24 = tpu.memref_squeeze %dma_start3A_23 : memref<1x4096x256xf32, #tpu.memory_space<hbm>> -> memref<4096x256xf32, #tpu.memory_space<hbm>>
    %dma_start3A_25 = arith.constant 0 : i32
    %dma_start3A_26 = arith.constant 0 : i32
    %dma_start3A_27 = tpu.memref_slice %dma_start3A_24[%dma_start3A_25, %dma_start3A_26] : memref<4096x256xf32, #tpu.memory_space<hbm>> -> memref<4096x256xf32, #tpu.memory_space<hbm>>
    tpu.enqueue_indirect_dma source(%arg6 : memref<128x256xf32, #tpu.memory_space<vmem>>) target(%dma_start3A_27 : memref<4096x256xf32, #tpu.memory_space<hbm>>) offsets(%arg5 : memref<128xi32, #tpu.memory_space<vmem>>) semaphore(%arg7 : memref<!tpu.dma_semaphore, #tpu.memory_space<semaphore_mem>>)
    %dma_wait3A_28 = arith.constant 1 : i32
    %dma_wait3A_29 = arith.constant 0 : i32
    %dma_wait3A_30 = arith.constant 0 : i32
    %dma_wait3A_31 = tpu.memref_slice %arg4[%dma_wait3A_28, %dma_wait3A_29, %dma_wait3A_30] : memref<4x4096x256xf32, #tpu.memory_space<hbm>> -> memref<1x4096x256xf32, #tpu.memory_space<hbm>>
    %dma_wait3A_32 = tpu.memref_squeeze %dma_wait3A_31 : memref<1x4096x256xf32, #tpu.memory_space<hbm>> -> memref<4096x256xf32, #tpu.memory_space<hbm>>
    %dma_wait3A_33 = arith.constant 0 : i32
    %dma_wait3A_34 = arith.constant 0 : i32
    %dma_wait3A_35 = tpu.memref_slice %dma_wait3A_32[%dma_wait3A_33, %dma_wait3A_34] : memref<4096x256xf32, #tpu.memory_space<hbm>> -> memref<4096x256xf32, #tpu.memory_space<hbm>>
    tpu.wait_indirect_dma semaphore(%arg7 : memref<!tpu.dma_semaphore, #tpu.memory_space<semaphore_mem>>) src(%arg6 : memref<128x256xf32, #tpu.memory_space<vmem>>) dst(%dma_wait3A_35 : memref<4096x256xf32, #tpu.memory_space<hbm>>)
    %run_scoped3A_36 = arith.constant 2 : i32
    "tpu.region"() ({
      %run_scoped3A_72 = tpu.sem_alloc : memref<!tpu.dma_semaphore, #tpu.memory_space<semaphore_mem>>
      %dma_start3A_73 = arith.constant 0 : i32
      %dma_start3A_74 = tpu.memref_slice %arg2[%run_scoped3A_36, %dma_start3A_73] : memref<4x4096xi32, #tpu.memory_space<hbm>> -> memref<1x4096xi32, #tpu.memory_space<hbm>>
      %dma_start3A_75 = tpu.memref_squeeze %dma_start3A_74 : memref<1x4096xi32, #tpu.memory_space<hbm>> -> memref<4096xi32, #tpu.memory_space<hbm>>
      %dma_start3A_76 = tpu.memref_slice %dma_start3A_75[%mul3A_2] : memref<4096xi32, #tpu.memory_space<hbm>> -> memref<128xi32, #tpu.memory_space<hbm>>
      %dma_start3A_77 = arith.constant 0 : i32
      %dma_start3A_78 = tpu.memref_slice %arg2[%run_scoped3A_36, %dma_start3A_77] : memref<4x4096xi32, #tpu.memory_space<hbm>> -> memref<1x4096xi32, #tpu.memory_space<hbm>>
      %dma_start3A_79 = tpu.memref_squeeze %dma_start3A_78 : memref<1x4096xi32, #tpu.memory_space<hbm>> -> memref<4096xi32, #tpu.memory_space<hbm>>
      %dma_start3A_80 = tpu.memref_slice %dma_start3A_79[%mul3A_2] : memref<4096xi32, #tpu.memory_space<hbm>> -> memref<128xi32, #tpu.memory_space<hbm>>
      tpu.enqueue_dma source(%dma_start3A_80 : memref<128xi32, #tpu.memory_space<hbm>>) target(%arg5 : memref<128xi32, #tpu.memory_space<vmem>>) target_semaphore(%run_scoped3A_72 : memref<!tpu.dma_semaphore, #tpu.memory_space<semaphore_mem>>)
      %dma_wait3A_81 = arith.constant 0 : i32
      %dma_wait3A_82 = tpu.memref_slice %arg2[%run_scoped3A_36, %dma_wait3A_81] : memref<4x4096xi32, #tpu.memory_space<hbm>> -> memref<1x4096xi32, #tpu.memory_space<hbm>>
      %dma_wait3A_83 = tpu.memref_squeeze %dma_wait3A_82 : memref<1x4096xi32, #tpu.memory_space<hbm>> -> memref<4096xi32, #tpu.memory_space<hbm>>
      %dma_wait3A_84 = tpu.memref_slice %dma_wait3A_83[%mul3A_2] : memref<4096xi32, #tpu.memory_space<hbm>> -> memref<128xi32, #tpu.memory_space<hbm>>
      %dma_wait3A_85 = arith.constant 0 : i32
      %dma_wait3A_86 = tpu.memref_slice %arg2[%run_scoped3A_36, %dma_wait3A_85] : memref<4x4096xi32, #tpu.memory_space<hbm>> -> memref<1x4096xi32, #tpu.memory_space<hbm>>
      %dma_wait3A_87 = tpu.memref_squeeze %dma_wait3A_86 : memref<1x4096xi32, #tpu.memory_space<hbm>> -> memref<4096xi32, #tpu.memory_space<hbm>>
      %dma_wait3A_88 = tpu.memref_slice %dma_wait3A_87[%mul3A_2] : memref<4096xi32, #tpu.memory_space<hbm>> -> memref<128xi32, #tpu.memory_space<hbm>>
      tpu.wait_dma2 semaphore(%run_scoped3A_72 : memref<!tpu.dma_semaphore, #tpu.memory_space<semaphore_mem>>) src(%dma_wait3A_88 : memref<128xi32, #tpu.memory_space<hbm>>) dst(%arg5 : memref<128xi32, #tpu.memory_space<vmem>>)
      tpu.yield
    }) : () -> ()
    %run_scoped3A_37 = arith.constant 2 : i32
    "tpu.region"() ({
      %run_scoped3A_72 = tpu.sem_alloc : memref<!tpu.dma_semaphore, #tpu.memory_space<semaphore_mem>>
      %dma_start3A_73 = arith.constant 0 : i32
      %dma_start3A_74 = arith.constant 0 : i32
      %dma_start3A_75 = tpu.memref_slice %arg3[%run_scoped3A_37, %dma_start3A_73, %dma_start3A_74] : memref<4x4096x256xf32, #tpu.memory_space<hbm>> -> memref<1x4096x256xf32, #tpu.memory_space<hbm>>
      %dma_start3A_76 = tpu.memref_squeeze %dma_start3A_75 : memref<1x4096x256xf32, #tpu.memory_space<hbm>> -> memref<4096x256xf32, #tpu.memory_space<hbm>>
      %dma_start3A_77 = arith.constant 0 : i32
      %dma_start3A_78 = tpu.memref_slice %dma_start3A_76[%mul3A_2, %dma_start3A_77] : memref<4096x256xf32, #tpu.memory_space<hbm>> -> memref<128x256xf32, #tpu.memory_space<hbm>>
      %dma_start3A_79 = arith.constant 0 : i32
      %dma_start3A_80 = arith.constant 0 : i32
      %dma_start3A_81 = tpu.memref_slice %arg3[%run_scoped3A_37, %dma_start3A_79, %dma_start3A_80] : memref<4x4096x256xf32, #tpu.memory_space<hbm>> -> memref<1x4096x256xf32, #tpu.memory_space<hbm>>
      %dma_start3A_82 = tpu.memref_squeeze %dma_start3A_81 : memref<1x4096x256xf32, #tpu.memory_space<hbm>> -> memref<4096x256xf32, #tpu.memory_space<hbm>>
      %dma_start3A_83 = arith.constant 0 : i32
      %dma_start3A_84 = tpu.memref_slice %dma_start3A_82[%mul3A_2, %dma_start3A_83] : memref<4096x256xf32, #tpu.memory_space<hbm>> -> memref<128x256xf32, #tpu.memory_space<hbm>>
      tpu.enqueue_dma source(%dma_start3A_84 : memref<128x256xf32, #tpu.memory_space<hbm>>) target(%arg6 : memref<128x256xf32, #tpu.memory_space<vmem>>) target_semaphore(%run_scoped3A_72 : memref<!tpu.dma_semaphore, #tpu.memory_space<semaphore_mem>>)
      %dma_wait3A_85 = arith.constant 0 : i32
      %dma_wait3A_86 = arith.constant 0 : i32
      %dma_wait3A_87 = tpu.memref_slice %arg3[%run_scoped3A_37, %dma_wait3A_85, %dma_wait3A_86] : memref<4x4096x256xf32, #tpu.memory_space<hbm>> -> memref<1x4096x256xf32, #tpu.memory_space<hbm>>
      %dma_wait3A_88 = tpu.memref_squeeze %dma_wait3A_87 : memref<1x4096x256xf32, #tpu.memory_space<hbm>> -> memref<4096x256xf32, #tpu.memory_space<hbm>>
      %dma_wait3A_89 = arith.constant 0 : i32
      %dma_wait3A_90 = tpu.memref_slice %dma_wait3A_88[%mul3A_2, %dma_wait3A_89] : memref<4096x256xf32, #tpu.memory_space<hbm>> -> memref<128x256xf32, #tpu.memory_space<hbm>>
      %dma_wait3A_91 = arith.constant 0 : i32
      %dma_wait3A_92 = arith.constant 0 : i32
      %dma_wait3A_93 = tpu.memref_slice %arg3[%run_scoped3A_37, %dma_wait3A_91, %dma_wait3A_92] : memref<4x4096x256xf32, #tpu.memory_space<hbm>> -> memref<1x4096x256xf32, #tpu.memory_space<hbm>>
      %dma_wait3A_94 = tpu.memref_squeeze %dma_wait3A_93 : memref<1x4096x256xf32, #tpu.memory_space<hbm>> -> memref<4096x256xf32, #tpu.memory_space<hbm>>
      %dma_wait3A_95 = arith.constant 0 : i32
      %dma_wait3A_96 = tpu.memref_slice %dma_wait3A_94[%mul3A_2, %dma_wait3A_95] : memref<4096x256xf32, #tpu.memory_space<hbm>> -> memref<128x256xf32, #tpu.memory_space<hbm>>
      tpu.wait_dma2 semaphore(%run_scoped3A_72 : memref<!tpu.dma_semaphore, #tpu.memory_space<semaphore_mem>>) src(%dma_wait3A_96 : memref<128x256xf32, #tpu.memory_space<hbm>>) dst(%arg6 : memref<128x256xf32, #tpu.memory_space<vmem>>)
      tpu.yield
    }) : () -> ()
    %dma_start3A_38 = arith.constant 2 : i32
    %dma_start3A_39 = arith.constant 0 : i32
    %dma_start3A_40 = arith.constant 0 : i32
    %dma_start3A_41 = tpu.memref_slice %arg4[%dma_start3A_38, %dma_start3A_39, %dma_start3A_40] : memref<4x4096x256xf32, #tpu.memory_space<hbm>> -> memref<1x4096x256xf32, #tpu.memory_space<hbm>>
    %dma_start3A_42 = tpu.memref_squeeze %dma_start3A_41 : memref<1x4096x256xf32, #tpu.memory_space<hbm>> -> memref<4096x256xf32, #tpu.memory_space<hbm>>
    %dma_start3A_43 = arith.constant 0 : i32
    %dma_start3A_44 = arith.constant 0 : i32
    %dma_start3A_45 = tpu.memref_slice %dma_start3A_42[%dma_start3A_43, %dma_start3A_44] : memref<4096x256xf32, #tpu.memory_space<hbm>> -> memref<4096x256xf32, #tpu.memory_space<hbm>>
    tpu.enqueue_indirect_dma source(%arg6 : memref<128x256xf32, #tpu.memory_space<vmem>>) target(%dma_start3A_45 : memref<4096x256xf32, #tpu.memory_space<hbm>>) offsets(%arg5 : memref<128xi32, #tpu.memory_space<vmem>>) semaphore(%arg7 : memref<!tpu.dma_semaphore, #tpu.memory_space<semaphore_mem>>)
    %dma_wait3A_46 = arith.constant 2 : i32
    %dma_wait3A_47 = arith.constant 0 : i32
    %dma_wait3A_48 = arith.constant 0 : i32
    %dma_wait3A_49 = tpu.memref_slice %arg4[%dma_wait3A_46, %dma_wait3A_47, %dma_wait3A_48] : memref<4x4096x256xf32, #tpu.memory_space<hbm>> -> memref<1x4096x256xf32, #tpu.memory_space<hbm>>
    %dma_wait3A_50 = tpu.memref_squeeze %dma_wait3A_49 : memref<1x4096x256xf32, #tpu.memory_space<hbm>> -> memref<4096x256xf32, #tpu.memory_space<hbm>>
    %dma_wait3A_51 = arith.constant 0 : i32
    %dma_wait3A_52 = arith.constant 0 : i32
    %dma_wait3A_53 = tpu.memref_slice %dma_wait3A_50[%dma_wait3A_51, %dma_wait3A_52] : memref<4096x256xf32, #tpu.memory_space<hbm>> -> memref<4096x256xf32, #tpu.memory_space<hbm>>
    tpu.wait_indirect_dma semaphore(%arg7 : memref<!tpu.dma_semaphore, #tpu.memory_space<semaphore_mem>>) src(%arg6 : memref<128x256xf32, #tpu.memory_space<vmem>>) dst(%dma_wait3A_53 : memref<4096x256xf32, #tpu.memory_space<hbm>>)
    %run_scoped3A_54 = arith.constant 3 : i32
    "tpu.region"() ({
      %run_scoped3A_72 = tpu.sem_alloc : memref<!tpu.dma_semaphore, #tpu.memory_space<semaphore_mem>>
      %dma_start3A_73 = arith.constant 0 : i32
      %dma_start3A_74 = tpu.memref_slice %arg2[%run_scoped3A_54, %dma_start3A_73] : memref<4x4096xi32, #tpu.memory_space<hbm>> -> memref<1x4096xi32, #tpu.memory_space<hbm>>
      %dma_start3A_75 = tpu.memref_squeeze %dma_start3A_74 : memref<1x4096xi32, #tpu.memory_space<hbm>> -> memref<4096xi32, #tpu.memory_space<hbm>>
      %dma_start3A_76 = tpu.memref_slice %dma_start3A_75[%mul3A_2] : memref<4096xi32, #tpu.memory_space<hbm>> -> memref<128xi32, #tpu.memory_space<hbm>>
      %dma_start3A_77 = arith.constant 0 : i32
      %dma_start3A_78 = tpu.memref_slice %arg2[%run_scoped3A_54, %dma_start3A_77] : memref<4x4096xi32, #tpu.memory_space<hbm>> -> memref<1x4096xi32, #tpu.memory_space<hbm>>
      %dma_start3A_79 = tpu.memref_squeeze %dma_start3A_78 : memref<1x4096xi32, #tpu.memory_space<hbm>> -> memref<4096xi32, #tpu.memory_space<hbm>>
      %dma_start3A_80 = tpu.memref_slice %dma_start3A_79[%mul3A_2] : memref<4096xi32, #tpu.memory_space<hbm>> -> memref<128xi32, #tpu.memory_space<hbm>>
      tpu.enqueue_dma source(%dma_start3A_80 : memref<128xi32, #tpu.memory_space<hbm>>) target(%arg5 : memref<128xi32, #tpu.memory_space<vmem>>) target_semaphore(%run_scoped3A_72 : memref<!tpu.dma_semaphore, #tpu.memory_space<semaphore_mem>>)
      %dma_wait3A_81 = arith.constant 0 : i32
      %dma_wait3A_82 = tpu.memref_slice %arg2[%run_scoped3A_54, %dma_wait3A_81] : memref<4x4096xi32, #tpu.memory_space<hbm>> -> memref<1x4096xi32, #tpu.memory_space<hbm>>
      %dma_wait3A_83 = tpu.memref_squeeze %dma_wait3A_82 : memref<1x4096xi32, #tpu.memory_space<hbm>> -> memref<4096xi32, #tpu.memory_space<hbm>>
      %dma_wait3A_84 = tpu.memref_slice %dma_wait3A_83[%mul3A_2] : memref<4096xi32, #tpu.memory_space<hbm>> -> memref<128xi32, #tpu.memory_space<hbm>>
      %dma_wait3A_85 = arith.constant 0 : i32
      %dma_wait3A_86 = tpu.memref_slice %arg2[%run_scoped3A_54, %dma_wait3A_85] : memref<4x4096xi32, #tpu.memory_space<hbm>> -> memref<1x4096xi32, #tpu.memory_space<hbm>>
      %dma_wait3A_87 = tpu.memref_squeeze %dma_wait3A_86 : memref<1x4096xi32, #tpu.memory_space<hbm>> -> memref<4096xi32, #tpu.memory_space<hbm>>
      %dma_wait3A_88 = tpu.memref_slice %dma_wait3A_87[%mul3A_2] : memref<4096xi32, #tpu.memory_space<hbm>> -> memref<128xi32, #tpu.memory_space<hbm>>
      tpu.wait_dma2 semaphore(%run_scoped3A_72 : memref<!tpu.dma_semaphore, #tpu.memory_space<semaphore_mem>>) src(%dma_wait3A_88 : memref<128xi32, #tpu.memory_space<hbm>>) dst(%arg5 : memref<128xi32, #tpu.memory_space<vmem>>)
      tpu.yield
    }) : () -> ()
    %run_scoped3A_55 = arith.constant 3 : i32
    "tpu.region"() ({
      %run_scoped3A_72 = tpu.sem_alloc : memref<!tpu.dma_semaphore, #tpu.memory_space<semaphore_mem>>
      %dma_start3A_73 = arith.constant 0 : i32
      %dma_start3A_74 = arith.constant 0 : i32
      %dma_start3A_75 = tpu.memref_slice %arg3[%run_scoped3A_55, %dma_start3A_73, %dma_start3A_74] : memref<4x4096x256xf32, #tpu.memory_space<hbm>> -> memref<1x4096x256xf32, #tpu.memory_space<hbm>>
      %dma_start3A_76 = tpu.memref_squeeze %dma_start3A_75 : memref<1x4096x256xf32, #tpu.memory_space<hbm>> -> memref<4096x256xf32, #tpu.memory_space<hbm>>
      %dma_start3A_77 = arith.constant 0 : i32
      %dma_start3A_78 = tpu.memref_slice %dma_start3A_76[%mul3A_2, %dma_start3A_77] : memref<4096x256xf32, #tpu.memory_space<hbm>> -> memref<128x256xf32, #tpu.memory_space<hbm>>
      %dma_start3A_79 = arith.constant 0 : i32
      %dma_start3A_80 = arith.constant 0 : i32
      %dma_start3A_81 = tpu.memref_slice %arg3[%run_scoped3A_55, %dma_start3A_79, %dma_start3A_80] : memref<4x4096x256xf32, #tpu.memory_space<hbm>> -> memref<1x4096x256xf32, #tpu.memory_space<hbm>>
      %dma_start3A_82 = tpu.memref_squeeze %dma_start3A_81 : memref<1x4096x256xf32, #tpu.memory_space<hbm>> -> memref<4096x256xf32, #tpu.memory_space<hbm>>
      %dma_start3A_83 = arith.constant 0 : i32
      %dma_start3A_84 = tpu.memref_slice %dma_start3A_82[%mul3A_2, %dma_start3A_83] : memref<4096x256xf32, #tpu.memory_space<hbm>> -> memref<128x256xf32, #tpu.memory_space<hbm>>
      tpu.enqueue_dma source(%dma_start3A_84 : memref<128x256xf32, #tpu.memory_space<hbm>>) target(%arg6 : memref<128x256xf32, #tpu.memory_space<vmem>>) target_semaphore(%run_scoped3A_72 : memref<!tpu.dma_semaphore, #tpu.memory_space<semaphore_mem>>)
      %dma_wait3A_85 = arith.constant 0 : i32
      %dma_wait3A_86 = arith.constant 0 : i32
      %dma_wait3A_87 = tpu.memref_slice %arg3[%run_scoped3A_55, %dma_wait3A_85, %dma_wait3A_86] : memref<4x4096x256xf32, #tpu.memory_space<hbm>> -> memref<1x4096x256xf32, #tpu.memory_space<hbm>>
      %dma_wait3A_88 = tpu.memref_squeeze %dma_wait3A_87 : memref<1x4096x256xf32, #tpu.memory_space<hbm>> -> memref<4096x256xf32, #tpu.memory_space<hbm>>
      %dma_wait3A_89 = arith.constant 0 : i32
      %dma_wait3A_90 = tpu.memref_slice %dma_wait3A_88[%mul3A_2, %dma_wait3A_89] : memref<4096x256xf32, #tpu.memory_space<hbm>> -> memref<128x256xf32, #tpu.memory_space<hbm>>
      %dma_wait3A_91 = arith.constant 0 : i32
      %dma_wait3A_92 = arith.constant 0 : i32
      %dma_wait3A_93 = tpu.memref_slice %arg3[%run_scoped3A_55, %dma_wait3A_91, %dma_wait3A_92] : memref<4x4096x256xf32, #tpu.memory_space<hbm>> -> memref<1x4096x256xf32, #tpu.memory_space<hbm>>
      %dma_wait3A_94 = tpu.memref_squeeze %dma_wait3A_93 : memref<1x4096x256xf32, #tpu.memory_space<hbm>> -> memref<4096x256xf32, #tpu.memory_space<hbm>>
      %dma_wait3A_95 = arith.constant 0 : i32
      %dma_wait3A_96 = tpu.memref_slice %dma_wait3A_94[%mul3A_2, %dma_wait3A_95] : memref<4096x256xf32, #tpu.memory_space<hbm>> -> memref<128x256xf32, #tpu.memory_space<hbm>>
      tpu.wait_dma2 semaphore(%run_scoped3A_72 : memref<!tpu.dma_semaphore, #tpu.memory_space<semaphore_mem>>) src(%dma_wait3A_96 : memref<128x256xf32, #tpu.memory_space<hbm>>) dst(%arg6 : memref<128x256xf32, #tpu.memory_space<vmem>>)
      tpu.yield
    }) : () -> ()
    %dma_start3A_56 = arith.constant 3 : i32
    %dma_start3A_57 = arith.constant 0 : i32
    %dma_start3A_58 = arith.constant 0 : i32
    %dma_start3A_59 = tpu.memref_slice %arg4[%dma_start3A_56, %dma_start3A_57, %dma_start3A_58] : memref<4x4096x256xf32, #tpu.memory_space<hbm>> -> memref<1x4096x256xf32, #tpu.memory_space<hbm>>
    %dma_start3A_60 = tpu.memref_squeeze %dma_start3A_59 : memref<1x4096x256xf32, #tpu.memory_space<hbm>> -> memref<4096x256xf32, #tpu.memory_space<hbm>>
    %dma_start3A_61 = arith.constant 0 : i32
    %dma_start3A_62 = arith.constant 0 : i32
    %dma_start3A_63 = tpu.memref_slice %dma_start3A_60[%dma_start3A_61, %dma_start3A_62] : memref<4096x256xf32, #tpu.memory_space<hbm>> -> memref<4096x256xf32, #tpu.memory_space<hbm>>
    tpu.enqueue_indirect_dma source(%arg6 : memref<128x256xf32, #tpu.memory_space<vmem>>) target(%dma_start3A_63 : memref<4096x256xf32, #tpu.memory_space<hbm>>) offsets(%arg5 : memref<128xi32, #tpu.memory_space<vmem>>) semaphore(%arg7 : memref<!tpu.dma_semaphore, #tpu.memory_space<semaphore_mem>>)
    %dma_wait3A_64 = arith.constant 3 : i32
    %dma_wait3A_65 = arith.constant 0 : i32
    %dma_wait3A_66 = arith.constant 0 : i32
    %dma_wait3A_67 = tpu.memref_slice %arg4[%dma_wait3A_64, %dma_wait3A_65, %dma_wait3A_66] : memref<4x4096x256xf32, #tpu.memory_space<hbm>> -> memref<1x4096x256xf32, #tpu.memory_space<hbm>>
    %dma_wait3A_68 = tpu.memref_squeeze %dma_wait3A_67 : memref<1x4096x256xf32, #tpu.memory_space<hbm>> -> memref<4096x256xf32, #tpu.memory_space<hbm>>
    %dma_wait3A_69 = arith.constant 0 : i32
    %dma_wait3A_70 = arith.constant 0 : i32
    %dma_wait3A_71 = tpu.memref_slice %dma_wait3A_68[%dma_wait3A_69, %dma_wait3A_70] : memref<4096x256xf32, #tpu.memory_space<hbm>> -> memref<4096x256xf32, #tpu.memory_space<hbm>>
    tpu.wait_indirect_dma semaphore(%arg7 : memref<!tpu.dma_semaphore, #tpu.memory_space<semaphore_mem>>) src(%arg6 : memref<128x256xf32, #tpu.memory_space<vmem>>) dst(%dma_wait3A_71 : memref<4096x256xf32, #tpu.memory_space<hbm>>)
    return
  }
}

#map = affine_map<(d0, d1) -> (0, 0)>
#map1 = affine_map<(d0, d1) -> (0, 0, 0)>
module attributes {stable_mosaic.version = 14 : i64} {
  func.func @scatter_a(%arg0: i32, %arg1: i32, %arg2: memref<4x4096xi32, #tpu.memory_space<hbm>>, %arg3: memref<4x4096x128xi32, #tpu.memory_space<hbm>>, %arg4: memref<4x4096x128xf32, #tpu.memory_space<hbm>>, %arg5: memref<4x4096x128xi32, #tpu.memory_space<hbm>>, %arg6: memref<4x4096x128xf32, #tpu.memory_space<hbm>>, %arg7: memref<128xi32, #tpu.memory_space<vmem>>, %arg8: memref<128x128xi32, #tpu.memory_space<vmem>>, %arg9: memref<128x128xf32, #tpu.memory_space<vmem>>, %arg10: memref<!tpu.dma_semaphore, #tpu.memory_space<semaphore_mem>>) attributes {dimension_semantics = [#tpu.dimension_semantics<core_parallel>, #tpu.dimension_semantics<subcore_parallel>], iteration_bounds = array<i64: 2, 16>, scalar_prefetch = 0 : i64, scratch_operands = 4 : i64, tpu.core_type = #tpu.core_type<sc_vector_subcore>, window_params = [{transform_indices = #map}, {transform_indices = #map1}, {transform_indices = #map1}, {transform_indices = #map1}, {transform_indices = #map1}]} {
    %mul3A = arith.constant 2 : i32
    %mul3A_0 = arith.muli %arg1, %mul3A : i32
    %add3A = arith.addi %mul3A_0, %arg0 : i32
    %mul3A_1 = arith.constant 128 : i32
    %mul3A_2 = arith.muli %add3A, %mul3A_1 : i32
    %run_scoped3A = arith.constant 0 : i32
    "tpu.region"() ({
      %run_scoped3A_140 = tpu.sem_alloc : memref<!tpu.dma_semaphore, #tpu.memory_space<semaphore_mem>>
      %dma_start3A_141 = arith.constant 0 : i32
      %dma_start3A_142 = tpu.memref_slice %arg2[%run_scoped3A, %dma_start3A_141] : memref<4x4096xi32, #tpu.memory_space<hbm>> -> memref<1x4096xi32, #tpu.memory_space<hbm>>
      %dma_start3A_143 = tpu.memref_squeeze %dma_start3A_142 : memref<1x4096xi32, #tpu.memory_space<hbm>> -> memref<4096xi32, #tpu.memory_space<hbm>>
      %dma_start3A_144 = tpu.memref_slice %dma_start3A_143[%mul3A_2] : memref<4096xi32, #tpu.memory_space<hbm>> -> memref<128xi32, #tpu.memory_space<hbm>>
      %dma_start3A_145 = arith.constant 0 : i32
      %dma_start3A_146 = tpu.memref_slice %arg2[%run_scoped3A, %dma_start3A_145] : memref<4x4096xi32, #tpu.memory_space<hbm>> -> memref<1x4096xi32, #tpu.memory_space<hbm>>
      %dma_start3A_147 = tpu.memref_squeeze %dma_start3A_146 : memref<1x4096xi32, #tpu.memory_space<hbm>> -> memref<4096xi32, #tpu.memory_space<hbm>>
      %dma_start3A_148 = tpu.memref_slice %dma_start3A_147[%mul3A_2] : memref<4096xi32, #tpu.memory_space<hbm>> -> memref<128xi32, #tpu.memory_space<hbm>>
      tpu.enqueue_dma source(%dma_start3A_148 : memref<128xi32, #tpu.memory_space<hbm>>) target(%arg7 : memref<128xi32, #tpu.memory_space<vmem>>) target_semaphore(%run_scoped3A_140 : memref<!tpu.dma_semaphore, #tpu.memory_space<semaphore_mem>>)
      %dma_wait3A_149 = arith.constant 0 : i32
      %dma_wait3A_150 = tpu.memref_slice %arg2[%run_scoped3A, %dma_wait3A_149] : memref<4x4096xi32, #tpu.memory_space<hbm>> -> memref<1x4096xi32, #tpu.memory_space<hbm>>
      %dma_wait3A_151 = tpu.memref_squeeze %dma_wait3A_150 : memref<1x4096xi32, #tpu.memory_space<hbm>> -> memref<4096xi32, #tpu.memory_space<hbm>>
      %dma_wait3A_152 = tpu.memref_slice %dma_wait3A_151[%mul3A_2] : memref<4096xi32, #tpu.memory_space<hbm>> -> memref<128xi32, #tpu.memory_space<hbm>>
      %dma_wait3A_153 = arith.constant 0 : i32
      %dma_wait3A_154 = tpu.memref_slice %arg2[%run_scoped3A, %dma_wait3A_153] : memref<4x4096xi32, #tpu.memory_space<hbm>> -> memref<1x4096xi32, #tpu.memory_space<hbm>>
      %dma_wait3A_155 = tpu.memref_squeeze %dma_wait3A_154 : memref<1x4096xi32, #tpu.memory_space<hbm>> -> memref<4096xi32, #tpu.memory_space<hbm>>
      %dma_wait3A_156 = tpu.memref_slice %dma_wait3A_155[%mul3A_2] : memref<4096xi32, #tpu.memory_space<hbm>> -> memref<128xi32, #tpu.memory_space<hbm>>
      tpu.wait_dma2 semaphore(%run_scoped3A_140 : memref<!tpu.dma_semaphore, #tpu.memory_space<semaphore_mem>>) src(%dma_wait3A_156 : memref<128xi32, #tpu.memory_space<hbm>>) dst(%arg7 : memref<128xi32, #tpu.memory_space<vmem>>)
      tpu.yield
    }) : () -> ()
    %run_scoped3A_3 = arith.constant 0 : i32
    "tpu.region"() ({
      %run_scoped3A_140 = tpu.sem_alloc : memref<!tpu.dma_semaphore, #tpu.memory_space<semaphore_mem>>
      %dma_start3A_141 = arith.constant 0 : i32
      %dma_start3A_142 = arith.constant 0 : i32
      %dma_start3A_143 = tpu.memref_slice %arg3[%run_scoped3A_3, %dma_start3A_141, %dma_start3A_142] : memref<4x4096x128xi32, #tpu.memory_space<hbm>> -> memref<1x4096x128xi32, #tpu.memory_space<hbm>>
      %dma_start3A_144 = tpu.memref_squeeze %dma_start3A_143 : memref<1x4096x128xi32, #tpu.memory_space<hbm>> -> memref<4096x128xi32, #tpu.memory_space<hbm>>
      %dma_start3A_145 = arith.constant 0 : i32
      %dma_start3A_146 = tpu.memref_slice %dma_start3A_144[%mul3A_2, %dma_start3A_145] : memref<4096x128xi32, #tpu.memory_space<hbm>> -> memref<128x128xi32, #tpu.memory_space<hbm>>
      %dma_start3A_147 = arith.constant 0 : i32
      %dma_start3A_148 = arith.constant 0 : i32
      %dma_start3A_149 = tpu.memref_slice %arg3[%run_scoped3A_3, %dma_start3A_147, %dma_start3A_148] : memref<4x4096x128xi32, #tpu.memory_space<hbm>> -> memref<1x4096x128xi32, #tpu.memory_space<hbm>>
      %dma_start3A_150 = tpu.memref_squeeze %dma_start3A_149 : memref<1x4096x128xi32, #tpu.memory_space<hbm>> -> memref<4096x128xi32, #tpu.memory_space<hbm>>
      %dma_start3A_151 = arith.constant 0 : i32
      %dma_start3A_152 = tpu.memref_slice %dma_start3A_150[%mul3A_2, %dma_start3A_151] : memref<4096x128xi32, #tpu.memory_space<hbm>> -> memref<128x128xi32, #tpu.memory_space<hbm>>
      tpu.enqueue_dma source(%dma_start3A_152 : memref<128x128xi32, #tpu.memory_space<hbm>>) target(%arg8 : memref<128x128xi32, #tpu.memory_space<vmem>>) target_semaphore(%run_scoped3A_140 : memref<!tpu.dma_semaphore, #tpu.memory_space<semaphore_mem>>)
      %dma_wait3A_153 = arith.constant 0 : i32
      %dma_wait3A_154 = arith.constant 0 : i32
      %dma_wait3A_155 = tpu.memref_slice %arg3[%run_scoped3A_3, %dma_wait3A_153, %dma_wait3A_154] : memref<4x4096x128xi32, #tpu.memory_space<hbm>> -> memref<1x4096x128xi32, #tpu.memory_space<hbm>>
      %dma_wait3A_156 = tpu.memref_squeeze %dma_wait3A_155 : memref<1x4096x128xi32, #tpu.memory_space<hbm>> -> memref<4096x128xi32, #tpu.memory_space<hbm>>
      %dma_wait3A_157 = arith.constant 0 : i32
      %dma_wait3A_158 = tpu.memref_slice %dma_wait3A_156[%mul3A_2, %dma_wait3A_157] : memref<4096x128xi32, #tpu.memory_space<hbm>> -> memref<128x128xi32, #tpu.memory_space<hbm>>
      %dma_wait3A_159 = arith.constant 0 : i32
      %dma_wait3A_160 = arith.constant 0 : i32
      %dma_wait3A_161 = tpu.memref_slice %arg3[%run_scoped3A_3, %dma_wait3A_159, %dma_wait3A_160] : memref<4x4096x128xi32, #tpu.memory_space<hbm>> -> memref<1x4096x128xi32, #tpu.memory_space<hbm>>
      %dma_wait3A_162 = tpu.memref_squeeze %dma_wait3A_161 : memref<1x4096x128xi32, #tpu.memory_space<hbm>> -> memref<4096x128xi32, #tpu.memory_space<hbm>>
      %dma_wait3A_163 = arith.constant 0 : i32
      %dma_wait3A_164 = tpu.memref_slice %dma_wait3A_162[%mul3A_2, %dma_wait3A_163] : memref<4096x128xi32, #tpu.memory_space<hbm>> -> memref<128x128xi32, #tpu.memory_space<hbm>>
      tpu.wait_dma2 semaphore(%run_scoped3A_140 : memref<!tpu.dma_semaphore, #tpu.memory_space<semaphore_mem>>) src(%dma_wait3A_164 : memref<128x128xi32, #tpu.memory_space<hbm>>) dst(%arg8 : memref<128x128xi32, #tpu.memory_space<vmem>>)
      tpu.yield
    }) : () -> ()
    %run_scoped3A_4 = arith.constant 0 : i32
    "tpu.region"() ({
      %run_scoped3A_140 = tpu.sem_alloc : memref<!tpu.dma_semaphore, #tpu.memory_space<semaphore_mem>>
      %dma_start3A_141 = arith.constant 0 : i32
      %dma_start3A_142 = arith.constant 0 : i32
      %dma_start3A_143 = tpu.memref_slice %arg4[%run_scoped3A_4, %dma_start3A_141, %dma_start3A_142] : memref<4x4096x128xf32, #tpu.memory_space<hbm>> -> memref<1x4096x128xf32, #tpu.memory_space<hbm>>
      %dma_start3A_144 = tpu.memref_squeeze %dma_start3A_143 : memref<1x4096x128xf32, #tpu.memory_space<hbm>> -> memref<4096x128xf32, #tpu.memory_space<hbm>>
      %dma_start3A_145 = arith.constant 0 : i32
      %dma_start3A_146 = tpu.memref_slice %dma_start3A_144[%mul3A_2, %dma_start3A_145] : memref<4096x128xf32, #tpu.memory_space<hbm>> -> memref<128x128xf32, #tpu.memory_space<hbm>>
      %dma_start3A_147 = arith.constant 0 : i32
      %dma_start3A_148 = arith.constant 0 : i32
      %dma_start3A_149 = tpu.memref_slice %arg4[%run_scoped3A_4, %dma_start3A_147, %dma_start3A_148] : memref<4x4096x128xf32, #tpu.memory_space<hbm>> -> memref<1x4096x128xf32, #tpu.memory_space<hbm>>
      %dma_start3A_150 = tpu.memref_squeeze %dma_start3A_149 : memref<1x4096x128xf32, #tpu.memory_space<hbm>> -> memref<4096x128xf32, #tpu.memory_space<hbm>>
      %dma_start3A_151 = arith.constant 0 : i32
      %dma_start3A_152 = tpu.memref_slice %dma_start3A_150[%mul3A_2, %dma_start3A_151] : memref<4096x128xf32, #tpu.memory_space<hbm>> -> memref<128x128xf32, #tpu.memory_space<hbm>>
      tpu.enqueue_dma source(%dma_start3A_152 : memref<128x128xf32, #tpu.memory_space<hbm>>) target(%arg9 : memref<128x128xf32, #tpu.memory_space<vmem>>) target_semaphore(%run_scoped3A_140 : memref<!tpu.dma_semaphore, #tpu.memory_space<semaphore_mem>>)
      %dma_wait3A_153 = arith.constant 0 : i32
      %dma_wait3A_154 = arith.constant 0 : i32
      %dma_wait3A_155 = tpu.memref_slice %arg4[%run_scoped3A_4, %dma_wait3A_153, %dma_wait3A_154] : memref<4x4096x128xf32, #tpu.memory_space<hbm>> -> memref<1x4096x128xf32, #tpu.memory_space<hbm>>
      %dma_wait3A_156 = tpu.memref_squeeze %dma_wait3A_155 : memref<1x4096x128xf32, #tpu.memory_space<hbm>> -> memref<4096x128xf32, #tpu.memory_space<hbm>>
      %dma_wait3A_157 = arith.constant 0 : i32
      %dma_wait3A_158 = tpu.memref_slice %dma_wait3A_156[%mul3A_2, %dma_wait3A_157] : memref<4096x128xf32, #tpu.memory_space<hbm>> -> memref<128x128xf32, #tpu.memory_space<hbm>>
      %dma_wait3A_159 = arith.constant 0 : i32
      %dma_wait3A_160 = arith.constant 0 : i32
      %dma_wait3A_161 = tpu.memref_slice %arg4[%run_scoped3A_4, %dma_wait3A_159, %dma_wait3A_160] : memref<4x4096x128xf32, #tpu.memory_space<hbm>> -> memref<1x4096x128xf32, #tpu.memory_space<hbm>>
      %dma_wait3A_162 = tpu.memref_squeeze %dma_wait3A_161 : memref<1x4096x128xf32, #tpu.memory_space<hbm>> -> memref<4096x128xf32, #tpu.memory_space<hbm>>
      %dma_wait3A_163 = arith.constant 0 : i32
      %dma_wait3A_164 = tpu.memref_slice %dma_wait3A_162[%mul3A_2, %dma_wait3A_163] : memref<4096x128xf32, #tpu.memory_space<hbm>> -> memref<128x128xf32, #tpu.memory_space<hbm>>
      tpu.wait_dma2 semaphore(%run_scoped3A_140 : memref<!tpu.dma_semaphore, #tpu.memory_space<semaphore_mem>>) src(%dma_wait3A_164 : memref<128x128xf32, #tpu.memory_space<hbm>>) dst(%arg9 : memref<128x128xf32, #tpu.memory_space<vmem>>)
      tpu.yield
    }) : () -> ()
    %dma_start3A = arith.constant 0 : i32
    %dma_start3A_5 = arith.constant 0 : i32
    %dma_start3A_6 = arith.constant 0 : i32
    %dma_start3A_7 = tpu.memref_slice %arg5[%dma_start3A, %dma_start3A_5, %dma_start3A_6] : memref<4x4096x128xi32, #tpu.memory_space<hbm>> -> memref<1x4096x128xi32, #tpu.memory_space<hbm>>
    %dma_start3A_8 = tpu.memref_squeeze %dma_start3A_7 : memref<1x4096x128xi32, #tpu.memory_space<hbm>> -> memref<4096x128xi32, #tpu.memory_space<hbm>>
    %dma_start3A_9 = arith.constant 0 : i32
    %dma_start3A_10 = arith.constant 0 : i32
    %dma_start3A_11 = tpu.memref_slice %dma_start3A_8[%dma_start3A_9, %dma_start3A_10] : memref<4096x128xi32, #tpu.memory_space<hbm>> -> memref<4096x128xi32, #tpu.memory_space<hbm>>
    tpu.enqueue_indirect_dma source(%arg8 : memref<128x128xi32, #tpu.memory_space<vmem>>) target(%dma_start3A_11 : memref<4096x128xi32, #tpu.memory_space<hbm>>) offsets(%arg7 : memref<128xi32, #tpu.memory_space<vmem>>) semaphore(%arg10 : memref<!tpu.dma_semaphore, #tpu.memory_space<semaphore_mem>>)
    %dma_start3A_12 = arith.constant 0 : i32
    %dma_start3A_13 = arith.constant 0 : i32
    %dma_start3A_14 = arith.constant 0 : i32
    %dma_start3A_15 = tpu.memref_slice %arg6[%dma_start3A_12, %dma_start3A_13, %dma_start3A_14] : memref<4x4096x128xf32, #tpu.memory_space<hbm>> -> memref<1x4096x128xf32, #tpu.memory_space<hbm>>
    %dma_start3A_16 = tpu.memref_squeeze %dma_start3A_15 : memref<1x4096x128xf32, #tpu.memory_space<hbm>> -> memref<4096x128xf32, #tpu.memory_space<hbm>>
    %dma_start3A_17 = arith.constant 0 : i32
    %dma_start3A_18 = arith.constant 0 : i32
    %dma_start3A_19 = tpu.memref_slice %dma_start3A_16[%dma_start3A_17, %dma_start3A_18] : memref<4096x128xf32, #tpu.memory_space<hbm>> -> memref<4096x128xf32, #tpu.memory_space<hbm>>
    tpu.enqueue_indirect_dma source(%arg9 : memref<128x128xf32, #tpu.memory_space<vmem>>) target(%dma_start3A_19 : memref<4096x128xf32, #tpu.memory_space<hbm>>) offsets(%arg7 : memref<128xi32, #tpu.memory_space<vmem>>) semaphore(%arg10 : memref<!tpu.dma_semaphore, #tpu.memory_space<semaphore_mem>>)
    %dma_wait3A = arith.constant 0 : i32
    %dma_wait3A_20 = arith.constant 0 : i32
    %dma_wait3A_21 = arith.constant 0 : i32
    %dma_wait3A_22 = tpu.memref_slice %arg5[%dma_wait3A, %dma_wait3A_20, %dma_wait3A_21] : memref<4x4096x128xi32, #tpu.memory_space<hbm>> -> memref<1x4096x128xi32, #tpu.memory_space<hbm>>
    %dma_wait3A_23 = tpu.memref_squeeze %dma_wait3A_22 : memref<1x4096x128xi32, #tpu.memory_space<hbm>> -> memref<4096x128xi32, #tpu.memory_space<hbm>>
    %dma_wait3A_24 = arith.constant 0 : i32
    %dma_wait3A_25 = arith.constant 0 : i32
    %dma_wait3A_26 = tpu.memref_slice %dma_wait3A_23[%dma_wait3A_24, %dma_wait3A_25] : memref<4096x128xi32, #tpu.memory_space<hbm>> -> memref<4096x128xi32, #tpu.memory_space<hbm>>
    tpu.wait_indirect_dma semaphore(%arg10 : memref<!tpu.dma_semaphore, #tpu.memory_space<semaphore_mem>>) src(%arg8 : memref<128x128xi32, #tpu.memory_space<vmem>>) dst(%dma_wait3A_26 : memref<4096x128xi32, #tpu.memory_space<hbm>>)
    %dma_wait3A_27 = arith.constant 0 : i32
    %dma_wait3A_28 = arith.constant 0 : i32
    %dma_wait3A_29 = arith.constant 0 : i32
    %dma_wait3A_30 = tpu.memref_slice %arg6[%dma_wait3A_27, %dma_wait3A_28, %dma_wait3A_29] : memref<4x4096x128xf32, #tpu.memory_space<hbm>> -> memref<1x4096x128xf32, #tpu.memory_space<hbm>>
    %dma_wait3A_31 = tpu.memref_squeeze %dma_wait3A_30 : memref<1x4096x128xf32, #tpu.memory_space<hbm>> -> memref<4096x128xf32, #tpu.memory_space<hbm>>
    %dma_wait3A_32 = arith.constant 0 : i32
    %dma_wait3A_33 = arith.constant 0 : i32
    %dma_wait3A_34 = tpu.memref_slice %dma_wait3A_31[%dma_wait3A_32, %dma_wait3A_33] : memref<4096x128xf32, #tpu.memory_space<hbm>> -> memref<4096x128xf32, #tpu.memory_space<hbm>>
    tpu.wait_indirect_dma semaphore(%arg10 : memref<!tpu.dma_semaphore, #tpu.memory_space<semaphore_mem>>) src(%arg9 : memref<128x128xf32, #tpu.memory_space<vmem>>) dst(%dma_wait3A_34 : memref<4096x128xf32, #tpu.memory_space<hbm>>)
    %run_scoped3A_35 = arith.constant 1 : i32
    "tpu.region"() ({
      %run_scoped3A_140 = tpu.sem_alloc : memref<!tpu.dma_semaphore, #tpu.memory_space<semaphore_mem>>
      %dma_start3A_141 = arith.constant 0 : i32
      %dma_start3A_142 = tpu.memref_slice %arg2[%run_scoped3A_35, %dma_start3A_141] : memref<4x4096xi32, #tpu.memory_space<hbm>> -> memref<1x4096xi32, #tpu.memory_space<hbm>>
      %dma_start3A_143 = tpu.memref_squeeze %dma_start3A_142 : memref<1x4096xi32, #tpu.memory_space<hbm>> -> memref<4096xi32, #tpu.memory_space<hbm>>
      %dma_start3A_144 = tpu.memref_slice %dma_start3A_143[%mul3A_2] : memref<4096xi32, #tpu.memory_space<hbm>> -> memref<128xi32, #tpu.memory_space<hbm>>
      %dma_start3A_145 = arith.constant 0 : i32
      %dma_start3A_146 = tpu.memref_slice %arg2[%run_scoped3A_35, %dma_start3A_145] : memref<4x4096xi32, #tpu.memory_space<hbm>> -> memref<1x4096xi32, #tpu.memory_space<hbm>>
      %dma_start3A_147 = tpu.memref_squeeze %dma_start3A_146 : memref<1x4096xi32, #tpu.memory_space<hbm>> -> memref<4096xi32, #tpu.memory_space<hbm>>
      %dma_start3A_148 = tpu.memref_slice %dma_start3A_147[%mul3A_2] : memref<4096xi32, #tpu.memory_space<hbm>> -> memref<128xi32, #tpu.memory_space<hbm>>
      tpu.enqueue_dma source(%dma_start3A_148 : memref<128xi32, #tpu.memory_space<hbm>>) target(%arg7 : memref<128xi32, #tpu.memory_space<vmem>>) target_semaphore(%run_scoped3A_140 : memref<!tpu.dma_semaphore, #tpu.memory_space<semaphore_mem>>)
      %dma_wait3A_149 = arith.constant 0 : i32
      %dma_wait3A_150 = tpu.memref_slice %arg2[%run_scoped3A_35, %dma_wait3A_149] : memref<4x4096xi32, #tpu.memory_space<hbm>> -> memref<1x4096xi32, #tpu.memory_space<hbm>>
      %dma_wait3A_151 = tpu.memref_squeeze %dma_wait3A_150 : memref<1x4096xi32, #tpu.memory_space<hbm>> -> memref<4096xi32, #tpu.memory_space<hbm>>
      %dma_wait3A_152 = tpu.memref_slice %dma_wait3A_151[%mul3A_2] : memref<4096xi32, #tpu.memory_space<hbm>> -> memref<128xi32, #tpu.memory_space<hbm>>
      %dma_wait3A_153 = arith.constant 0 : i32
      %dma_wait3A_154 = tpu.memref_slice %arg2[%run_scoped3A_35, %dma_wait3A_153] : memref<4x4096xi32, #tpu.memory_space<hbm>> -> memref<1x4096xi32, #tpu.memory_space<hbm>>
      %dma_wait3A_155 = tpu.memref_squeeze %dma_wait3A_154 : memref<1x4096xi32, #tpu.memory_space<hbm>> -> memref<4096xi32, #tpu.memory_space<hbm>>
      %dma_wait3A_156 = tpu.memref_slice %dma_wait3A_155[%mul3A_2] : memref<4096xi32, #tpu.memory_space<hbm>> -> memref<128xi32, #tpu.memory_space<hbm>>
      tpu.wait_dma2 semaphore(%run_scoped3A_140 : memref<!tpu.dma_semaphore, #tpu.memory_space<semaphore_mem>>) src(%dma_wait3A_156 : memref<128xi32, #tpu.memory_space<hbm>>) dst(%arg7 : memref<128xi32, #tpu.memory_space<vmem>>)
      tpu.yield
    }) : () -> ()
    %run_scoped3A_36 = arith.constant 1 : i32
    "tpu.region"() ({
      %run_scoped3A_140 = tpu.sem_alloc : memref<!tpu.dma_semaphore, #tpu.memory_space<semaphore_mem>>
      %dma_start3A_141 = arith.constant 0 : i32
      %dma_start3A_142 = arith.constant 0 : i32
      %dma_start3A_143 = tpu.memref_slice %arg3[%run_scoped3A_36, %dma_start3A_141, %dma_start3A_142] : memref<4x4096x128xi32, #tpu.memory_space<hbm>> -> memref<1x4096x128xi32, #tpu.memory_space<hbm>>
      %dma_start3A_144 = tpu.memref_squeeze %dma_start3A_143 : memref<1x4096x128xi32, #tpu.memory_space<hbm>> -> memref<4096x128xi32, #tpu.memory_space<hbm>>
      %dma_start3A_145 = arith.constant 0 : i32
      %dma_start3A_146 = tpu.memref_slice %dma_start3A_144[%mul3A_2, %dma_start3A_145] : memref<4096x128xi32, #tpu.memory_space<hbm>> -> memref<128x128xi32, #tpu.memory_space<hbm>>
      %dma_start3A_147 = arith.constant 0 : i32
      %dma_start3A_148 = arith.constant 0 : i32
      %dma_start3A_149 = tpu.memref_slice %arg3[%run_scoped3A_36, %dma_start3A_147, %dma_start3A_148] : memref<4x4096x128xi32, #tpu.memory_space<hbm>> -> memref<1x4096x128xi32, #tpu.memory_space<hbm>>
      %dma_start3A_150 = tpu.memref_squeeze %dma_start3A_149 : memref<1x4096x128xi32, #tpu.memory_space<hbm>> -> memref<4096x128xi32, #tpu.memory_space<hbm>>
      %dma_start3A_151 = arith.constant 0 : i32
      %dma_start3A_152 = tpu.memref_slice %dma_start3A_150[%mul3A_2, %dma_start3A_151] : memref<4096x128xi32, #tpu.memory_space<hbm>> -> memref<128x128xi32, #tpu.memory_space<hbm>>
      tpu.enqueue_dma source(%dma_start3A_152 : memref<128x128xi32, #tpu.memory_space<hbm>>) target(%arg8 : memref<128x128xi32, #tpu.memory_space<vmem>>) target_semaphore(%run_scoped3A_140 : memref<!tpu.dma_semaphore, #tpu.memory_space<semaphore_mem>>)
      %dma_wait3A_153 = arith.constant 0 : i32
      %dma_wait3A_154 = arith.constant 0 : i32
      %dma_wait3A_155 = tpu.memref_slice %arg3[%run_scoped3A_36, %dma_wait3A_153, %dma_wait3A_154] : memref<4x4096x128xi32, #tpu.memory_space<hbm>> -> memref<1x4096x128xi32, #tpu.memory_space<hbm>>
      %dma_wait3A_156 = tpu.memref_squeeze %dma_wait3A_155 : memref<1x4096x128xi32, #tpu.memory_space<hbm>> -> memref<4096x128xi32, #tpu.memory_space<hbm>>
      %dma_wait3A_157 = arith.constant 0 : i32
      %dma_wait3A_158 = tpu.memref_slice %dma_wait3A_156[%mul3A_2, %dma_wait3A_157] : memref<4096x128xi32, #tpu.memory_space<hbm>> -> memref<128x128xi32, #tpu.memory_space<hbm>>
      %dma_wait3A_159 = arith.constant 0 : i32
      %dma_wait3A_160 = arith.constant 0 : i32
      %dma_wait3A_161 = tpu.memref_slice %arg3[%run_scoped3A_36, %dma_wait3A_159, %dma_wait3A_160] : memref<4x4096x128xi32, #tpu.memory_space<hbm>> -> memref<1x4096x128xi32, #tpu.memory_space<hbm>>
      %dma_wait3A_162 = tpu.memref_squeeze %dma_wait3A_161 : memref<1x4096x128xi32, #tpu.memory_space<hbm>> -> memref<4096x128xi32, #tpu.memory_space<hbm>>
      %dma_wait3A_163 = arith.constant 0 : i32
      %dma_wait3A_164 = tpu.memref_slice %dma_wait3A_162[%mul3A_2, %dma_wait3A_163] : memref<4096x128xi32, #tpu.memory_space<hbm>> -> memref<128x128xi32, #tpu.memory_space<hbm>>
      tpu.wait_dma2 semaphore(%run_scoped3A_140 : memref<!tpu.dma_semaphore, #tpu.memory_space<semaphore_mem>>) src(%dma_wait3A_164 : memref<128x128xi32, #tpu.memory_space<hbm>>) dst(%arg8 : memref<128x128xi32, #tpu.memory_space<vmem>>)
      tpu.yield
    }) : () -> ()
    %run_scoped3A_37 = arith.constant 1 : i32
    "tpu.region"() ({
      %run_scoped3A_140 = tpu.sem_alloc : memref<!tpu.dma_semaphore, #tpu.memory_space<semaphore_mem>>
      %dma_start3A_141 = arith.constant 0 : i32
      %dma_start3A_142 = arith.constant 0 : i32
      %dma_start3A_143 = tpu.memref_slice %arg4[%run_scoped3A_37, %dma_start3A_141, %dma_start3A_142] : memref<4x4096x128xf32, #tpu.memory_space<hbm>> -> memref<1x4096x128xf32, #tpu.memory_space<hbm>>
      %dma_start3A_144 = tpu.memref_squeeze %dma_start3A_143 : memref<1x4096x128xf32, #tpu.memory_space<hbm>> -> memref<4096x128xf32, #tpu.memory_space<hbm>>
      %dma_start3A_145 = arith.constant 0 : i32
      %dma_start3A_146 = tpu.memref_slice %dma_start3A_144[%mul3A_2, %dma_start3A_145] : memref<4096x128xf32, #tpu.memory_space<hbm>> -> memref<128x128xf32, #tpu.memory_space<hbm>>
      %dma_start3A_147 = arith.constant 0 : i32
      %dma_start3A_148 = arith.constant 0 : i32
      %dma_start3A_149 = tpu.memref_slice %arg4[%run_scoped3A_37, %dma_start3A_147, %dma_start3A_148] : memref<4x4096x128xf32, #tpu.memory_space<hbm>> -> memref<1x4096x128xf32, #tpu.memory_space<hbm>>
      %dma_start3A_150 = tpu.memref_squeeze %dma_start3A_149 : memref<1x4096x128xf32, #tpu.memory_space<hbm>> -> memref<4096x128xf32, #tpu.memory_space<hbm>>
      %dma_start3A_151 = arith.constant 0 : i32
      %dma_start3A_152 = tpu.memref_slice %dma_start3A_150[%mul3A_2, %dma_start3A_151] : memref<4096x128xf32, #tpu.memory_space<hbm>> -> memref<128x128xf32, #tpu.memory_space<hbm>>
      tpu.enqueue_dma source(%dma_start3A_152 : memref<128x128xf32, #tpu.memory_space<hbm>>) target(%arg9 : memref<128x128xf32, #tpu.memory_space<vmem>>) target_semaphore(%run_scoped3A_140 : memref<!tpu.dma_semaphore, #tpu.memory_space<semaphore_mem>>)
      %dma_wait3A_153 = arith.constant 0 : i32
      %dma_wait3A_154 = arith.constant 0 : i32
      %dma_wait3A_155 = tpu.memref_slice %arg4[%run_scoped3A_37, %dma_wait3A_153, %dma_wait3A_154] : memref<4x4096x128xf32, #tpu.memory_space<hbm>> -> memref<1x4096x128xf32, #tpu.memory_space<hbm>>
      %dma_wait3A_156 = tpu.memref_squeeze %dma_wait3A_155 : memref<1x4096x128xf32, #tpu.memory_space<hbm>> -> memref<4096x128xf32, #tpu.memory_space<hbm>>
      %dma_wait3A_157 = arith.constant 0 : i32
      %dma_wait3A_158 = tpu.memref_slice %dma_wait3A_156[%mul3A_2, %dma_wait3A_157] : memref<4096x128xf32, #tpu.memory_space<hbm>> -> memref<128x128xf32, #tpu.memory_space<hbm>>
      %dma_wait3A_159 = arith.constant 0 : i32
      %dma_wait3A_160 = arith.constant 0 : i32
      %dma_wait3A_161 = tpu.memref_slice %arg4[%run_scoped3A_37, %dma_wait3A_159, %dma_wait3A_160] : memref<4x4096x128xf32, #tpu.memory_space<hbm>> -> memref<1x4096x128xf32, #tpu.memory_space<hbm>>
      %dma_wait3A_162 = tpu.memref_squeeze %dma_wait3A_161 : memref<1x4096x128xf32, #tpu.memory_space<hbm>> -> memref<4096x128xf32, #tpu.memory_space<hbm>>
      %dma_wait3A_163 = arith.constant 0 : i32
      %dma_wait3A_164 = tpu.memref_slice %dma_wait3A_162[%mul3A_2, %dma_wait3A_163] : memref<4096x128xf32, #tpu.memory_space<hbm>> -> memref<128x128xf32, #tpu.memory_space<hbm>>
      tpu.wait_dma2 semaphore(%run_scoped3A_140 : memref<!tpu.dma_semaphore, #tpu.memory_space<semaphore_mem>>) src(%dma_wait3A_164 : memref<128x128xf32, #tpu.memory_space<hbm>>) dst(%arg9 : memref<128x128xf32, #tpu.memory_space<vmem>>)
      tpu.yield
    }) : () -> ()
    %dma_start3A_38 = arith.constant 1 : i32
    %dma_start3A_39 = arith.constant 0 : i32
    %dma_start3A_40 = arith.constant 0 : i32
    %dma_start3A_41 = tpu.memref_slice %arg5[%dma_start3A_38, %dma_start3A_39, %dma_start3A_40] : memref<4x4096x128xi32, #tpu.memory_space<hbm>> -> memref<1x4096x128xi32, #tpu.memory_space<hbm>>
    %dma_start3A_42 = tpu.memref_squeeze %dma_start3A_41 : memref<1x4096x128xi32, #tpu.memory_space<hbm>> -> memref<4096x128xi32, #tpu.memory_space<hbm>>
    %dma_start3A_43 = arith.constant 0 : i32
    %dma_start3A_44 = arith.constant 0 : i32
    %dma_start3A_45 = tpu.memref_slice %dma_start3A_42[%dma_start3A_43, %dma_start3A_44] : memref<4096x128xi32, #tpu.memory_space<hbm>> -> memref<4096x128xi32, #tpu.memory_space<hbm>>
    tpu.enqueue_indirect_dma source(%arg8 : memref<128x128xi32, #tpu.memory_space<vmem>>) target(%dma_start3A_45 : memref<4096x128xi32, #tpu.memory_space<hbm>>) offsets(%arg7 : memref<128xi32, #tpu.memory_space<vmem>>) semaphore(%arg10 : memref<!tpu.dma_semaphore, #tpu.memory_space<semaphore_mem>>)
    %dma_start3A_46 = arith.constant 1 : i32
    %dma_start3A_47 = arith.constant 0 : i32
    %dma_start3A_48 = arith.constant 0 : i32
    %dma_start3A_49 = tpu.memref_slice %arg6[%dma_start3A_46, %dma_start3A_47, %dma_start3A_48] : memref<4x4096x128xf32, #tpu.memory_space<hbm>> -> memref<1x4096x128xf32, #tpu.memory_space<hbm>>
    %dma_start3A_50 = tpu.memref_squeeze %dma_start3A_49 : memref<1x4096x128xf32, #tpu.memory_space<hbm>> -> memref<4096x128xf32, #tpu.memory_space<hbm>>
    %dma_start3A_51 = arith.constant 0 : i32
    %dma_start3A_52 = arith.constant 0 : i32
    %dma_start3A_53 = tpu.memref_slice %dma_start3A_50[%dma_start3A_51, %dma_start3A_52] : memref<4096x128xf32, #tpu.memory_space<hbm>> -> memref<4096x128xf32, #tpu.memory_space<hbm>>
    tpu.enqueue_indirect_dma source(%arg9 : memref<128x128xf32, #tpu.memory_space<vmem>>) target(%dma_start3A_53 : memref<4096x128xf32, #tpu.memory_space<hbm>>) offsets(%arg7 : memref<128xi32, #tpu.memory_space<vmem>>) semaphore(%arg10 : memref<!tpu.dma_semaphore, #tpu.memory_space<semaphore_mem>>)
    %dma_wait3A_54 = arith.constant 1 : i32
    %dma_wait3A_55 = arith.constant 0 : i32
    %dma_wait3A_56 = arith.constant 0 : i32
    %dma_wait3A_57 = tpu.memref_slice %arg5[%dma_wait3A_54, %dma_wait3A_55, %dma_wait3A_56] : memref<4x4096x128xi32, #tpu.memory_space<hbm>> -> memref<1x4096x128xi32, #tpu.memory_space<hbm>>
    %dma_wait3A_58 = tpu.memref_squeeze %dma_wait3A_57 : memref<1x4096x128xi32, #tpu.memory_space<hbm>> -> memref<4096x128xi32, #tpu.memory_space<hbm>>
    %dma_wait3A_59 = arith.constant 0 : i32
    %dma_wait3A_60 = arith.constant 0 : i32
    %dma_wait3A_61 = tpu.memref_slice %dma_wait3A_58[%dma_wait3A_59, %dma_wait3A_60] : memref<4096x128xi32, #tpu.memory_space<hbm>> -> memref<4096x128xi32, #tpu.memory_space<hbm>>
    tpu.wait_indirect_dma semaphore(%arg10 : memref<!tpu.dma_semaphore, #tpu.memory_space<semaphore_mem>>) src(%arg8 : memref<128x128xi32, #tpu.memory_space<vmem>>) dst(%dma_wait3A_61 : memref<4096x128xi32, #tpu.memory_space<hbm>>)
    %dma_wait3A_62 = arith.constant 1 : i32
    %dma_wait3A_63 = arith.constant 0 : i32
    %dma_wait3A_64 = arith.constant 0 : i32
    %dma_wait3A_65 = tpu.memref_slice %arg6[%dma_wait3A_62, %dma_wait3A_63, %dma_wait3A_64] : memref<4x4096x128xf32, #tpu.memory_space<hbm>> -> memref<1x4096x128xf32, #tpu.memory_space<hbm>>
    %dma_wait3A_66 = tpu.memref_squeeze %dma_wait3A_65 : memref<1x4096x128xf32, #tpu.memory_space<hbm>> -> memref<4096x128xf32, #tpu.memory_space<hbm>>
    %dma_wait3A_67 = arith.constant 0 : i32
    %dma_wait3A_68 = arith.constant 0 : i32
    %dma_wait3A_69 = tpu.memref_slice %dma_wait3A_66[%dma_wait3A_67, %dma_wait3A_68] : memref<4096x128xf32, #tpu.memory_space<hbm>> -> memref<4096x128xf32, #tpu.memory_space<hbm>>
    tpu.wait_indirect_dma semaphore(%arg10 : memref<!tpu.dma_semaphore, #tpu.memory_space<semaphore_mem>>) src(%arg9 : memref<128x128xf32, #tpu.memory_space<vmem>>) dst(%dma_wait3A_69 : memref<4096x128xf32, #tpu.memory_space<hbm>>)
    %run_scoped3A_70 = arith.constant 2 : i32
    "tpu.region"() ({
      %run_scoped3A_140 = tpu.sem_alloc : memref<!tpu.dma_semaphore, #tpu.memory_space<semaphore_mem>>
      %dma_start3A_141 = arith.constant 0 : i32
      %dma_start3A_142 = tpu.memref_slice %arg2[%run_scoped3A_70, %dma_start3A_141] : memref<4x4096xi32, #tpu.memory_space<hbm>> -> memref<1x4096xi32, #tpu.memory_space<hbm>>
      %dma_start3A_143 = tpu.memref_squeeze %dma_start3A_142 : memref<1x4096xi32, #tpu.memory_space<hbm>> -> memref<4096xi32, #tpu.memory_space<hbm>>
      %dma_start3A_144 = tpu.memref_slice %dma_start3A_143[%mul3A_2] : memref<4096xi32, #tpu.memory_space<hbm>> -> memref<128xi32, #tpu.memory_space<hbm>>
      %dma_start3A_145 = arith.constant 0 : i32
      %dma_start3A_146 = tpu.memref_slice %arg2[%run_scoped3A_70, %dma_start3A_145] : memref<4x4096xi32, #tpu.memory_space<hbm>> -> memref<1x4096xi32, #tpu.memory_space<hbm>>
      %dma_start3A_147 = tpu.memref_squeeze %dma_start3A_146 : memref<1x4096xi32, #tpu.memory_space<hbm>> -> memref<4096xi32, #tpu.memory_space<hbm>>
      %dma_start3A_148 = tpu.memref_slice %dma_start3A_147[%mul3A_2] : memref<4096xi32, #tpu.memory_space<hbm>> -> memref<128xi32, #tpu.memory_space<hbm>>
      tpu.enqueue_dma source(%dma_start3A_148 : memref<128xi32, #tpu.memory_space<hbm>>) target(%arg7 : memref<128xi32, #tpu.memory_space<vmem>>) target_semaphore(%run_scoped3A_140 : memref<!tpu.dma_semaphore, #tpu.memory_space<semaphore_mem>>)
      %dma_wait3A_149 = arith.constant 0 : i32
      %dma_wait3A_150 = tpu.memref_slice %arg2[%run_scoped3A_70, %dma_wait3A_149] : memref<4x4096xi32, #tpu.memory_space<hbm>> -> memref<1x4096xi32, #tpu.memory_space<hbm>>
      %dma_wait3A_151 = tpu.memref_squeeze %dma_wait3A_150 : memref<1x4096xi32, #tpu.memory_space<hbm>> -> memref<4096xi32, #tpu.memory_space<hbm>>
      %dma_wait3A_152 = tpu.memref_slice %dma_wait3A_151[%mul3A_2] : memref<4096xi32, #tpu.memory_space<hbm>> -> memref<128xi32, #tpu.memory_space<hbm>>
      %dma_wait3A_153 = arith.constant 0 : i32
      %dma_wait3A_154 = tpu.memref_slice %arg2[%run_scoped3A_70, %dma_wait3A_153] : memref<4x4096xi32, #tpu.memory_space<hbm>> -> memref<1x4096xi32, #tpu.memory_space<hbm>>
      %dma_wait3A_155 = tpu.memref_squeeze %dma_wait3A_154 : memref<1x4096xi32, #tpu.memory_space<hbm>> -> memref<4096xi32, #tpu.memory_space<hbm>>
      %dma_wait3A_156 = tpu.memref_slice %dma_wait3A_155[%mul3A_2] : memref<4096xi32, #tpu.memory_space<hbm>> -> memref<128xi32, #tpu.memory_space<hbm>>
      tpu.wait_dma2 semaphore(%run_scoped3A_140 : memref<!tpu.dma_semaphore, #tpu.memory_space<semaphore_mem>>) src(%dma_wait3A_156 : memref<128xi32, #tpu.memory_space<hbm>>) dst(%arg7 : memref<128xi32, #tpu.memory_space<vmem>>)
      tpu.yield
    }) : () -> ()
    %run_scoped3A_71 = arith.constant 2 : i32
    "tpu.region"() ({
      %run_scoped3A_140 = tpu.sem_alloc : memref<!tpu.dma_semaphore, #tpu.memory_space<semaphore_mem>>
      %dma_start3A_141 = arith.constant 0 : i32
      %dma_start3A_142 = arith.constant 0 : i32
      %dma_start3A_143 = tpu.memref_slice %arg3[%run_scoped3A_71, %dma_start3A_141, %dma_start3A_142] : memref<4x4096x128xi32, #tpu.memory_space<hbm>> -> memref<1x4096x128xi32, #tpu.memory_space<hbm>>
      %dma_start3A_144 = tpu.memref_squeeze %dma_start3A_143 : memref<1x4096x128xi32, #tpu.memory_space<hbm>> -> memref<4096x128xi32, #tpu.memory_space<hbm>>
      %dma_start3A_145 = arith.constant 0 : i32
      %dma_start3A_146 = tpu.memref_slice %dma_start3A_144[%mul3A_2, %dma_start3A_145] : memref<4096x128xi32, #tpu.memory_space<hbm>> -> memref<128x128xi32, #tpu.memory_space<hbm>>
      %dma_start3A_147 = arith.constant 0 : i32
      %dma_start3A_148 = arith.constant 0 : i32
      %dma_start3A_149 = tpu.memref_slice %arg3[%run_scoped3A_71, %dma_start3A_147, %dma_start3A_148] : memref<4x4096x128xi32, #tpu.memory_space<hbm>> -> memref<1x4096x128xi32, #tpu.memory_space<hbm>>
      %dma_start3A_150 = tpu.memref_squeeze %dma_start3A_149 : memref<1x4096x128xi32, #tpu.memory_space<hbm>> -> memref<4096x128xi32, #tpu.memory_space<hbm>>
      %dma_start3A_151 = arith.constant 0 : i32
      %dma_start3A_152 = tpu.memref_slice %dma_start3A_150[%mul3A_2, %dma_start3A_151] : memref<4096x128xi32, #tpu.memory_space<hbm>> -> memref<128x128xi32, #tpu.memory_space<hbm>>
      tpu.enqueue_dma source(%dma_start3A_152 : memref<128x128xi32, #tpu.memory_space<hbm>>) target(%arg8 : memref<128x128xi32, #tpu.memory_space<vmem>>) target_semaphore(%run_scoped3A_140 : memref<!tpu.dma_semaphore, #tpu.memory_space<semaphore_mem>>)
      %dma_wait3A_153 = arith.constant 0 : i32
      %dma_wait3A_154 = arith.constant 0 : i32
      %dma_wait3A_155 = tpu.memref_slice %arg3[%run_scoped3A_71, %dma_wait3A_153, %dma_wait3A_154] : memref<4x4096x128xi32, #tpu.memory_space<hbm>> -> memref<1x4096x128xi32, #tpu.memory_space<hbm>>
      %dma_wait3A_156 = tpu.memref_squeeze %dma_wait3A_155 : memref<1x4096x128xi32, #tpu.memory_space<hbm>> -> memref<4096x128xi32, #tpu.memory_space<hbm>>
      %dma_wait3A_157 = arith.constant 0 : i32
      %dma_wait3A_158 = tpu.memref_slice %dma_wait3A_156[%mul3A_2, %dma_wait3A_157] : memref<4096x128xi32, #tpu.memory_space<hbm>> -> memref<128x128xi32, #tpu.memory_space<hbm>>
      %dma_wait3A_159 = arith.constant 0 : i32
      %dma_wait3A_160 = arith.constant 0 : i32
      %dma_wait3A_161 = tpu.memref_slice %arg3[%run_scoped3A_71, %dma_wait3A_159, %dma_wait3A_160] : memref<4x4096x128xi32, #tpu.memory_space<hbm>> -> memref<1x4096x128xi32, #tpu.memory_space<hbm>>
      %dma_wait3A_162 = tpu.memref_squeeze %dma_wait3A_161 : memref<1x4096x128xi32, #tpu.memory_space<hbm>> -> memref<4096x128xi32, #tpu.memory_space<hbm>>
      %dma_wait3A_163 = arith.constant 0 : i32
      %dma_wait3A_164 = tpu.memref_slice %dma_wait3A_162[%mul3A_2, %dma_wait3A_163] : memref<4096x128xi32, #tpu.memory_space<hbm>> -> memref<128x128xi32, #tpu.memory_space<hbm>>
      tpu.wait_dma2 semaphore(%run_scoped3A_140 : memref<!tpu.dma_semaphore, #tpu.memory_space<semaphore_mem>>) src(%dma_wait3A_164 : memref<128x128xi32, #tpu.memory_space<hbm>>) dst(%arg8 : memref<128x128xi32, #tpu.memory_space<vmem>>)
      tpu.yield
    }) : () -> ()
    %run_scoped3A_72 = arith.constant 2 : i32
    "tpu.region"() ({
      %run_scoped3A_140 = tpu.sem_alloc : memref<!tpu.dma_semaphore, #tpu.memory_space<semaphore_mem>>
      %dma_start3A_141 = arith.constant 0 : i32
      %dma_start3A_142 = arith.constant 0 : i32
      %dma_start3A_143 = tpu.memref_slice %arg4[%run_scoped3A_72, %dma_start3A_141, %dma_start3A_142] : memref<4x4096x128xf32, #tpu.memory_space<hbm>> -> memref<1x4096x128xf32, #tpu.memory_space<hbm>>
      %dma_start3A_144 = tpu.memref_squeeze %dma_start3A_143 : memref<1x4096x128xf32, #tpu.memory_space<hbm>> -> memref<4096x128xf32, #tpu.memory_space<hbm>>
      %dma_start3A_145 = arith.constant 0 : i32
      %dma_start3A_146 = tpu.memref_slice %dma_start3A_144[%mul3A_2, %dma_start3A_145] : memref<4096x128xf32, #tpu.memory_space<hbm>> -> memref<128x128xf32, #tpu.memory_space<hbm>>
      %dma_start3A_147 = arith.constant 0 : i32
      %dma_start3A_148 = arith.constant 0 : i32
      %dma_start3A_149 = tpu.memref_slice %arg4[%run_scoped3A_72, %dma_start3A_147, %dma_start3A_148] : memref<4x4096x128xf32, #tpu.memory_space<hbm>> -> memref<1x4096x128xf32, #tpu.memory_space<hbm>>
      %dma_start3A_150 = tpu.memref_squeeze %dma_start3A_149 : memref<1x4096x128xf32, #tpu.memory_space<hbm>> -> memref<4096x128xf32, #tpu.memory_space<hbm>>
      %dma_start3A_151 = arith.constant 0 : i32
      %dma_start3A_152 = tpu.memref_slice %dma_start3A_150[%mul3A_2, %dma_start3A_151] : memref<4096x128xf32, #tpu.memory_space<hbm>> -> memref<128x128xf32, #tpu.memory_space<hbm>>
      tpu.enqueue_dma source(%dma_start3A_152 : memref<128x128xf32, #tpu.memory_space<hbm>>) target(%arg9 : memref<128x128xf32, #tpu.memory_space<vmem>>) target_semaphore(%run_scoped3A_140 : memref<!tpu.dma_semaphore, #tpu.memory_space<semaphore_mem>>)
      %dma_wait3A_153 = arith.constant 0 : i32
      %dma_wait3A_154 = arith.constant 0 : i32
      %dma_wait3A_155 = tpu.memref_slice %arg4[%run_scoped3A_72, %dma_wait3A_153, %dma_wait3A_154] : memref<4x4096x128xf32, #tpu.memory_space<hbm>> -> memref<1x4096x128xf32, #tpu.memory_space<hbm>>
      %dma_wait3A_156 = tpu.memref_squeeze %dma_wait3A_155 : memref<1x4096x128xf32, #tpu.memory_space<hbm>> -> memref<4096x128xf32, #tpu.memory_space<hbm>>
      %dma_wait3A_157 = arith.constant 0 : i32
      %dma_wait3A_158 = tpu.memref_slice %dma_wait3A_156[%mul3A_2, %dma_wait3A_157] : memref<4096x128xf32, #tpu.memory_space<hbm>> -> memref<128x128xf32, #tpu.memory_space<hbm>>
      %dma_wait3A_159 = arith.constant 0 : i32
      %dma_wait3A_160 = arith.constant 0 : i32
      %dma_wait3A_161 = tpu.memref_slice %arg4[%run_scoped3A_72, %dma_wait3A_159, %dma_wait3A_160] : memref<4x4096x128xf32, #tpu.memory_space<hbm>> -> memref<1x4096x128xf32, #tpu.memory_space<hbm>>
      %dma_wait3A_162 = tpu.memref_squeeze %dma_wait3A_161 : memref<1x4096x128xf32, #tpu.memory_space<hbm>> -> memref<4096x128xf32, #tpu.memory_space<hbm>>
      %dma_wait3A_163 = arith.constant 0 : i32
      %dma_wait3A_164 = tpu.memref_slice %dma_wait3A_162[%mul3A_2, %dma_wait3A_163] : memref<4096x128xf32, #tpu.memory_space<hbm>> -> memref<128x128xf32, #tpu.memory_space<hbm>>
      tpu.wait_dma2 semaphore(%run_scoped3A_140 : memref<!tpu.dma_semaphore, #tpu.memory_space<semaphore_mem>>) src(%dma_wait3A_164 : memref<128x128xf32, #tpu.memory_space<hbm>>) dst(%arg9 : memref<128x128xf32, #tpu.memory_space<vmem>>)
      tpu.yield
    }) : () -> ()
    %dma_start3A_73 = arith.constant 2 : i32
    %dma_start3A_74 = arith.constant 0 : i32
    %dma_start3A_75 = arith.constant 0 : i32
    %dma_start3A_76 = tpu.memref_slice %arg5[%dma_start3A_73, %dma_start3A_74, %dma_start3A_75] : memref<4x4096x128xi32, #tpu.memory_space<hbm>> -> memref<1x4096x128xi32, #tpu.memory_space<hbm>>
    %dma_start3A_77 = tpu.memref_squeeze %dma_start3A_76 : memref<1x4096x128xi32, #tpu.memory_space<hbm>> -> memref<4096x128xi32, #tpu.memory_space<hbm>>
    %dma_start3A_78 = arith.constant 0 : i32
    %dma_start3A_79 = arith.constant 0 : i32
    %dma_start3A_80 = tpu.memref_slice %dma_start3A_77[%dma_start3A_78, %dma_start3A_79] : memref<4096x128xi32, #tpu.memory_space<hbm>> -> memref<4096x128xi32, #tpu.memory_space<hbm>>
    tpu.enqueue_indirect_dma source(%arg8 : memref<128x128xi32, #tpu.memory_space<vmem>>) target(%dma_start3A_80 : memref<4096x128xi32, #tpu.memory_space<hbm>>) offsets(%arg7 : memref<128xi32, #tpu.memory_space<vmem>>) semaphore(%arg10 : memref<!tpu.dma_semaphore, #tpu.memory_space<semaphore_mem>>)
    %dma_start3A_81 = arith.constant 2 : i32
    %dma_start3A_82 = arith.constant 0 : i32
    %dma_start3A_83 = arith.constant 0 : i32
    %dma_start3A_84 = tpu.memref_slice %arg6[%dma_start3A_81, %dma_start3A_82, %dma_start3A_83] : memref<4x4096x128xf32, #tpu.memory_space<hbm>> -> memref<1x4096x128xf32, #tpu.memory_space<hbm>>
    %dma_start3A_85 = tpu.memref_squeeze %dma_start3A_84 : memref<1x4096x128xf32, #tpu.memory_space<hbm>> -> memref<4096x128xf32, #tpu.memory_space<hbm>>
    %dma_start3A_86 = arith.constant 0 : i32
    %dma_start3A_87 = arith.constant 0 : i32
    %dma_start3A_88 = tpu.memref_slice %dma_start3A_85[%dma_start3A_86, %dma_start3A_87] : memref<4096x128xf32, #tpu.memory_space<hbm>> -> memref<4096x128xf32, #tpu.memory_space<hbm>>
    tpu.enqueue_indirect_dma source(%arg9 : memref<128x128xf32, #tpu.memory_space<vmem>>) target(%dma_start3A_88 : memref<4096x128xf32, #tpu.memory_space<hbm>>) offsets(%arg7 : memref<128xi32, #tpu.memory_space<vmem>>) semaphore(%arg10 : memref<!tpu.dma_semaphore, #tpu.memory_space<semaphore_mem>>)
    %dma_wait3A_89 = arith.constant 2 : i32
    %dma_wait3A_90 = arith.constant 0 : i32
    %dma_wait3A_91 = arith.constant 0 : i32
    %dma_wait3A_92 = tpu.memref_slice %arg5[%dma_wait3A_89, %dma_wait3A_90, %dma_wait3A_91] : memref<4x4096x128xi32, #tpu.memory_space<hbm>> -> memref<1x4096x128xi32, #tpu.memory_space<hbm>>
    %dma_wait3A_93 = tpu.memref_squeeze %dma_wait3A_92 : memref<1x4096x128xi32, #tpu.memory_space<hbm>> -> memref<4096x128xi32, #tpu.memory_space<hbm>>
    %dma_wait3A_94 = arith.constant 0 : i32
    %dma_wait3A_95 = arith.constant 0 : i32
    %dma_wait3A_96 = tpu.memref_slice %dma_wait3A_93[%dma_wait3A_94, %dma_wait3A_95] : memref<4096x128xi32, #tpu.memory_space<hbm>> -> memref<4096x128xi32, #tpu.memory_space<hbm>>
    tpu.wait_indirect_dma semaphore(%arg10 : memref<!tpu.dma_semaphore, #tpu.memory_space<semaphore_mem>>) src(%arg8 : memref<128x128xi32, #tpu.memory_space<vmem>>) dst(%dma_wait3A_96 : memref<4096x128xi32, #tpu.memory_space<hbm>>)
    %dma_wait3A_97 = arith.constant 2 : i32
    %dma_wait3A_98 = arith.constant 0 : i32
    %dma_wait3A_99 = arith.constant 0 : i32
    %dma_wait3A_100 = tpu.memref_slice %arg6[%dma_wait3A_97, %dma_wait3A_98, %dma_wait3A_99] : memref<4x4096x128xf32, #tpu.memory_space<hbm>> -> memref<1x4096x128xf32, #tpu.memory_space<hbm>>
    %dma_wait3A_101 = tpu.memref_squeeze %dma_wait3A_100 : memref<1x4096x128xf32, #tpu.memory_space<hbm>> -> memref<4096x128xf32, #tpu.memory_space<hbm>>
    %dma_wait3A_102 = arith.constant 0 : i32
    %dma_wait3A_103 = arith.constant 0 : i32
    %dma_wait3A_104 = tpu.memref_slice %dma_wait3A_101[%dma_wait3A_102, %dma_wait3A_103] : memref<4096x128xf32, #tpu.memory_space<hbm>> -> memref<4096x128xf32, #tpu.memory_space<hbm>>
    tpu.wait_indirect_dma semaphore(%arg10 : memref<!tpu.dma_semaphore, #tpu.memory_space<semaphore_mem>>) src(%arg9 : memref<128x128xf32, #tpu.memory_space<vmem>>) dst(%dma_wait3A_104 : memref<4096x128xf32, #tpu.memory_space<hbm>>)
    %run_scoped3A_105 = arith.constant 3 : i32
    "tpu.region"() ({
      %run_scoped3A_140 = tpu.sem_alloc : memref<!tpu.dma_semaphore, #tpu.memory_space<semaphore_mem>>
      %dma_start3A_141 = arith.constant 0 : i32
      %dma_start3A_142 = tpu.memref_slice %arg2[%run_scoped3A_105, %dma_start3A_141] : memref<4x4096xi32, #tpu.memory_space<hbm>> -> memref<1x4096xi32, #tpu.memory_space<hbm>>
      %dma_start3A_143 = tpu.memref_squeeze %dma_start3A_142 : memref<1x4096xi32, #tpu.memory_space<hbm>> -> memref<4096xi32, #tpu.memory_space<hbm>>
      %dma_start3A_144 = tpu.memref_slice %dma_start3A_143[%mul3A_2] : memref<4096xi32, #tpu.memory_space<hbm>> -> memref<128xi32, #tpu.memory_space<hbm>>
      %dma_start3A_145 = arith.constant 0 : i32
      %dma_start3A_146 = tpu.memref_slice %arg2[%run_scoped3A_105, %dma_start3A_145] : memref<4x4096xi32, #tpu.memory_space<hbm>> -> memref<1x4096xi32, #tpu.memory_space<hbm>>
      %dma_start3A_147 = tpu.memref_squeeze %dma_start3A_146 : memref<1x4096xi32, #tpu.memory_space<hbm>> -> memref<4096xi32, #tpu.memory_space<hbm>>
      %dma_start3A_148 = tpu.memref_slice %dma_start3A_147[%mul3A_2] : memref<4096xi32, #tpu.memory_space<hbm>> -> memref<128xi32, #tpu.memory_space<hbm>>
      tpu.enqueue_dma source(%dma_start3A_148 : memref<128xi32, #tpu.memory_space<hbm>>) target(%arg7 : memref<128xi32, #tpu.memory_space<vmem>>) target_semaphore(%run_scoped3A_140 : memref<!tpu.dma_semaphore, #tpu.memory_space<semaphore_mem>>)
      %dma_wait3A_149 = arith.constant 0 : i32
      %dma_wait3A_150 = tpu.memref_slice %arg2[%run_scoped3A_105, %dma_wait3A_149] : memref<4x4096xi32, #tpu.memory_space<hbm>> -> memref<1x4096xi32, #tpu.memory_space<hbm>>
      %dma_wait3A_151 = tpu.memref_squeeze %dma_wait3A_150 : memref<1x4096xi32, #tpu.memory_space<hbm>> -> memref<4096xi32, #tpu.memory_space<hbm>>
      %dma_wait3A_152 = tpu.memref_slice %dma_wait3A_151[%mul3A_2] : memref<4096xi32, #tpu.memory_space<hbm>> -> memref<128xi32, #tpu.memory_space<hbm>>
      %dma_wait3A_153 = arith.constant 0 : i32
      %dma_wait3A_154 = tpu.memref_slice %arg2[%run_scoped3A_105, %dma_wait3A_153] : memref<4x4096xi32, #tpu.memory_space<hbm>> -> memref<1x4096xi32, #tpu.memory_space<hbm>>
      %dma_wait3A_155 = tpu.memref_squeeze %dma_wait3A_154 : memref<1x4096xi32, #tpu.memory_space<hbm>> -> memref<4096xi32, #tpu.memory_space<hbm>>
      %dma_wait3A_156 = tpu.memref_slice %dma_wait3A_155[%mul3A_2] : memref<4096xi32, #tpu.memory_space<hbm>> -> memref<128xi32, #tpu.memory_space<hbm>>
      tpu.wait_dma2 semaphore(%run_scoped3A_140 : memref<!tpu.dma_semaphore, #tpu.memory_space<semaphore_mem>>) src(%dma_wait3A_156 : memref<128xi32, #tpu.memory_space<hbm>>) dst(%arg7 : memref<128xi32, #tpu.memory_space<vmem>>)
      tpu.yield
    }) : () -> ()
    %run_scoped3A_106 = arith.constant 3 : i32
    "tpu.region"() ({
      %run_scoped3A_140 = tpu.sem_alloc : memref<!tpu.dma_semaphore, #tpu.memory_space<semaphore_mem>>
      %dma_start3A_141 = arith.constant 0 : i32
      %dma_start3A_142 = arith.constant 0 : i32
      %dma_start3A_143 = tpu.memref_slice %arg3[%run_scoped3A_106, %dma_start3A_141, %dma_start3A_142] : memref<4x4096x128xi32, #tpu.memory_space<hbm>> -> memref<1x4096x128xi32, #tpu.memory_space<hbm>>
      %dma_start3A_144 = tpu.memref_squeeze %dma_start3A_143 : memref<1x4096x128xi32, #tpu.memory_space<hbm>> -> memref<4096x128xi32, #tpu.memory_space<hbm>>
      %dma_start3A_145 = arith.constant 0 : i32
      %dma_start3A_146 = tpu.memref_slice %dma_start3A_144[%mul3A_2, %dma_start3A_145] : memref<4096x128xi32, #tpu.memory_space<hbm>> -> memref<128x128xi32, #tpu.memory_space<hbm>>
      %dma_start3A_147 = arith.constant 0 : i32
      %dma_start3A_148 = arith.constant 0 : i32
      %dma_start3A_149 = tpu.memref_slice %arg3[%run_scoped3A_106, %dma_start3A_147, %dma_start3A_148] : memref<4x4096x128xi32, #tpu.memory_space<hbm>> -> memref<1x4096x128xi32, #tpu.memory_space<hbm>>
      %dma_start3A_150 = tpu.memref_squeeze %dma_start3A_149 : memref<1x4096x128xi32, #tpu.memory_space<hbm>> -> memref<4096x128xi32, #tpu.memory_space<hbm>>
      %dma_start3A_151 = arith.constant 0 : i32
      %dma_start3A_152 = tpu.memref_slice %dma_start3A_150[%mul3A_2, %dma_start3A_151] : memref<4096x128xi32, #tpu.memory_space<hbm>> -> memref<128x128xi32, #tpu.memory_space<hbm>>
      tpu.enqueue_dma source(%dma_start3A_152 : memref<128x128xi32, #tpu.memory_space<hbm>>) target(%arg8 : memref<128x128xi32, #tpu.memory_space<vmem>>) target_semaphore(%run_scoped3A_140 : memref<!tpu.dma_semaphore, #tpu.memory_space<semaphore_mem>>)
      %dma_wait3A_153 = arith.constant 0 : i32
      %dma_wait3A_154 = arith.constant 0 : i32
      %dma_wait3A_155 = tpu.memref_slice %arg3[%run_scoped3A_106, %dma_wait3A_153, %dma_wait3A_154] : memref<4x4096x128xi32, #tpu.memory_space<hbm>> -> memref<1x4096x128xi32, #tpu.memory_space<hbm>>
      %dma_wait3A_156 = tpu.memref_squeeze %dma_wait3A_155 : memref<1x4096x128xi32, #tpu.memory_space<hbm>> -> memref<4096x128xi32, #tpu.memory_space<hbm>>
      %dma_wait3A_157 = arith.constant 0 : i32
      %dma_wait3A_158 = tpu.memref_slice %dma_wait3A_156[%mul3A_2, %dma_wait3A_157] : memref<4096x128xi32, #tpu.memory_space<hbm>> -> memref<128x128xi32, #tpu.memory_space<hbm>>
      %dma_wait3A_159 = arith.constant 0 : i32
      %dma_wait3A_160 = arith.constant 0 : i32
      %dma_wait3A_161 = tpu.memref_slice %arg3[%run_scoped3A_106, %dma_wait3A_159, %dma_wait3A_160] : memref<4x4096x128xi32, #tpu.memory_space<hbm>> -> memref<1x4096x128xi32, #tpu.memory_space<hbm>>
      %dma_wait3A_162 = tpu.memref_squeeze %dma_wait3A_161 : memref<1x4096x128xi32, #tpu.memory_space<hbm>> -> memref<4096x128xi32, #tpu.memory_space<hbm>>
      %dma_wait3A_163 = arith.constant 0 : i32
      %dma_wait3A_164 = tpu.memref_slice %dma_wait3A_162[%mul3A_2, %dma_wait3A_163] : memref<4096x128xi32, #tpu.memory_space<hbm>> -> memref<128x128xi32, #tpu.memory_space<hbm>>
      tpu.wait_dma2 semaphore(%run_scoped3A_140 : memref<!tpu.dma_semaphore, #tpu.memory_space<semaphore_mem>>) src(%dma_wait3A_164 : memref<128x128xi32, #tpu.memory_space<hbm>>) dst(%arg8 : memref<128x128xi32, #tpu.memory_space<vmem>>)
      tpu.yield
    }) : () -> ()
    %run_scoped3A_107 = arith.constant 3 : i32
    "tpu.region"() ({
      %run_scoped3A_140 = tpu.sem_alloc : memref<!tpu.dma_semaphore, #tpu.memory_space<semaphore_mem>>
      %dma_start3A_141 = arith.constant 0 : i32
      %dma_start3A_142 = arith.constant 0 : i32
      %dma_start3A_143 = tpu.memref_slice %arg4[%run_scoped3A_107, %dma_start3A_141, %dma_start3A_142] : memref<4x4096x128xf32, #tpu.memory_space<hbm>> -> memref<1x4096x128xf32, #tpu.memory_space<hbm>>
      %dma_start3A_144 = tpu.memref_squeeze %dma_start3A_143 : memref<1x4096x128xf32, #tpu.memory_space<hbm>> -> memref<4096x128xf32, #tpu.memory_space<hbm>>
      %dma_start3A_145 = arith.constant 0 : i32
      %dma_start3A_146 = tpu.memref_slice %dma_start3A_144[%mul3A_2, %dma_start3A_145] : memref<4096x128xf32, #tpu.memory_space<hbm>> -> memref<128x128xf32, #tpu.memory_space<hbm>>
      %dma_start3A_147 = arith.constant 0 : i32
      %dma_start3A_148 = arith.constant 0 : i32
      %dma_start3A_149 = tpu.memref_slice %arg4[%run_scoped3A_107, %dma_start3A_147, %dma_start3A_148] : memref<4x4096x128xf32, #tpu.memory_space<hbm>> -> memref<1x4096x128xf32, #tpu.memory_space<hbm>>
      %dma_start3A_150 = tpu.memref_squeeze %dma_start3A_149 : memref<1x4096x128xf32, #tpu.memory_space<hbm>> -> memref<4096x128xf32, #tpu.memory_space<hbm>>
      %dma_start3A_151 = arith.constant 0 : i32
      %dma_start3A_152 = tpu.memref_slice %dma_start3A_150[%mul3A_2, %dma_start3A_151] : memref<4096x128xf32, #tpu.memory_space<hbm>> -> memref<128x128xf32, #tpu.memory_space<hbm>>
      tpu.enqueue_dma source(%dma_start3A_152 : memref<128x128xf32, #tpu.memory_space<hbm>>) target(%arg9 : memref<128x128xf32, #tpu.memory_space<vmem>>) target_semaphore(%run_scoped3A_140 : memref<!tpu.dma_semaphore, #tpu.memory_space<semaphore_mem>>)
      %dma_wait3A_153 = arith.constant 0 : i32
      %dma_wait3A_154 = arith.constant 0 : i32
      %dma_wait3A_155 = tpu.memref_slice %arg4[%run_scoped3A_107, %dma_wait3A_153, %dma_wait3A_154] : memref<4x4096x128xf32, #tpu.memory_space<hbm>> -> memref<1x4096x128xf32, #tpu.memory_space<hbm>>
      %dma_wait3A_156 = tpu.memref_squeeze %dma_wait3A_155 : memref<1x4096x128xf32, #tpu.memory_space<hbm>> -> memref<4096x128xf32, #tpu.memory_space<hbm>>
      %dma_wait3A_157 = arith.constant 0 : i32
      %dma_wait3A_158 = tpu.memref_slice %dma_wait3A_156[%mul3A_2, %dma_wait3A_157] : memref<4096x128xf32, #tpu.memory_space<hbm>> -> memref<128x128xf32, #tpu.memory_space<hbm>>
      %dma_wait3A_159 = arith.constant 0 : i32
      %dma_wait3A_160 = arith.constant 0 : i32
      %dma_wait3A_161 = tpu.memref_slice %arg4[%run_scoped3A_107, %dma_wait3A_159, %dma_wait3A_160] : memref<4x4096x128xf32, #tpu.memory_space<hbm>> -> memref<1x4096x128xf32, #tpu.memory_space<hbm>>
      %dma_wait3A_162 = tpu.memref_squeeze %dma_wait3A_161 : memref<1x4096x128xf32, #tpu.memory_space<hbm>> -> memref<4096x128xf32, #tpu.memory_space<hbm>>
      %dma_wait3A_163 = arith.constant 0 : i32
      %dma_wait3A_164 = tpu.memref_slice %dma_wait3A_162[%mul3A_2, %dma_wait3A_163] : memref<4096x128xf32, #tpu.memory_space<hbm>> -> memref<128x128xf32, #tpu.memory_space<hbm>>
      tpu.wait_dma2 semaphore(%run_scoped3A_140 : memref<!tpu.dma_semaphore, #tpu.memory_space<semaphore_mem>>) src(%dma_wait3A_164 : memref<128x128xf32, #tpu.memory_space<hbm>>) dst(%arg9 : memref<128x128xf32, #tpu.memory_space<vmem>>)
      tpu.yield
    }) : () -> ()
    %dma_start3A_108 = arith.constant 3 : i32
    %dma_start3A_109 = arith.constant 0 : i32
    %dma_start3A_110 = arith.constant 0 : i32
    %dma_start3A_111 = tpu.memref_slice %arg5[%dma_start3A_108, %dma_start3A_109, %dma_start3A_110] : memref<4x4096x128xi32, #tpu.memory_space<hbm>> -> memref<1x4096x128xi32, #tpu.memory_space<hbm>>
    %dma_start3A_112 = tpu.memref_squeeze %dma_start3A_111 : memref<1x4096x128xi32, #tpu.memory_space<hbm>> -> memref<4096x128xi32, #tpu.memory_space<hbm>>
    %dma_start3A_113 = arith.constant 0 : i32
    %dma_start3A_114 = arith.constant 0 : i32
    %dma_start3A_115 = tpu.memref_slice %dma_start3A_112[%dma_start3A_113, %dma_start3A_114] : memref<4096x128xi32, #tpu.memory_space<hbm>> -> memref<4096x128xi32, #tpu.memory_space<hbm>>
    tpu.enqueue_indirect_dma source(%arg8 : memref<128x128xi32, #tpu.memory_space<vmem>>) target(%dma_start3A_115 : memref<4096x128xi32, #tpu.memory_space<hbm>>) offsets(%arg7 : memref<128xi32, #tpu.memory_space<vmem>>) semaphore(%arg10 : memref<!tpu.dma_semaphore, #tpu.memory_space<semaphore_mem>>)
    %dma_start3A_116 = arith.constant 3 : i32
    %dma_start3A_117 = arith.constant 0 : i32
    %dma_start3A_118 = arith.constant 0 : i32
    %dma_start3A_119 = tpu.memref_slice %arg6[%dma_start3A_116, %dma_start3A_117, %dma_start3A_118] : memref<4x4096x128xf32, #tpu.memory_space<hbm>> -> memref<1x4096x128xf32, #tpu.memory_space<hbm>>
    %dma_start3A_120 = tpu.memref_squeeze %dma_start3A_119 : memref<1x4096x128xf32, #tpu.memory_space<hbm>> -> memref<4096x128xf32, #tpu.memory_space<hbm>>
    %dma_start3A_121 = arith.constant 0 : i32
    %dma_start3A_122 = arith.constant 0 : i32
    %dma_start3A_123 = tpu.memref_slice %dma_start3A_120[%dma_start3A_121, %dma_start3A_122] : memref<4096x128xf32, #tpu.memory_space<hbm>> -> memref<4096x128xf32, #tpu.memory_space<hbm>>
    tpu.enqueue_indirect_dma source(%arg9 : memref<128x128xf32, #tpu.memory_space<vmem>>) target(%dma_start3A_123 : memref<4096x128xf32, #tpu.memory_space<hbm>>) offsets(%arg7 : memref<128xi32, #tpu.memory_space<vmem>>) semaphore(%arg10 : memref<!tpu.dma_semaphore, #tpu.memory_space<semaphore_mem>>)
    %dma_wait3A_124 = arith.constant 3 : i32
    %dma_wait3A_125 = arith.constant 0 : i32
    %dma_wait3A_126 = arith.constant 0 : i32
    %dma_wait3A_127 = tpu.memref_slice %arg5[%dma_wait3A_124, %dma_wait3A_125, %dma_wait3A_126] : memref<4x4096x128xi32, #tpu.memory_space<hbm>> -> memref<1x4096x128xi32, #tpu.memory_space<hbm>>
    %dma_wait3A_128 = tpu.memref_squeeze %dma_wait3A_127 : memref<1x4096x128xi32, #tpu.memory_space<hbm>> -> memref<4096x128xi32, #tpu.memory_space<hbm>>
    %dma_wait3A_129 = arith.constant 0 : i32
    %dma_wait3A_130 = arith.constant 0 : i32
    %dma_wait3A_131 = tpu.memref_slice %dma_wait3A_128[%dma_wait3A_129, %dma_wait3A_130] : memref<4096x128xi32, #tpu.memory_space<hbm>> -> memref<4096x128xi32, #tpu.memory_space<hbm>>
    tpu.wait_indirect_dma semaphore(%arg10 : memref<!tpu.dma_semaphore, #tpu.memory_space<semaphore_mem>>) src(%arg8 : memref<128x128xi32, #tpu.memory_space<vmem>>) dst(%dma_wait3A_131 : memref<4096x128xi32, #tpu.memory_space<hbm>>)
    %dma_wait3A_132 = arith.constant 3 : i32
    %dma_wait3A_133 = arith.constant 0 : i32
    %dma_wait3A_134 = arith.constant 0 : i32
    %dma_wait3A_135 = tpu.memref_slice %arg6[%dma_wait3A_132, %dma_wait3A_133, %dma_wait3A_134] : memref<4x4096x128xf32, #tpu.memory_space<hbm>> -> memref<1x4096x128xf32, #tpu.memory_space<hbm>>
    %dma_wait3A_136 = tpu.memref_squeeze %dma_wait3A_135 : memref<1x4096x128xf32, #tpu.memory_space<hbm>> -> memref<4096x128xf32, #tpu.memory_space<hbm>>
    %dma_wait3A_137 = arith.constant 0 : i32
    %dma_wait3A_138 = arith.constant 0 : i32
    %dma_wait3A_139 = tpu.memref_slice %dma_wait3A_136[%dma_wait3A_137, %dma_wait3A_138] : memref<4096x128xf32, #tpu.memory_space<hbm>> -> memref<4096x128xf32, #tpu.memory_space<hbm>>
    tpu.wait_indirect_dma semaphore(%arg10 : memref<!tpu.dma_semaphore, #tpu.memory_space<semaphore_mem>>) src(%arg9 : memref<128x128xf32, #tpu.memory_space<vmem>>) dst(%dma_wait3A_139 : memref<4096x128xf32, #tpu.memory_space<hbm>>)
    return
  }
}

module attributes {stable_mosaic.version = 14 : i64} {
  func.func @_rank_body(%arg0: i32, %arg1: memref<1x4096x128xf32, #tpu.memory_space<vmem>>, %arg2: memref<128x16xf32, #tpu.memory_space<vmem>>, %arg3: memref<1x4096x1xf32, #tpu.memory_space<vmem>>, %arg4: memref<1x4096x1xi32, #tpu.memory_space<vmem>>) attributes {dimension_semantics = [#tpu.dimension_semantics<arbitrary>], iteration_bounds = array<i64: 4>, scalar_prefetch = 0 : i64, scratch_operands = 0 : i64, tpu.core_type = #tpu.core_type<tc>, window_params = [{transform_indices = @transform_0, window_bounds = array<i64: 1, 4096, 128>}, {pipeline_mode = #tpu.pipeline_mode<synchronous>, transform_indices = @transform_1, window_bounds = array<i64: 128, 16>}, {transform_indices = @transform_2, window_bounds = array<i64: 1, 4096, 1>}, {transform_indices = @transform_3, window_bounds = array<i64: 1, 4096, 1>}]} {
    %get3A = arith.constant 0 : index
    %get3A_0 = arith.constant 0 : index
    %get3A_1 = arith.constant 0 : index
    %get3A_2 = vector.load %arg1[%get3A, %get3A_0, %get3A_1] : memref<1x4096x128xf32, #tpu.memory_space<vmem>>, vector<1x4096x128xf32>
    %get3A_3 = vector.shape_cast %get3A_2 : vector<1x4096x128xf32> to vector<4096x128xf32>
    %get3A_4 = arith.constant 0 : index
    %get3A_5 = arith.constant 0 : index
    %get3A_6 = vector.load %arg2[%get3A_4, %get3A_5] : memref<128x16xf32, #tpu.memory_space<vmem>>, vector<128x16xf32>
    %get3A_7 = arith.constant 0 : index
    %get3A_8 = arith.constant 0 : index
    %get3A_9 = arith.constant 0 : index
    %get3A_10 = vector.load %arg3[%get3A_7, %get3A_8, %get3A_9] : memref<1x4096x1xf32, #tpu.memory_space<vmem>>, vector<1x4096x1xf32>
    %get3A_11 = vector.shape_cast %get3A_10 : vector<1x4096x1xf32> to vector<4096x1xf32>
    %dot_general3A = arith.constant dense<0.000000e+00> : vector<4096x16xf32>
    %dot_general3A_12 = tpu.matmul %get3A_3, %get3A_6, %dot_general3A {dimension_numbers = #tpu.dot_dimension_numbers<[1], [0], [0], [1], [0, 0, 1, 1], [], []>, transpose_lhs_hint = false} : vector<4096x128xf32>, vector<128x16xf32>, vector<4096x16xf32> -> vector<4096x16xf32>
    %neg3A = arith.constant 0.000000e+00 : f32
    %neg3A_13 = vector.broadcast %neg3A : f32 to vector<4096x16xf32>
    %neg3A_14 = arith.subf %neg3A_13, %dot_general3A_12 : vector<4096x16xf32>
    %concatenate3A = tpu.concatenate %dot_general3A_12, %neg3A_14 in 1 : vector<4096x16xf32>, vector<4096x16xf32> -> vector<4096x32xf32>
    %reduce_max3A = arith.constant dense<0xFF800000> : vector<4096xf32>
    %reduce_max3A_15 = vector.multi_reduction <maximumf>, %concatenate3A, %reduce_max3A [1] : vector<4096x32xf32> to vector<4096xf32>
    %broadcast_in_dim3A = vector.shape_cast %reduce_max3A_15 : vector<4096xf32> to vector<4096x1xf32>
    %iota3A = tpu.iota {dimensions = array<i32: 1>} : vector<4096x32xi32>
    %convert_element_type3A = arith.sitofp %iota3A : vector<4096x32xi32> to vector<4096x32xf32>
    %eq3A = vector.broadcast %broadcast_in_dim3A : vector<4096x1xf32> to vector<4096x32xf32>
    %eq3A_16 = arith.cmpf oeq, %concatenate3A, %eq3A : vector<4096x32xf32>
    %jit3A = arith.constant 6.400000e+01 : f32
    %broadcast_in_dim3A_17 = vector.broadcast %jit3A : f32 to vector<4096x32xf32>
    %select_n3A = arith.select %eq3A_16, %convert_element_type3A, %broadcast_in_dim3A_17 : vector<4096x32xi1>, vector<4096x32xf32>
    %reduce_min3A = arith.constant dense<0x7F800000> : vector<4096xf32>
    %reduce_min3A_18 = vector.multi_reduction <minimumf>, %select_n3A, %reduce_min3A [1] : vector<4096x32xf32> to vector<4096xf32>
    %broadcast_in_dim3A_19 = vector.shape_cast %reduce_min3A_18 : vector<4096xf32> to vector<4096x1xf32>
    %sub3A = arith.constant 1.000000e+00 : f32
    %sub3A_20 = vector.broadcast %sub3A : f32 to vector<4096x1xf32>
    %sub3A_21 = arith.subf %sub3A_20, %get3A_11 : vector<4096x1xf32>
    %mul3A = arith.constant 3.100000e+01 : f32
    %mul3A_22 = vector.broadcast %mul3A : f32 to vector<4096x1xf32>
    %mul3A_23 = arith.mulf %mul3A_22, %sub3A_21 : vector<4096x1xf32>
    %add3A = arith.addf %broadcast_in_dim3A_19, %mul3A_23 : vector<4096x1xf32>
    %iota3A_24 = tpu.iota {dimensions = array<i32: 1>} : vector<4096x64xi32>
    %convert_element_type3A_25 = arith.sitofp %iota3A_24 : vector<4096x64xi32> to vector<4096x64xf32>
    %eq3A_26 = vector.broadcast %add3A : vector<4096x1xf32> to vector<4096x64xf32>
    %eq3A_27 = arith.cmpf oeq, %eq3A_26, %convert_element_type3A_25 : vector<4096x64xf32>
    %jit3A_28 = arith.constant 1.000000e+00 : f32
    %jit3A_29 = arith.constant 0.000000e+00 : f32
    %broadcast_in_dim3A_30 = vector.broadcast %jit3A_28 : f32 to vector<4096x64xf32>
    %broadcast_in_dim3A_31 = vector.broadcast %jit3A_29 : f32 to vector<4096x64xf32>
    %select_n3A_32 = arith.select %eq3A_27, %broadcast_in_dim3A_30, %broadcast_in_dim3A_31 : vector<4096x64xi1>, vector<4096x64xf32>
    %broadcast_in_dim3A_33 = arith.constant 1.000000e+00 : f32
    %broadcast_in_dim3A_34 = vector.broadcast %broadcast_in_dim3A_33 : f32 to vector<4096x1xf32>
    %dot_general3A_35 = arith.constant dense<0.000000e+00> : vector<1x64xf32>
    %dot_general3A_36 = tpu.matmul %broadcast_in_dim3A_34, %select_n3A_32, %dot_general3A_35 {dimension_numbers = #tpu.dot_dimension_numbers<[0], [0], [1], [1], [0, 1, 1, 1], [], []>, transpose_lhs_hint = false} : vector<4096x1xf32>, vector<4096x64xf32>, vector<1x64xf32> -> vector<1x64xf32>
    %iota3A_37 = tpu.iota {dimensions = array<i32: 0>} : vector<64x64xi32>
    %convert_element_type3A_38 = arith.sitofp %iota3A_37 : vector<64x64xi32> to vector<64x64xf32>
    %iota3A_39 = tpu.iota {dimensions = array<i32: 1>} : vector<64x64xi32>
    %convert_element_type3A_40 = arith.sitofp %iota3A_39 : vector<64x64xi32> to vector<64x64xf32>
    %lt3A = arith.cmpf olt, %convert_element_type3A_38, %convert_element_type3A_40 : vector<64x64xf32>
    %jit3A_41 = arith.constant 1.000000e+00 : f32
    %jit3A_42 = arith.constant 0.000000e+00 : f32
    %broadcast_in_dim3A_43 = vector.broadcast %jit3A_41 : f32 to vector<64x64xf32>
    %broadcast_in_dim3A_44 = vector.broadcast %jit3A_42 : f32 to vector<64x64xf32>
    %select_n3A_45 = arith.select %lt3A, %broadcast_in_dim3A_43, %broadcast_in_dim3A_44 : vector<64x64xi1>, vector<64x64xf32>
    %dot_general3A_46 = arith.constant dense<0.000000e+00> : vector<1x64xf32>
    %dot_general3A_47 = tpu.matmul %dot_general3A_36, %select_n3A_45, %dot_general3A_46 {dimension_numbers = #tpu.dot_dimension_numbers<[1], [0], [0], [1], [0, 0, 1, 1], [], []>, transpose_lhs_hint = false} : vector<1x64xf32>, vector<64x64xf32>, vector<1x64xf32> -> vector<1x64xf32>
    %iota3A_48 = tpu.iota {dimensions = array<i32: 0>} : vector<128x128xi32>
    %convert_element_type3A_49 = arith.sitofp %iota3A_48 : vector<128x128xi32> to vector<128x128xf32>
    %iota3A_50 = tpu.iota {dimensions = array<i32: 1>} : vector<128x128xi32>
    %convert_element_type3A_51 = arith.sitofp %iota3A_50 : vector<128x128xi32> to vector<128x128xf32>
    %lt3A_52 = arith.cmpf olt, %convert_element_type3A_51, %convert_element_type3A_49 : vector<128x128xf32>
    %jit3A_53 = arith.constant 1.000000e+00 : f32
    %jit3A_54 = arith.constant 0.000000e+00 : f32
    %broadcast_in_dim3A_55 = vector.broadcast %jit3A_53 : f32 to vector<128x128xf32>
    %broadcast_in_dim3A_56 = vector.broadcast %jit3A_54 : f32 to vector<128x128xf32>
    %select_n3A_57 = arith.select %lt3A_52, %broadcast_in_dim3A_55, %broadcast_in_dim3A_56 : vector<128x128xi1>, vector<128x128xf32>
    %broadcast_in_dim3A_58 = arith.constant 1.000000e+00 : f32
    %broadcast_in_dim3A_59 = vector.broadcast %broadcast_in_dim3A_58 : f32 to vector<1x128xf32>
    %slice3A = vector.extract_strided_slice %select_n3A_32 {offsets = [0, 0], sizes = [128, 64], strides = [1, 1]} : vector<4096x64xf32> to vector<128x64xf32>
    %dot_general3A_60 = arith.constant dense<0.000000e+00> : vector<128x64xf32>
    %dot_general3A_61 = tpu.matmul %select_n3A_57, %slice3A, %dot_general3A_60 {dimension_numbers = #tpu.dot_dimension_numbers<[1], [0], [0], [1], [0, 0, 1, 1], [], []>, transpose_lhs_hint = false} : vector<128x128xf32>, vector<128x64xf32>, vector<128x64xf32> -> vector<128x64xf32>
    %add3A_62 = vector.broadcast %dot_general3A_47 : vector<1x64xf32> to vector<128x64xf32>
    %add3A_63 = arith.addf %dot_general3A_61, %add3A_62 : vector<128x64xf32>
    %mul3A_64 = arith.mulf %slice3A, %add3A_63 : vector<128x64xf32>
    %reduce_sum3A = arith.constant dense<0.000000e+00> : vector<128xf32>
    %reduce_sum3A_65 = vector.multi_reduction <add>, %mul3A_64, %reduce_sum3A [1] : vector<128x64xf32> to vector<128xf32>
    %broadcast_in_dim3A_66 = vector.shape_cast %reduce_sum3A_65 : vector<128xf32> to vector<128x1xf32>
    %convert_element_type3A_67 = arith.fptosi %broadcast_in_dim3A_66 : vector<128x1xf32> to vector<128x1xi32>
    %swap3A = arith.constant 0 : index
    %swap3A_68 = arith.constant 0 : index
    %swap3A_69 = arith.constant 0 : index
    %swap3A_70 = vector.load %arg4[%swap3A, %swap3A_68, %swap3A_69] : memref<1x4096x1xi32, #tpu.memory_space<vmem>>, vector<1x128x1xi32>
    %swap3A_71 = vector.shape_cast %swap3A_70 : vector<1x128x1xi32> to vector<128x1xi32>
    %swap3A_72 = vector.shape_cast %convert_element_type3A_67 : vector<128x1xi32> to vector<1x128x1xi32>
    tpu.vector_store %arg4[%swap3A, %swap3A_68, %swap3A_69], %swap3A_72 {strides = array<i32>} : memref<1x4096x1xi32, #tpu.memory_space<vmem>>, vector<1x128x1xi32>,
    %dot_general3A_73 = arith.constant dense<0.000000e+00> : vector<1x64xf32>
    %dot_general3A_74 = tpu.matmul %broadcast_in_dim3A_59, %slice3A, %dot_general3A_73 {dimension_numbers = #tpu.dot_dimension_numbers<[1], [0], [0], [1], [0, 0, 1, 1], [], []>, transpose_lhs_hint = false} : vector<1x128xf32>, vector<128x64xf32>, vector<1x64xf32> -> vector<1x64xf32>
    %add3A_75 = arith.addf %dot_general3A_47, %dot_general3A_74 : vector<1x64xf32>
    %slice3A_76 = vector.extract_strided_slice %select_n3A_32 {offsets = [128, 0], sizes = [128, 64], strides = [1, 1]} : vector<4096x64xf32> to vector<128x64xf32>
    %dot_general3A_77 = arith.constant dense<0.000000e+00> : vector<128x64xf32>
    %dot_general3A_78 = tpu.matmul %select_n3A_57, %slice3A_76, %dot_general3A_77 {dimension_numbers = #tpu.dot_dimension_numbers<[1], [0], [0], [1], [0, 0, 1, 1], [], []>, transpose_lhs_hint = false} : vector<128x128xf32>, vector<128x64xf32>, vector<128x64xf32> -> vector<128x64xf32>
    %add3A_79 = vector.broadcast %add3A_75 : vector<1x64xf32> to vector<128x64xf32>
    %add3A_80 = arith.addf %dot_general3A_78, %add3A_79 : vector<128x64xf32>
    %mul3A_81 = arith.mulf %slice3A_76, %add3A_80 : vector<128x64xf32>
    %reduce_sum3A_82 = arith.constant dense<0.000000e+00> : vector<128xf32>
    %reduce_sum3A_83 = vector.multi_reduction <add>, %mul3A_81, %reduce_sum3A_82 [1] : vector<128x64xf32> to vector<128xf32>
    %broadcast_in_dim3A_84 = vector.shape_cast %reduce_sum3A_83 : vector<128xf32> to vector<128x1xf32>
    %convert_element_type3A_85 = arith.fptosi %broadcast_in_dim3A_84 : vector<128x1xf32> to vector<128x1xi32>
    %swap3A_86 = arith.constant 0 : index
    %swap3A_87 = arith.constant 128 : index
    %swap3A_88 = arith.constant 0 : index
    %swap3A_89 = vector.load %arg4[%swap3A_86, %swap3A_87, %swap3A_88] : memref<1x4096x1xi32, #tpu.memory_space<vmem>>, vector<1x128x1xi32>
    %swap3A_90 = vector.shape_cast %swap3A_89 : vector<1x128x1xi32> to vector<128x1xi32>
    %swap3A_91 = vector.shape_cast %convert_element_type3A_85 : vector<128x1xi32> to vector<1x128x1xi32>
    tpu.vector_store %arg4[%swap3A_86, %swap3A_87, %swap3A_88], %swap3A_91 {strides = array<i32>} : memref<1x4096x1xi32, #tpu.memory_space<vmem>>, vector<1x128x1xi32>,
    %dot_general3A_92 = arith.constant dense<0.000000e+00> : vector<1x64xf32>
    %dot_general3A_93 = tpu.matmul %broadcast_in_dim3A_59, %slice3A_76, %dot_general3A_92 {dimension_numbers = #tpu.dot_dimension_numbers<[1], [0], [0], [1], [0, 0, 1, 1], [], []>, transpose_lhs_hint = false} : vector<1x128xf32>, vector<128x64xf32>, vector<1x64xf32> -> vector<1x64xf32>
    %add3A_94 = arith.addf %add3A_75, %dot_general3A_93 : vector<1x64xf32>
    %slice3A_95 = vector.extract_strided_slice %select_n3A_32 {offsets = [256, 0], sizes = [128, 64], strides = [1, 1]} : vector<4096x64xf32> to vector<128x64xf32>
    %dot_general3A_96 = arith.constant dense<0.000000e+00> : vector<128x64xf32>
    %dot_general3A_97 = tpu.matmul %select_n3A_57, %slice3A_95, %dot_general3A_96 {dimension_numbers = #tpu.dot_dimension_numbers<[1], [0], [0], [1], [0, 0, 1, 1], [], []>, transpose_lhs_hint = false} : vector<128x128xf32>, vector<128x64xf32>, vector<128x64xf32> -> vector<128x64xf32>
    %add3A_98 = vector.broadcast %add3A_94 : vector<1x64xf32> to vector<128x64xf32>
    %add3A_99 = arith.addf %dot_general3A_97, %add3A_98 : vector<128x64xf32>
    %mul3A_100 = arith.mulf %slice3A_95, %add3A_99 : vector<128x64xf32>
    %reduce_sum3A_101 = arith.constant dense<0.000000e+00> : vector<128xf32>
    %reduce_sum3A_102 = vector.multi_reduction <add>, %mul3A_100, %reduce_sum3A_101 [1] : vector<128x64xf32> to vector<128xf32>
    %broadcast_in_dim3A_103 = vector.shape_cast %reduce_sum3A_102 : vector<128xf32> to vector<128x1xf32>
    %convert_element_type3A_104 = arith.fptosi %broadcast_in_dim3A_103 : vector<128x1xf32> to vector<128x1xi32>
    %swap3A_105 = arith.constant 0 : index
    %swap3A_106 = arith.constant 256 : index
    %swap3A_107 = arith.constant 0 : index
    %swap3A_108 = vector.load %arg4[%swap3A_105, %swap3A_106, %swap3A_107] : memref<1x4096x1xi32, #tpu.memory_space<vmem>>, vector<1x128x1xi32>
    %swap3A_109 = vector.shape_cast %swap3A_108 : vector<1x128x1xi32> to vector<128x1xi32>
    %swap3A_110 = vector.shape_cast %convert_element_type3A_104 : vector<128x1xi32> to vector<1x128x1xi32>
    tpu.vector_store %arg4[%swap3A_105, %swap3A_106, %swap3A_107], %swap3A_110 {strides = array<i32>} : memref<1x4096x1xi32, #tpu.memory_space<vmem>>, vector<1x128x1xi32>,
    %dot_general3A_111 = arith.constant dense<0.000000e+00> : vector<1x64xf32>
    %dot_general3A_112 = tpu.matmul %broadcast_in_dim3A_59, %slice3A_95, %dot_general3A_111 {dimension_numbers = #tpu.dot_dimension_numbers<[1], [0], [0], [1], [0, 0, 1, 1], [], []>, transpose_lhs_hint = false} : vector<1x128xf32>, vector<128x64xf32>, vector<1x64xf32> -> vector<1x64xf32>
    %add3A_113 = arith.addf %add3A_94, %dot_general3A_112 : vector<1x64xf32>
    %slice3A_114 = vector.extract_strided_slice %select_n3A_32 {offsets = [384, 0], sizes = [128, 64], strides = [1, 1]} : vector<4096x64xf32> to vector<128x64xf32>
    %dot_general3A_115 = arith.constant dense<0.000000e+00> : vector<128x64xf32>
    %dot_general3A_116 = tpu.matmul %select_n3A_57, %slice3A_114, %dot_general3A_115 {dimension_numbers = #tpu.dot_dimension_numbers<[1], [0], [0], [1], [0, 0, 1, 1], [], []>, transpose_lhs_hint = false} : vector<128x128xf32>, vector<128x64xf32>, vector<128x64xf32> -> vector<128x64xf32>
    %add3A_117 = vector.broadcast %add3A_113 : vector<1x64xf32> to vector<128x64xf32>
    %add3A_118 = arith.addf %dot_general3A_116, %add3A_117 : vector<128x64xf32>
    %mul3A_119 = arith.mulf %slice3A_114, %add3A_118 : vector<128x64xf32>
    %reduce_sum3A_120 = arith.constant dense<0.000000e+00> : vector<128xf32>
    %reduce_sum3A_121 = vector.multi_reduction <add>, %mul3A_119, %reduce_sum3A_120 [1] : vector<128x64xf32> to vector<128xf32>
    %broadcast_in_dim3A_122 = vector.shape_cast %reduce_sum3A_121 : vector<128xf32> to vector<128x1xf32>
    %convert_element_type3A_123 = arith.fptosi %broadcast_in_dim3A_122 : vector<128x1xf32> to vector<128x1xi32>
    %swap3A_124 = arith.constant 0 : index
    %swap3A_125 = arith.constant 384 : index
    %swap3A_126 = arith.constant 0 : index
    %swap3A_127 = vector.load %arg4[%swap3A_124, %swap3A_125, %swap3A_126] : memref<1x4096x1xi32, #tpu.memory_space<vmem>>, vector<1x128x1xi32>
    %swap3A_128 = vector.shape_cast %swap3A_127 : vector<1x128x1xi32> to vector<128x1xi32>
    %swap3A_129 = vector.shape_cast %convert_element_type3A_123 : vector<128x1xi32> to vector<1x128x1xi32>
    tpu.vector_store %arg4[%swap3A_124, %swap3A_125, %swap3A_126], %swap3A_129 {strides = array<i32>} : memref<1x4096x1xi32, #tpu.memory_space<vmem>>, vector<1x128x1xi32>,
    %dot_general3A_130 = arith.constant dense<0.000000e+00> : vector<1x64xf32>
    %dot_general3A_131 = tpu.matmul %broadcast_in_dim3A_59, %slice3A_114, %dot_general3A_130 {dimension_numbers = #tpu.dot_dimension_numbers<[1], [0], [0], [1], [0, 0, 1, 1], [], []>, transpose_lhs_hint = false} : vector<1x128xf32>, vector<128x64xf32>, vector<1x64xf32> -> vector<1x64xf32>
    %add3A_132 = arith.addf %add3A_113, %dot_general3A_131 : vector<1x64xf32>
    %slice3A_133 = vector.extract_strided_slice %select_n3A_32 {offsets = [512, 0], sizes = [128, 64], strides = [1, 1]} : vector<4096x64xf32> to vector<128x64xf32>
    %dot_general3A_134 = arith.constant dense<0.000000e+00> : vector<128x64xf32>
    %dot_general3A_135 = tpu.matmul %select_n3A_57, %slice3A_133, %dot_general3A_134 {dimension_numbers = #tpu.dot_dimension_numbers<[1], [0], [0], [1], [0, 0, 1, 1], [], []>, transpose_lhs_hint = false} : vector<128x128xf32>, vector<128x64xf32>, vector<128x64xf32> -> vector<128x64xf32>
    %add3A_136 = vector.broadcast %add3A_132 : vector<1x64xf32> to vector<128x64xf32>
    %add3A_137 = arith.addf %dot_general3A_135, %add3A_136 : vector<128x64xf32>
    %mul3A_138 = arith.mulf %slice3A_133, %add3A_137 : vector<128x64xf32>
    %reduce_sum3A_139 = arith.constant dense<0.000000e+00> : vector<128xf32>
    %reduce_sum3A_140 = vector.multi_reduction <add>, %mul3A_138, %reduce_sum3A_139 [1] : vector<128x64xf32> to vector<128xf32>
    %broadcast_in_dim3A_141 = vector.shape_cast %reduce_sum3A_140 : vector<128xf32> to vector<128x1xf32>
    %convert_element_type3A_142 = arith.fptosi %broadcast_in_dim3A_141 : vector<128x1xf32> to vector<128x1xi32>
    %swap3A_143 = arith.constant 0 : index
    %swap3A_144 = arith.constant 512 : index
    %swap3A_145 = arith.constant 0 : index
    %swap3A_146 = vector.load %arg4[%swap3A_143, %swap3A_144, %swap3A_145] : memref<1x4096x1xi32, #tpu.memory_space<vmem>>, vector<1x128x1xi32>
    %swap3A_147 = vector.shape_cast %swap3A_146 : vector<1x128x1xi32> to vector<128x1xi32>
    %swap3A_148 = vector.shape_cast %convert_element_type3A_142 : vector<128x1xi32> to vector<1x128x1xi32>
    tpu.vector_store %arg4[%swap3A_143, %swap3A_144, %swap3A_145], %swap3A_148 {strides = array<i32>} : memref<1x4096x1xi32, #tpu.memory_space<vmem>>, vector<1x128x1xi32>,
    %dot_general3A_149 = arith.constant dense<0.000000e+00> : vector<1x64xf32>
    %dot_general3A_150 = tpu.matmul %broadcast_in_dim3A_59, %slice3A_133, %dot_general3A_149 {dimension_numbers = #tpu.dot_dimension_numbers<[1], [0], [0], [1], [0, 0, 1, 1], [], []>, transpose_lhs_hint = false} : vector<1x128xf32>, vector<128x64xf32>, vector<1x64xf32> -> vector<1x64xf32>
    %add3A_151 = arith.addf %add3A_132, %dot_general3A_150 : vector<1x64xf32>
    %slice3A_152 = vector.extract_strided_slice %select_n3A_32 {offsets = [640, 0], sizes = [128, 64], strides = [1, 1]} : vector<4096x64xf32> to vector<128x64xf32>
    %dot_general3A_153 = arith.constant dense<0.000000e+00> : vector<128x64xf32>
    %dot_general3A_154 = tpu.matmul %select_n3A_57, %slice3A_152, %dot_general3A_153 {dimension_numbers = #tpu.dot_dimension_numbers<[1], [0], [0], [1], [0, 0, 1, 1], [], []>, transpose_lhs_hint = false} : vector<128x128xf32>, vector<128x64xf32>, vector<128x64xf32> -> vector<128x64xf32>
    %add3A_155 = vector.broadcast %add3A_151 : vector<1x64xf32> to vector<128x64xf32>
    %add3A_156 = arith.addf %dot_general3A_154, %add3A_155 : vector<128x64xf32>
    %mul3A_157 = arith.mulf %slice3A_152, %add3A_156 : vector<128x64xf32>
    %reduce_sum3A_158 = arith.constant dense<0.000000e+00> : vector<128xf32>
    %reduce_sum3A_159 = vector.multi_reduction <add>, %mul3A_157, %reduce_sum3A_158 [1] : vector<128x64xf32> to vector<128xf32>
    %broadcast_in_dim3A_160 = vector.shape_cast %reduce_sum3A_159 : vector<128xf32> to vector<128x1xf32>
    %convert_element_type3A_161 = arith.fptosi %broadcast_in_dim3A_160 : vector<128x1xf32> to vector<128x1xi32>
    %swap3A_162 = arith.constant 0 : index
    %swap3A_163 = arith.constant 640 : index
    %swap3A_164 = arith.constant 0 : index
    %swap3A_165 = vector.load %arg4[%swap3A_162, %swap3A_163, %swap3A_164] : memref<1x4096x1xi32, #tpu.memory_space<vmem>>, vector<1x128x1xi32>
    %swap3A_166 = vector.shape_cast %swap3A_165 : vector<1x128x1xi32> to vector<128x1xi32>
    %swap3A_167 = vector.shape_cast %convert_element_type3A_161 : vector<128x1xi32> to vector<1x128x1xi32>
    tpu.vector_store %arg4[%swap3A_162, %swap3A_163, %swap3A_164], %swap3A_167 {strides = array<i32>} : memref<1x4096x1xi32, #tpu.memory_space<vmem>>, vector<1x128x1xi32>,
    %dot_general3A_168 = arith.constant dense<0.000000e+00> : vector<1x64xf32>
    %dot_general3A_169 = tpu.matmul %broadcast_in_dim3A_59, %slice3A_152, %dot_general3A_168 {dimension_numbers = #tpu.dot_dimension_numbers<[1], [0], [0], [1], [0, 0, 1, 1], [], []>, transpose_lhs_hint = false} : vector<1x128xf32>, vector<128x64xf32>, vector<1x64xf32> -> vector<1x64xf32>
    %add3A_170 = arith.addf %add3A_151, %dot_general3A_169 : vector<1x64xf32>
    %slice3A_171 = vector.extract_strided_slice %select_n3A_32 {offsets = [768, 0], sizes = [128, 64], strides = [1, 1]} : vector<4096x64xf32> to vector<128x64xf32>
    %dot_general3A_172 = arith.constant dense<0.000000e+00> : vector<128x64xf32>
    %dot_general3A_173 = tpu.matmul %select_n3A_57, %slice3A_171, %dot_general3A_172 {dimension_numbers = #tpu.dot_dimension_numbers<[1], [0], [0], [1], [0, 0, 1, 1], [], []>, transpose_lhs_hint = false} : vector<128x128xf32>, vector<128x64xf32>, vector<128x64xf32> -> vector<128x64xf32>
    %add3A_174 = vector.broadcast %add3A_170 : vector<1x64xf32> to vector<128x64xf32>
    %add3A_175 = arith.addf %dot_general3A_173, %add3A_174 : vector<128x64xf32>
    %mul3A_176 = arith.mulf %slice3A_171, %add3A_175 : vector<128x64xf32>
    %reduce_sum3A_177 = arith.constant dense<0.000000e+00> : vector<128xf32>
    %reduce_sum3A_178 = vector.multi_reduction <add>, %mul3A_176, %reduce_sum3A_177 [1] : vector<128x64xf32> to vector<128xf32>
    %broadcast_in_dim3A_179 = vector.shape_cast %reduce_sum3A_178 : vector<128xf32> to vector<128x1xf32>
    %convert_element_type3A_180 = arith.fptosi %broadcast_in_dim3A_179 : vector<128x1xf32> to vector<128x1xi32>
    %swap3A_181 = arith.constant 0 : index
    %swap3A_182 = arith.constant 768 : index
    %swap3A_183 = arith.constant 0 : index
    %swap3A_184 = vector.load %arg4[%swap3A_181, %swap3A_182, %swap3A_183] : memref<1x4096x1xi32, #tpu.memory_space<vmem>>, vector<1x128x1xi32>
    %swap3A_185 = vector.shape_cast %swap3A_184 : vector<1x128x1xi32> to vector<128x1xi32>
    %swap3A_186 = vector.shape_cast %convert_element_type3A_180 : vector<128x1xi32> to vector<1x128x1xi32>
    tpu.vector_store %arg4[%swap3A_181, %swap3A_182, %swap3A_183], %swap3A_186 {strides = array<i32>} : memref<1x4096x1xi32, #tpu.memory_space<vmem>>, vector<1x128x1xi32>,
    %dot_general3A_187 = arith.constant dense<0.000000e+00> : vector<1x64xf32>
    %dot_general3A_188 = tpu.matmul %broadcast_in_dim3A_59, %slice3A_171, %dot_general3A_187 {dimension_numbers = #tpu.dot_dimension_numbers<[1], [0], [0], [1], [0, 0, 1, 1], [], []>, transpose_lhs_hint = false} : vector<1x128xf32>, vector<128x64xf32>, vector<1x64xf32> -> vector<1x64xf32>
    %add3A_189 = arith.addf %add3A_170, %dot_general3A_188 : vector<1x64xf32>
    %slice3A_190 = vector.extract_strided_slice %select_n3A_32 {offsets = [896, 0], sizes = [128, 64], strides = [1, 1]} : vector<4096x64xf32> to vector<128x64xf32>
    %dot_general3A_191 = arith.constant dense<0.000000e+00> : vector<128x64xf32>
    %dot_general3A_192 = tpu.matmul %select_n3A_57, %slice3A_190, %dot_general3A_191 {dimension_numbers = #tpu.dot_dimension_numbers<[1], [0], [0], [1], [0, 0, 1, 1], [], []>, transpose_lhs_hint = false} : vector<128x128xf32>, vector<128x64xf32>, vector<128x64xf32> -> vector<128x64xf32>
    %add3A_193 = vector.broadcast %add3A_189 : vector<1x64xf32> to vector<128x64xf32>
    %add3A_194 = arith.addf %dot_general3A_192, %add3A_193 : vector<128x64xf32>
    %mul3A_195 = arith.mulf %slice3A_190, %add3A_194 : vector<128x64xf32>
    %reduce_sum3A_196 = arith.constant dense<0.000000e+00> : vector<128xf32>
    %reduce_sum3A_197 = vector.multi_reduction <add>, %mul3A_195, %reduce_sum3A_196 [1] : vector<128x64xf32> to vector<128xf32>
    %broadcast_in_dim3A_198 = vector.shape_cast %reduce_sum3A_197 : vector<128xf32> to vector<128x1xf32>
    %convert_element_type3A_199 = arith.fptosi %broadcast_in_dim3A_198 : vector<128x1xf32> to vector<128x1xi32>
    %swap3A_200 = arith.constant 0 : index
    %swap3A_201 = arith.constant 896 : index
    %swap3A_202 = arith.constant 0 : index
    %swap3A_203 = vector.load %arg4[%swap3A_200, %swap3A_201, %swap3A_202] : memref<1x4096x1xi32, #tpu.memory_space<vmem>>, vector<1x128x1xi32>
    %swap3A_204 = vector.shape_cast %swap3A_203 : vector<1x128x1xi32> to vector<128x1xi32>
    %swap3A_205 = vector.shape_cast %convert_element_type3A_199 : vector<128x1xi32> to vector<1x128x1xi32>
    tpu.vector_store %arg4[%swap3A_200, %swap3A_201, %swap3A_202], %swap3A_205 {strides = array<i32>} : memref<1x4096x1xi32, #tpu.memory_space<vmem>>, vector<1x128x1xi32>,
    %dot_general3A_206 = arith.constant dense<0.000000e+00> : vector<1x64xf32>
    %dot_general3A_207 = tpu.matmul %broadcast_in_dim3A_59, %slice3A_190, %dot_general3A_206 {dimension_numbers = #tpu.dot_dimension_numbers<[1], [0], [0], [1], [0, 0, 1, 1], [], []>, transpose_lhs_hint = false} : vector<1x128xf32>, vector<128x64xf32>, vector<1x64xf32> -> vector<1x64xf32>
    %add3A_208 = arith.addf %add3A_189, %dot_general3A_207 : vector<1x64xf32>
    %slice3A_209 = vector.extract_strided_slice %select_n3A_32 {offsets = [1024, 0], sizes = [128, 64], strides = [1, 1]} : vector<4096x64xf32> to vector<128x64xf32>
    %dot_general3A_210 = arith.constant dense<0.000000e+00> : vector<128x64xf32>
    %dot_general3A_211 = tpu.matmul %select_n3A_57, %slice3A_209, %dot_general3A_210 {dimension_numbers = #tpu.dot_dimension_numbers<[1], [0], [0], [1], [0, 0, 1, 1], [], []>, transpose_lhs_hint = false} : vector<128x128xf32>, vector<128x64xf32>, vector<128x64xf32> -> vector<128x64xf32>
    %add3A_212 = vector.broadcast %add3A_208 : vector<1x64xf32> to vector<128x64xf32>
    %add3A_213 = arith.addf %dot_general3A_211, %add3A_212 : vector<128x64xf32>
    %mul3A_214 = arith.mulf %slice3A_209, %add3A_213 : vector<128x64xf32>
    %reduce_sum3A_215 = arith.constant dense<0.000000e+00> : vector<128xf32>
    %reduce_sum3A_216 = vector.multi_reduction <add>, %mul3A_214, %reduce_sum3A_215 [1] : vector<128x64xf32> to vector<128xf32>
    %broadcast_in_dim3A_217 = vector.shape_cast %reduce_sum3A_216 : vector<128xf32> to vector<128x1xf32>
    %convert_element_type3A_218 = arith.fptosi %broadcast_in_dim3A_217 : vector<128x1xf32> to vector<128x1xi32>
    %swap3A_219 = arith.constant 0 : index
    %swap3A_220 = arith.constant 1024 : index
    %swap3A_221 = arith.constant 0 : index
    %swap3A_222 = vector.load %arg4[%swap3A_219, %swap3A_220, %swap3A_221] : memref<1x4096x1xi32, #tpu.memory_space<vmem>>, vector<1x128x1xi32>
    %swap3A_223 = vector.shape_cast %swap3A_222 : vector<1x128x1xi32> to vector<128x1xi32>
    %swap3A_224 = vector.shape_cast %convert_element_type3A_218 : vector<128x1xi32> to vector<1x128x1xi32>
    tpu.vector_store %arg4[%swap3A_219, %swap3A_220, %swap3A_221], %swap3A_224 {strides = array<i32>} : memref<1x4096x1xi32, #tpu.memory_space<vmem>>, vector<1x128x1xi32>,
    %dot_general3A_225 = arith.constant dense<0.000000e+00> : vector<1x64xf32>
    %dot_general3A_226 = tpu.matmul %broadcast_in_dim3A_59, %slice3A_209, %dot_general3A_225 {dimension_numbers = #tpu.dot_dimension_numbers<[1], [0], [0], [1], [0, 0, 1, 1], [], []>, transpose_lhs_hint = false} : vector<1x128xf32>, vector<128x64xf32>, vector<1x64xf32> -> vector<1x64xf32>
    %add3A_227 = arith.addf %add3A_208, %dot_general3A_226 : vector<1x64xf32>
    %slice3A_228 = vector.extract_strided_slice %select_n3A_32 {offsets = [1152, 0], sizes = [128, 64], strides = [1, 1]} : vector<4096x64xf32> to vector<128x64xf32>
    %dot_general3A_229 = arith.constant dense<0.000000e+00> : vector<128x64xf32>
    %dot_general3A_230 = tpu.matmul %select_n3A_57, %slice3A_228, %dot_general3A_229 {dimension_numbers = #tpu.dot_dimension_numbers<[1], [0], [0], [1], [0, 0, 1, 1], [], []>, transpose_lhs_hint = false} : vector<128x128xf32>, vector<128x64xf32>, vector<128x64xf32> -> vector<128x64xf32>
    %add3A_231 = vector.broadcast %add3A_227 : vector<1x64xf32> to vector<128x64xf32>
    %add3A_232 = arith.addf %dot_general3A_230, %add3A_231 : vector<128x64xf32>
    %mul3A_233 = arith.mulf %slice3A_228, %add3A_232 : vector<128x64xf32>
    %reduce_sum3A_234 = arith.constant dense<0.000000e+00> : vector<128xf32>
    %reduce_sum3A_235 = vector.multi_reduction <add>, %mul3A_233, %reduce_sum3A_234 [1] : vector<128x64xf32> to vector<128xf32>
    %broadcast_in_dim3A_236 = vector.shape_cast %reduce_sum3A_235 : vector<128xf32> to vector<128x1xf32>
    %convert_element_type3A_237 = arith.fptosi %broadcast_in_dim3A_236 : vector<128x1xf32> to vector<128x1xi32>
    %swap3A_238 = arith.constant 0 : index
    %swap3A_239 = arith.constant 1152 : index
    %swap3A_240 = arith.constant 0 : index
    %swap3A_241 = vector.load %arg4[%swap3A_238, %swap3A_239, %swap3A_240] : memref<1x4096x1xi32, #tpu.memory_space<vmem>>, vector<1x128x1xi32>
    %swap3A_242 = vector.shape_cast %swap3A_241 : vector<1x128x1xi32> to vector<128x1xi32>
    %swap3A_243 = vector.shape_cast %convert_element_type3A_237 : vector<128x1xi32> to vector<1x128x1xi32>
    tpu.vector_store %arg4[%swap3A_238, %swap3A_239, %swap3A_240], %swap3A_243 {strides = array<i32>} : memref<1x4096x1xi32, #tpu.memory_space<vmem>>, vector<1x128x1xi32>,
    %dot_general3A_244 = arith.constant dense<0.000000e+00> : vector<1x64xf32>
    %dot_general3A_245 = tpu.matmul %broadcast_in_dim3A_59, %slice3A_228, %dot_general3A_244 {dimension_numbers = #tpu.dot_dimension_numbers<[1], [0], [0], [1], [0, 0, 1, 1], [], []>, transpose_lhs_hint = false} : vector<1x128xf32>, vector<128x64xf32>, vector<1x64xf32> -> vector<1x64xf32>
    %add3A_246 = arith.addf %add3A_227, %dot_general3A_245 : vector<1x64xf32>
    %slice3A_247 = vector.extract_strided_slice %select_n3A_32 {offsets = [1280, 0], sizes = [128, 64], strides = [1, 1]} : vector<4096x64xf32> to vector<128x64xf32>
    %dot_general3A_248 = arith.constant dense<0.000000e+00> : vector<128x64xf32>
    %dot_general3A_249 = tpu.matmul %select_n3A_57, %slice3A_247, %dot_general3A_248 {dimension_numbers = #tpu.dot_dimension_numbers<[1], [0], [0], [1], [0, 0, 1, 1], [], []>, transpose_lhs_hint = false} : vector<128x128xf32>, vector<128x64xf32>, vector<128x64xf32> -> vector<128x64xf32>
    %add3A_250 = vector.broadcast %add3A_246 : vector<1x64xf32> to vector<128x64xf32>
    %add3A_251 = arith.addf %dot_general3A_249, %add3A_250 : vector<128x64xf32>
    %mul3A_252 = arith.mulf %slice3A_247, %add3A_251 : vector<128x64xf32>
    %reduce_sum3A_253 = arith.constant dense<0.000000e+00> : vector<128xf32>
    %reduce_sum3A_254 = vector.multi_reduction <add>, %mul3A_252, %reduce_sum3A_253 [1] : vector<128x64xf32> to vector<128xf32>
    %broadcast_in_dim3A_255 = vector.shape_cast %reduce_sum3A_254 : vector<128xf32> to vector<128x1xf32>
    %convert_element_type3A_256 = arith.fptosi %broadcast_in_dim3A_255 : vector<128x1xf32> to vector<128x1xi32>
    %swap3A_257 = arith.constant 0 : index
    %swap3A_258 = arith.constant 1280 : index
    %swap3A_259 = arith.constant 0 : index
    %swap3A_260 = vector.load %arg4[%swap3A_257, %swap3A_258, %swap3A_259] : memref<1x4096x1xi32, #tpu.memory_space<vmem>>, vector<1x128x1xi32>
    %swap3A_261 = vector.shape_cast %swap3A_260 : vector<1x128x1xi32> to vector<128x1xi32>
    %swap3A_262 = vector.shape_cast %convert_element_type3A_256 : vector<128x1xi32> to vector<1x128x1xi32>
    tpu.vector_store %arg4[%swap3A_257, %swap3A_258, %swap3A_259], %swap3A_262 {strides = array<i32>} : memref<1x4096x1xi32, #tpu.memory_space<vmem>>, vector<1x128x1xi32>,
    %dot_general3A_263 = arith.constant dense<0.000000e+00> : vector<1x64xf32>
    %dot_general3A_264 = tpu.matmul %broadcast_in_dim3A_59, %slice3A_247, %dot_general3A_263 {dimension_numbers = #tpu.dot_dimension_numbers<[1], [0], [0], [1], [0, 0, 1, 1], [], []>, transpose_lhs_hint = false} : vector<1x128xf32>, vector<128x64xf32>, vector<1x64xf32> -> vector<1x64xf32>
    %add3A_265 = arith.addf %add3A_246, %dot_general3A_264 : vector<1x64xf32>
    %slice3A_266 = vector.extract_strided_slice %select_n3A_32 {offsets = [1408, 0], sizes = [128, 64], strides = [1, 1]} : vector<4096x64xf32> to vector<128x64xf32>
    %dot_general3A_267 = arith.constant dense<0.000000e+00> : vector<128x64xf32>
    %dot_general3A_268 = tpu.matmul %select_n3A_57, %slice3A_266, %dot_general3A_267 {dimension_numbers = #tpu.dot_dimension_numbers<[1], [0], [0], [1], [0, 0, 1, 1], [], []>, transpose_lhs_hint = false} : vector<128x128xf32>, vector<128x64xf32>, vector<128x64xf32> -> vector<128x64xf32>
    %add3A_269 = vector.broadcast %add3A_265 : vector<1x64xf32> to vector<128x64xf32>
    %add3A_270 = arith.addf %dot_general3A_268, %add3A_269 : vector<128x64xf32>
    %mul3A_271 = arith.mulf %slice3A_266, %add3A_270 : vector<128x64xf32>
    %reduce_sum3A_272 = arith.constant dense<0.000000e+00> : vector<128xf32>
    %reduce_sum3A_273 = vector.multi_reduction <add>, %mul3A_271, %reduce_sum3A_272 [1] : vector<128x64xf32> to vector<128xf32>
    %broadcast_in_dim3A_274 = vector.shape_cast %reduce_sum3A_273 : vector<128xf32> to vector<128x1xf32>
    %convert_element_type3A_275 = arith.fptosi %broadcast_in_dim3A_274 : vector<128x1xf32> to vector<128x1xi32>
    %swap3A_276 = arith.constant 0 : index
    %swap3A_277 = arith.constant 1408 : index
    %swap3A_278 = arith.constant 0 : index
    %swap3A_279 = vector.load %arg4[%swap3A_276, %swap3A_277, %swap3A_278] : memref<1x4096x1xi32, #tpu.memory_space<vmem>>, vector<1x128x1xi32>
    %swap3A_280 = vector.shape_cast %swap3A_279 : vector<1x128x1xi32> to vector<128x1xi32>
    %swap3A_281 = vector.shape_cast %convert_element_type3A_275 : vector<128x1xi32> to vector<1x128x1xi32>
    tpu.vector_store %arg4[%swap3A_276, %swap3A_277, %swap3A_278], %swap3A_281 {strides = array<i32>} : memref<1x4096x1xi32, #tpu.memory_space<vmem>>, vector<1x128x1xi32>,
    %dot_general3A_282 = arith.constant dense<0.000000e+00> : vector<1x64xf32>
    %dot_general3A_283 = tpu.matmul %broadcast_in_dim3A_59, %slice3A_266, %dot_general3A_282 {dimension_numbers = #tpu.dot_dimension_numbers<[1], [0], [0], [1], [0, 0, 1, 1], [], []>, transpose_lhs_hint = false} : vector<1x128xf32>, vector<128x64xf32>, vector<1x64xf32> -> vector<1x64xf32>
    %add3A_284 = arith.addf %add3A_265, %dot_general3A_283 : vector<1x64xf32>
    %slice3A_285 = vector.extract_strided_slice %select_n3A_32 {offsets = [1536, 0], sizes = [128, 64], strides = [1, 1]} : vector<4096x64xf32> to vector<128x64xf32>
    %dot_general3A_286 = arith.constant dense<0.000000e+00> : vector<128x64xf32>
    %dot_general3A_287 = tpu.matmul %select_n3A_57, %slice3A_285, %dot_general3A_286 {dimension_numbers = #tpu.dot_dimension_numbers<[1], [0], [0], [1], [0, 0, 1, 1], [], []>, transpose_lhs_hint = false} : vector<128x128xf32>, vector<128x64xf32>, vector<128x64xf32> -> vector<128x64xf32>
    %add3A_288 = vector.broadcast %add3A_284 : vector<1x64xf32> to vector<128x64xf32>
    %add3A_289 = arith.addf %dot_general3A_287, %add3A_288 : vector<128x64xf32>
    %mul3A_290 = arith.mulf %slice3A_285, %add3A_289 : vector<128x64xf32>
    %reduce_sum3A_291 = arith.constant dense<0.000000e+00> : vector<128xf32>
    %reduce_sum3A_292 = vector.multi_reduction <add>, %mul3A_290, %reduce_sum3A_291 [1] : vector<128x64xf32> to vector<128xf32>
    %broadcast_in_dim3A_293 = vector.shape_cast %reduce_sum3A_292 : vector<128xf32> to vector<128x1xf32>
    %convert_element_type3A_294 = arith.fptosi %broadcast_in_dim3A_293 : vector<128x1xf32> to vector<128x1xi32>
    %swap3A_295 = arith.constant 0 : index
    %swap3A_296 = arith.constant 1536 : index
    %swap3A_297 = arith.constant 0 : index
    %swap3A_298 = vector.load %arg4[%swap3A_295, %swap3A_296, %swap3A_297] : memref<1x4096x1xi32, #tpu.memory_space<vmem>>, vector<1x128x1xi32>
    %swap3A_299 = vector.shape_cast %swap3A_298 : vector<1x128x1xi32> to vector<128x1xi32>
    %swap3A_300 = vector.shape_cast %convert_element_type3A_294 : vector<128x1xi32> to vector<1x128x1xi32>
    tpu.vector_store %arg4[%swap3A_295, %swap3A_296, %swap3A_297], %swap3A_300 {strides = array<i32>} : memref<1x4096x1xi32, #tpu.memory_space<vmem>>, vector<1x128x1xi32>,
    %dot_general3A_301 = arith.constant dense<0.000000e+00> : vector<1x64xf32>
    %dot_general3A_302 = tpu.matmul %broadcast_in_dim3A_59, %slice3A_285, %dot_general3A_301 {dimension_numbers = #tpu.dot_dimension_numbers<[1], [0], [0], [1], [0, 0, 1, 1], [], []>, transpose_lhs_hint = false} : vector<1x128xf32>, vector<128x64xf32>, vector<1x64xf32> -> vector<1x64xf32>
    %add3A_303 = arith.addf %add3A_284, %dot_general3A_302 : vector<1x64xf32>
    %slice3A_304 = vector.extract_strided_slice %select_n3A_32 {offsets = [1664, 0], sizes = [128, 64], strides = [1, 1]} : vector<4096x64xf32> to vector<128x64xf32>
    %dot_general3A_305 = arith.constant dense<0.000000e+00> : vector<128x64xf32>
    %dot_general3A_306 = tpu.matmul %select_n3A_57, %slice3A_304, %dot_general3A_305 {dimension_numbers = #tpu.dot_dimension_numbers<[1], [0], [0], [1], [0, 0, 1, 1], [], []>, transpose_lhs_hint = false} : vector<128x128xf32>, vector<128x64xf32>, vector<128x64xf32> -> vector<128x64xf32>
    %add3A_307 = vector.broadcast %add3A_303 : vector<1x64xf32> to vector<128x64xf32>
    %add3A_308 = arith.addf %dot_general3A_306, %add3A_307 : vector<128x64xf32>
    %mul3A_309 = arith.mulf %slice3A_304, %add3A_308 : vector<128x64xf32>
    %reduce_sum3A_310 = arith.constant dense<0.000000e+00> : vector<128xf32>
    %reduce_sum3A_311 = vector.multi_reduction <add>, %mul3A_309, %reduce_sum3A_310 [1] : vector<128x64xf32> to vector<128xf32>
    %broadcast_in_dim3A_312 = vector.shape_cast %reduce_sum3A_311 : vector<128xf32> to vector<128x1xf32>
    %convert_element_type3A_313 = arith.fptosi %broadcast_in_dim3A_312 : vector<128x1xf32> to vector<128x1xi32>
    %swap3A_314 = arith.constant 0 : index
    %swap3A_315 = arith.constant 1664 : index
    %swap3A_316 = arith.constant 0 : index
    %swap3A_317 = vector.load %arg4[%swap3A_314, %swap3A_315, %swap3A_316] : memref<1x4096x1xi32, #tpu.memory_space<vmem>>, vector<1x128x1xi32>
    %swap3A_318 = vector.shape_cast %swap3A_317 : vector<1x128x1xi32> to vector<128x1xi32>
    %swap3A_319 = vector.shape_cast %convert_element_type3A_313 : vector<128x1xi32> to vector<1x128x1xi32>
    tpu.vector_store %arg4[%swap3A_314, %swap3A_315, %swap3A_316], %swap3A_319 {strides = array<i32>} : memref<1x4096x1xi32, #tpu.memory_space<vmem>>, vector<1x128x1xi32>,
    %dot_general3A_320 = arith.constant dense<0.000000e+00> : vector<1x64xf32>
    %dot_general3A_321 = tpu.matmul %broadcast_in_dim3A_59, %slice3A_304, %dot_general3A_320 {dimension_numbers = #tpu.dot_dimension_numbers<[1], [0], [0], [1], [0, 0, 1, 1], [], []>, transpose_lhs_hint = false} : vector<1x128xf32>, vector<128x64xf32>, vector<1x64xf32> -> vector<1x64xf32>
    %add3A_322 = arith.addf %add3A_303, %dot_general3A_321 : vector<1x64xf32>
    %slice3A_323 = vector.extract_strided_slice %select_n3A_32 {offsets = [1792, 0], sizes = [128, 64], strides = [1, 1]} : vector<4096x64xf32> to vector<128x64xf32>
    %dot_general3A_324 = arith.constant dense<0.000000e+00> : vector<128x64xf32>
    %dot_general3A_325 = tpu.matmul %select_n3A_57, %slice3A_323, %dot_general3A_324 {dimension_numbers = #tpu.dot_dimension_numbers<[1], [0], [0], [1], [0, 0, 1, 1], [], []>, transpose_lhs_hint = false} : vector<128x128xf32>, vector<128x64xf32>, vector<128x64xf32> -> vector<128x64xf32>
    %add3A_326 = vector.broadcast %add3A_322 : vector<1x64xf32> to vector<128x64xf32>
    %add3A_327 = arith.addf %dot_general3A_325, %add3A_326 : vector<128x64xf32>
    %mul3A_328 = arith.mulf %slice3A_323, %add3A_327 : vector<128x64xf32>
    %reduce_sum3A_329 = arith.constant dense<0.000000e+00> : vector<128xf32>
    %reduce_sum3A_330 = vector.multi_reduction <add>, %mul3A_328, %reduce_sum3A_329 [1] : vector<128x64xf32> to vector<128xf32>
    %broadcast_in_dim3A_331 = vector.shape_cast %reduce_sum3A_330 : vector<128xf32> to vector<128x1xf32>
    %convert_element_type3A_332 = arith.fptosi %broadcast_in_dim3A_331 : vector<128x1xf32> to vector<128x1xi32>
    %swap3A_333 = arith.constant 0 : index
    %swap3A_334 = arith.constant 1792 : index
    %swap3A_335 = arith.constant 0 : index
    %swap3A_336 = vector.load %arg4[%swap3A_333, %swap3A_334, %swap3A_335] : memref<1x4096x1xi32, #tpu.memory_space<vmem>>, vector<1x128x1xi32>
    %swap3A_337 = vector.shape_cast %swap3A_336 : vector<1x128x1xi32> to vector<128x1xi32>
    %swap3A_338 = vector.shape_cast %convert_element_type3A_332 : vector<128x1xi32> to vector<1x128x1xi32>
    tpu.vector_store %arg4[%swap3A_333, %swap3A_334, %swap3A_335], %swap3A_338 {strides = array<i32>} : memref<1x4096x1xi32, #tpu.memory_space<vmem>>, vector<1x128x1xi32>,
    %dot_general3A_339 = arith.constant dense<0.000000e+00> : vector<1x64xf32>
    %dot_general3A_340 = tpu.matmul %broadcast_in_dim3A_59, %slice3A_323, %dot_general3A_339 {dimension_numbers = #tpu.dot_dimension_numbers<[1], [0], [0], [1], [0, 0, 1, 1], [], []>, transpose_lhs_hint = false} : vector<1x128xf32>, vector<128x64xf32>, vector<1x64xf32> -> vector<1x64xf32>
    %add3A_341 = arith.addf %add3A_322, %dot_general3A_340 : vector<1x64xf32>
    %slice3A_342 = vector.extract_strided_slice %select_n3A_32 {offsets = [1920, 0], sizes = [128, 64], strides = [1, 1]} : vector<4096x64xf32> to vector<128x64xf32>
    %dot_general3A_343 = arith.constant dense<0.000000e+00> : vector<128x64xf32>
    %dot_general3A_344 = tpu.matmul %select_n3A_57, %slice3A_342, %dot_general3A_343 {dimension_numbers = #tpu.dot_dimension_numbers<[1], [0], [0], [1], [0, 0, 1, 1], [], []>, transpose_lhs_hint = false} : vector<128x128xf32>, vector<128x64xf32>, vector<128x64xf32> -> vector<128x64xf32>
    %add3A_345 = vector.broadcast %add3A_341 : vector<1x64xf32> to vector<128x64xf32>
    %add3A_346 = arith.addf %dot_general3A_344, %add3A_345 : vector<128x64xf32>
    %mul3A_347 = arith.mulf %slice3A_342, %add3A_346 : vector<128x64xf32>
    %reduce_sum3A_348 = arith.constant dense<0.000000e+00> : vector<128xf32>
    %reduce_sum3A_349 = vector.multi_reduction <add>, %mul3A_347, %reduce_sum3A_348 [1] : vector<128x64xf32> to vector<128xf32>
    %broadcast_in_dim3A_350 = vector.shape_cast %reduce_sum3A_349 : vector<128xf32> to vector<128x1xf32>
    %convert_element_type3A_351 = arith.fptosi %broadcast_in_dim3A_350 : vector<128x1xf32> to vector<128x1xi32>
    %swap3A_352 = arith.constant 0 : index
    %swap3A_353 = arith.constant 1920 : index
    %swap3A_354 = arith.constant 0 : index
    %swap3A_355 = vector.load %arg4[%swap3A_352, %swap3A_353, %swap3A_354] : memref<1x4096x1xi32, #tpu.memory_space<vmem>>, vector<1x128x1xi32>
    %swap3A_356 = vector.shape_cast %swap3A_355 : vector<1x128x1xi32> to vector<128x1xi32>
    %swap3A_357 = vector.shape_cast %convert_element_type3A_351 : vector<128x1xi32> to vector<1x128x1xi32>
    tpu.vector_store %arg4[%swap3A_352, %swap3A_353, %swap3A_354], %swap3A_357 {strides = array<i32>} : memref<1x4096x1xi32, #tpu.memory_space<vmem>>, vector<1x128x1xi32>,
    %dot_general3A_358 = arith.constant dense<0.000000e+00> : vector<1x64xf32>
    %dot_general3A_359 = tpu.matmul %broadcast_in_dim3A_59, %slice3A_342, %dot_general3A_358 {dimension_numbers = #tpu.dot_dimension_numbers<[1], [0], [0], [1], [0, 0, 1, 1], [], []>, transpose_lhs_hint = false} : vector<1x128xf32>, vector<128x64xf32>, vector<1x64xf32> -> vector<1x64xf32>
    %add3A_360 = arith.addf %add3A_341, %dot_general3A_359 : vector<1x64xf32>
    %slice3A_361 = vector.extract_strided_slice %select_n3A_32 {offsets = [2048, 0], sizes = [128, 64], strides = [1, 1]} : vector<4096x64xf32> to vector<128x64xf32>
    %dot_general3A_362 = arith.constant dense<0.000000e+00> : vector<128x64xf32>
    %dot_general3A_363 = tpu.matmul %select_n3A_57, %slice3A_361, %dot_general3A_362 {dimension_numbers = #tpu.dot_dimension_numbers<[1], [0], [0], [1], [0, 0, 1, 1], [], []>, transpose_lhs_hint = false} : vector<128x128xf32>, vector<128x64xf32>, vector<128x64xf32> -> vector<128x64xf32>
    %add3A_364 = vector.broadcast %add3A_360 : vector<1x64xf32> to vector<128x64xf32>
    %add3A_365 = arith.addf %dot_general3A_363, %add3A_364 : vector<128x64xf32>
    %mul3A_366 = arith.mulf %slice3A_361, %add3A_365 : vector<128x64xf32>
    %reduce_sum3A_367 = arith.constant dense<0.000000e+00> : vector<128xf32>
    %reduce_sum3A_368 = vector.multi_reduction <add>, %mul3A_366, %reduce_sum3A_367 [1] : vector<128x64xf32> to vector<128xf32>
    %broadcast_in_dim3A_369 = vector.shape_cast %reduce_sum3A_368 : vector<128xf32> to vector<128x1xf32>
    %convert_element_type3A_370 = arith.fptosi %broadcast_in_dim3A_369 : vector<128x1xf32> to vector<128x1xi32>
    %swap3A_371 = arith.constant 0 : index
    %swap3A_372 = arith.constant 2048 : index
    %swap3A_373 = arith.constant 0 : index
    %swap3A_374 = vector.load %arg4[%swap3A_371, %swap3A_372, %swap3A_373] : memref<1x4096x1xi32, #tpu.memory_space<vmem>>, vector<1x128x1xi32>
    %swap3A_375 = vector.shape_cast %swap3A_374 : vector<1x128x1xi32> to vector<128x1xi32>
    %swap3A_376 = vector.shape_cast %convert_element_type3A_370 : vector<128x1xi32> to vector<1x128x1xi32>
    tpu.vector_store %arg4[%swap3A_371, %swap3A_372, %swap3A_373], %swap3A_376 {strides = array<i32>} : memref<1x4096x1xi32, #tpu.memory_space<vmem>>, vector<1x128x1xi32>,
    %dot_general3A_377 = arith.constant dense<0.000000e+00> : vector<1x64xf32>
    %dot_general3A_378 = tpu.matmul %broadcast_in_dim3A_59, %slice3A_361, %dot_general3A_377 {dimension_numbers = #tpu.dot_dimension_numbers<[1], [0], [0], [1], [0, 0, 1, 1], [], []>, transpose_lhs_hint = false} : vector<1x128xf32>, vector<128x64xf32>, vector<1x64xf32> -> vector<1x64xf32>
    %add3A_379 = arith.addf %add3A_360, %dot_general3A_378 : vector<1x64xf32>
    %slice3A_380 = vector.extract_strided_slice %select_n3A_32 {offsets = [2176, 0], sizes = [128, 64], strides = [1, 1]} : vector<4096x64xf32> to vector<128x64xf32>
    %dot_general3A_381 = arith.constant dense<0.000000e+00> : vector<128x64xf32>
    %dot_general3A_382 = tpu.matmul %select_n3A_57, %slice3A_380, %dot_general3A_381 {dimension_numbers = #tpu.dot_dimension_numbers<[1], [0], [0], [1], [0, 0, 1, 1], [], []>, transpose_lhs_hint = false} : vector<128x128xf32>, vector<128x64xf32>, vector<128x64xf32> -> vector<128x64xf32>
    %add3A_383 = vector.broadcast %add3A_379 : vector<1x64xf32> to vector<128x64xf32>
    %add3A_384 = arith.addf %dot_general3A_382, %add3A_383 : vector<128x64xf32>
    %mul3A_385 = arith.mulf %slice3A_380, %add3A_384 : vector<128x64xf32>
    %reduce_sum3A_386 = arith.constant dense<0.000000e+00> : vector<128xf32>
    %reduce_sum3A_387 = vector.multi_reduction <add>, %mul3A_385, %reduce_sum3A_386 [1] : vector<128x64xf32> to vector<128xf32>
    %broadcast_in_dim3A_388 = vector.shape_cast %reduce_sum3A_387 : vector<128xf32> to vector<128x1xf32>
    %convert_element_type3A_389 = arith.fptosi %broadcast_in_dim3A_388 : vector<128x1xf32> to vector<128x1xi32>
    %swap3A_390 = arith.constant 0 : index
    %swap3A_391 = arith.constant 2176 : index
    %swap3A_392 = arith.constant 0 : index
    %swap3A_393 = vector.load %arg4[%swap3A_390, %swap3A_391, %swap3A_392] : memref<1x4096x1xi32, #tpu.memory_space<vmem>>, vector<1x128x1xi32>
    %swap3A_394 = vector.shape_cast %swap3A_393 : vector<1x128x1xi32> to vector<128x1xi32>
    %swap3A_395 = vector.shape_cast %convert_element_type3A_389 : vector<128x1xi32> to vector<1x128x1xi32>
    tpu.vector_store %arg4[%swap3A_390, %swap3A_391, %swap3A_392], %swap3A_395 {strides = array<i32>} : memref<1x4096x1xi32, #tpu.memory_space<vmem>>, vector<1x128x1xi32>,
    %dot_general3A_396 = arith.constant dense<0.000000e+00> : vector<1x64xf32>
    %dot_general3A_397 = tpu.matmul %broadcast_in_dim3A_59, %slice3A_380, %dot_general3A_396 {dimension_numbers = #tpu.dot_dimension_numbers<[1], [0], [0], [1], [0, 0, 1, 1], [], []>, transpose_lhs_hint = false} : vector<1x128xf32>, vector<128x64xf32>, vector<1x64xf32> -> vector<1x64xf32>
    %add3A_398 = arith.addf %add3A_379, %dot_general3A_397 : vector<1x64xf32>
    %slice3A_399 = vector.extract_strided_slice %select_n3A_32 {offsets = [2304, 0], sizes = [128, 64], strides = [1, 1]} : vector<4096x64xf32> to vector<128x64xf32>
    %dot_general3A_400 = arith.constant dense<0.000000e+00> : vector<128x64xf32>
    %dot_general3A_401 = tpu.matmul %select_n3A_57, %slice3A_399, %dot_general3A_400 {dimension_numbers = #tpu.dot_dimension_numbers<[1], [0], [0], [1], [0, 0, 1, 1], [], []>, transpose_lhs_hint = false} : vector<128x128xf32>, vector<128x64xf32>, vector<128x64xf32> -> vector<128x64xf32>
    %add3A_402 = vector.broadcast %add3A_398 : vector<1x64xf32> to vector<128x64xf32>
    %add3A_403 = arith.addf %dot_general3A_401, %add3A_402 : vector<128x64xf32>
    %mul3A_404 = arith.mulf %slice3A_399, %add3A_403 : vector<128x64xf32>
    %reduce_sum3A_405 = arith.constant dense<0.000000e+00> : vector<128xf32>
    %reduce_sum3A_406 = vector.multi_reduction <add>, %mul3A_404, %reduce_sum3A_405 [1] : vector<128x64xf32> to vector<128xf32>
    %broadcast_in_dim3A_407 = vector.shape_cast %reduce_sum3A_406 : vector<128xf32> to vector<128x1xf32>
    %convert_element_type3A_408 = arith.fptosi %broadcast_in_dim3A_407 : vector<128x1xf32> to vector<128x1xi32>
    %swap3A_409 = arith.constant 0 : index
    %swap3A_410 = arith.constant 2304 : index
    %swap3A_411 = arith.constant 0 : index
    %swap3A_412 = vector.load %arg4[%swap3A_409, %swap3A_410, %swap3A_411] : memref<1x4096x1xi32, #tpu.memory_space<vmem>>, vector<1x128x1xi32>
    %swap3A_413 = vector.shape_cast %swap3A_412 : vector<1x128x1xi32> to vector<128x1xi32>
    %swap3A_414 = vector.shape_cast %convert_element_type3A_408 : vector<128x1xi32> to vector<1x128x1xi32>
    tpu.vector_store %arg4[%swap3A_409, %swap3A_410, %swap3A_411], %swap3A_414 {strides = array<i32>} : memref<1x4096x1xi32, #tpu.memory_space<vmem>>, vector<1x128x1xi32>,
    %dot_general3A_415 = arith.constant dense<0.000000e+00> : vector<1x64xf32>
    %dot_general3A_416 = tpu.matmul %broadcast_in_dim3A_59, %slice3A_399, %dot_general3A_415 {dimension_numbers = #tpu.dot_dimension_numbers<[1], [0], [0], [1], [0, 0, 1, 1], [], []>, transpose_lhs_hint = false} : vector<1x128xf32>, vector<128x64xf32>, vector<1x64xf32> -> vector<1x64xf32>
    %add3A_417 = arith.addf %add3A_398, %dot_general3A_416 : vector<1x64xf32>
    %slice3A_418 = vector.extract_strided_slice %select_n3A_32 {offsets = [2432, 0], sizes = [128, 64], strides = [1, 1]} : vector<4096x64xf32> to vector<128x64xf32>
    %dot_general3A_419 = arith.constant dense<0.000000e+00> : vector<128x64xf32>
    %dot_general3A_420 = tpu.matmul %select_n3A_57, %slice3A_418, %dot_general3A_419 {dimension_numbers = #tpu.dot_dimension_numbers<[1], [0], [0], [1], [0, 0, 1, 1], [], []>, transpose_lhs_hint = false} : vector<128x128xf32>, vector<128x64xf32>, vector<128x64xf32> -> vector<128x64xf32>
    %add3A_421 = vector.broadcast %add3A_417 : vector<1x64xf32> to vector<128x64xf32>
    %add3A_422 = arith.addf %dot_general3A_420, %add3A_421 : vector<128x64xf32>
    %mul3A_423 = arith.mulf %slice3A_418, %add3A_422 : vector<128x64xf32>
    %reduce_sum3A_424 = arith.constant dense<0.000000e+00> : vector<128xf32>
    %reduce_sum3A_425 = vector.multi_reduction <add>, %mul3A_423, %reduce_sum3A_424 [1] : vector<128x64xf32> to vector<128xf32>
    %broadcast_in_dim3A_426 = vector.shape_cast %reduce_sum3A_425 : vector<128xf32> to vector<128x1xf32>
    %convert_element_type3A_427 = arith.fptosi %broadcast_in_dim3A_426 : vector<128x1xf32> to vector<128x1xi32>
    %swap3A_428 = arith.constant 0 : index
    %swap3A_429 = arith.constant 2432 : index
    %swap3A_430 = arith.constant 0 : index
    %swap3A_431 = vector.load %arg4[%swap3A_428, %swap3A_429, %swap3A_430] : memref<1x4096x1xi32, #tpu.memory_space<vmem>>, vector<1x128x1xi32>
    %swap3A_432 = vector.shape_cast %swap3A_431 : vector<1x128x1xi32> to vector<128x1xi32>
    %swap3A_433 = vector.shape_cast %convert_element_type3A_427 : vector<128x1xi32> to vector<1x128x1xi32>
    tpu.vector_store %arg4[%swap3A_428, %swap3A_429, %swap3A_430], %swap3A_433 {strides = array<i32>} : memref<1x4096x1xi32, #tpu.memory_space<vmem>>, vector<1x128x1xi32>,
    %dot_general3A_434 = arith.constant dense<0.000000e+00> : vector<1x64xf32>
    %dot_general3A_435 = tpu.matmul %broadcast_in_dim3A_59, %slice3A_418, %dot_general3A_434 {dimension_numbers = #tpu.dot_dimension_numbers<[1], [0], [0], [1], [0, 0, 1, 1], [], []>, transpose_lhs_hint = false} : vector<1x128xf32>, vector<128x64xf32>, vector<1x64xf32> -> vector<1x64xf32>
    %add3A_436 = arith.addf %add3A_417, %dot_general3A_435 : vector<1x64xf32>
    %slice3A_437 = vector.extract_strided_slice %select_n3A_32 {offsets = [2560, 0], sizes = [128, 64], strides = [1, 1]} : vector<4096x64xf32> to vector<128x64xf32>
    %dot_general3A_438 = arith.constant dense<0.000000e+00> : vector<128x64xf32>
    %dot_general3A_439 = tpu.matmul %select_n3A_57, %slice3A_437, %dot_general3A_438 {dimension_numbers = #tpu.dot_dimension_numbers<[1], [0], [0], [1], [0, 0, 1, 1], [], []>, transpose_lhs_hint = false} : vector<128x128xf32>, vector<128x64xf32>, vector<128x64xf32> -> vector<128x64xf32>
    %add3A_440 = vector.broadcast %add3A_436 : vector<1x64xf32> to vector<128x64xf32>
    %add3A_441 = arith.addf %dot_general3A_439, %add3A_440 : vector<128x64xf32>
    %mul3A_442 = arith.mulf %slice3A_437, %add3A_441 : vector<128x64xf32>
    %reduce_sum3A_443 = arith.constant dense<0.000000e+00> : vector<128xf32>
    %reduce_sum3A_444 = vector.multi_reduction <add>, %mul3A_442, %reduce_sum3A_443 [1] : vector<128x64xf32> to vector<128xf32>
    %broadcast_in_dim3A_445 = vector.shape_cast %reduce_sum3A_444 : vector<128xf32> to vector<128x1xf32>
    %convert_element_type3A_446 = arith.fptosi %broadcast_in_dim3A_445 : vector<128x1xf32> to vector<128x1xi32>
    %swap3A_447 = arith.constant 0 : index
    %swap3A_448 = arith.constant 2560 : index
    %swap3A_449 = arith.constant 0 : index
    %swap3A_450 = vector.load %arg4[%swap3A_447, %swap3A_448, %swap3A_449] : memref<1x4096x1xi32, #tpu.memory_space<vmem>>, vector<1x128x1xi32>
    %swap3A_451 = vector.shape_cast %swap3A_450 : vector<1x128x1xi32> to vector<128x1xi32>
    %swap3A_452 = vector.shape_cast %convert_element_type3A_446 : vector<128x1xi32> to vector<1x128x1xi32>
    tpu.vector_store %arg4[%swap3A_447, %swap3A_448, %swap3A_449], %swap3A_452 {strides = array<i32>} : memref<1x4096x1xi32, #tpu.memory_space<vmem>>, vector<1x128x1xi32>,
    %dot_general3A_453 = arith.constant dense<0.000000e+00> : vector<1x64xf32>
    %dot_general3A_454 = tpu.matmul %broadcast_in_dim3A_59, %slice3A_437, %dot_general3A_453 {dimension_numbers = #tpu.dot_dimension_numbers<[1], [0], [0], [1], [0, 0, 1, 1], [], []>, transpose_lhs_hint = false} : vector<1x128xf32>, vector<128x64xf32>, vector<1x64xf32> -> vector<1x64xf32>
    %add3A_455 = arith.addf %add3A_436, %dot_general3A_454 : vector<1x64xf32>
    %slice3A_456 = vector.extract_strided_slice %select_n3A_32 {offsets = [2688, 0], sizes = [128, 64], strides = [1, 1]} : vector<4096x64xf32> to vector<128x64xf32>
    %dot_general3A_457 = arith.constant dense<0.000000e+00> : vector<128x64xf32>
    %dot_general3A_458 = tpu.matmul %select_n3A_57, %slice3A_456, %dot_general3A_457 {dimension_numbers = #tpu.dot_dimension_numbers<[1], [0], [0], [1], [0, 0, 1, 1], [], []>, transpose_lhs_hint = false} : vector<128x128xf32>, vector<128x64xf32>, vector<128x64xf32> -> vector<128x64xf32>
    %add3A_459 = vector.broadcast %add3A_455 : vector<1x64xf32> to vector<128x64xf32>
    %add3A_460 = arith.addf %dot_general3A_458, %add3A_459 : vector<128x64xf32>
    %mul3A_461 = arith.mulf %slice3A_456, %add3A_460 : vector<128x64xf32>
    %reduce_sum3A_462 = arith.constant dense<0.000000e+00> : vector<128xf32>
    %reduce_sum3A_463 = vector.multi_reduction <add>, %mul3A_461, %reduce_sum3A_462 [1] : vector<128x64xf32> to vector<128xf32>
    %broadcast_in_dim3A_464 = vector.shape_cast %reduce_sum3A_463 : vector<128xf32> to vector<128x1xf32>
    %convert_element_type3A_465 = arith.fptosi %broadcast_in_dim3A_464 : vector<128x1xf32> to vector<128x1xi32>
    %swap3A_466 = arith.constant 0 : index
    %swap3A_467 = arith.constant 2688 : index
    %swap3A_468 = arith.constant 0 : index
    %swap3A_469 = vector.load %arg4[%swap3A_466, %swap3A_467, %swap3A_468] : memref<1x4096x1xi32, #tpu.memory_space<vmem>>, vector<1x128x1xi32>
    %swap3A_470 = vector.shape_cast %swap3A_469 : vector<1x128x1xi32> to vector<128x1xi32>
    %swap3A_471 = vector.shape_cast %convert_element_type3A_465 : vector<128x1xi32> to vector<1x128x1xi32>
    tpu.vector_store %arg4[%swap3A_466, %swap3A_467, %swap3A_468], %swap3A_471 {strides = array<i32>} : memref<1x4096x1xi32, #tpu.memory_space<vmem>>, vector<1x128x1xi32>,
    %dot_general3A_472 = arith.constant dense<0.000000e+00> : vector<1x64xf32>
    %dot_general3A_473 = tpu.matmul %broadcast_in_dim3A_59, %slice3A_456, %dot_general3A_472 {dimension_numbers = #tpu.dot_dimension_numbers<[1], [0], [0], [1], [0, 0, 1, 1], [], []>, transpose_lhs_hint = false} : vector<1x128xf32>, vector<128x64xf32>, vector<1x64xf32> -> vector<1x64xf32>
    %add3A_474 = arith.addf %add3A_455, %dot_general3A_473 : vector<1x64xf32>
    %slice3A_475 = vector.extract_strided_slice %select_n3A_32 {offsets = [2816, 0], sizes = [128, 64], strides = [1, 1]} : vector<4096x64xf32> to vector<128x64xf32>
    %dot_general3A_476 = arith.constant dense<0.000000e+00> : vector<128x64xf32>
    %dot_general3A_477 = tpu.matmul %select_n3A_57, %slice3A_475, %dot_general3A_476 {dimension_numbers = #tpu.dot_dimension_numbers<[1], [0], [0], [1], [0, 0, 1, 1], [], []>, transpose_lhs_hint = false} : vector<128x128xf32>, vector<128x64xf32>, vector<128x64xf32> -> vector<128x64xf32>
    %add3A_478 = vector.broadcast %add3A_474 : vector<1x64xf32> to vector<128x64xf32>
    %add3A_479 = arith.addf %dot_general3A_477, %add3A_478 : vector<128x64xf32>
    %mul3A_480 = arith.mulf %slice3A_475, %add3A_479 : vector<128x64xf32>
    %reduce_sum3A_481 = arith.constant dense<0.000000e+00> : vector<128xf32>
    %reduce_sum3A_482 = vector.multi_reduction <add>, %mul3A_480, %reduce_sum3A_481 [1] : vector<128x64xf32> to vector<128xf32>
    %broadcast_in_dim3A_483 = vector.shape_cast %reduce_sum3A_482 : vector<128xf32> to vector<128x1xf32>
    %convert_element_type3A_484 = arith.fptosi %broadcast_in_dim3A_483 : vector<128x1xf32> to vector<128x1xi32>
    %swap3A_485 = arith.constant 0 : index
    %swap3A_486 = arith.constant 2816 : index
    %swap3A_487 = arith.constant 0 : index
    %swap3A_488 = vector.load %arg4[%swap3A_485, %swap3A_486, %swap3A_487] : memref<1x4096x1xi32, #tpu.memory_space<vmem>>, vector<1x128x1xi32>
    %swap3A_489 = vector.shape_cast %swap3A_488 : vector<1x128x1xi32> to vector<128x1xi32>
    %swap3A_490 = vector.shape_cast %convert_element_type3A_484 : vector<128x1xi32> to vector<1x128x1xi32>
    tpu.vector_store %arg4[%swap3A_485, %swap3A_486, %swap3A_487], %swap3A_490 {strides = array<i32>} : memref<1x4096x1xi32, #tpu.memory_space<vmem>>, vector<1x128x1xi32>,
    %dot_general3A_491 = arith.constant dense<0.000000e+00> : vector<1x64xf32>
    %dot_general3A_492 = tpu.matmul %broadcast_in_dim3A_59, %slice3A_475, %dot_general3A_491 {dimension_numbers = #tpu.dot_dimension_numbers<[1], [0], [0], [1], [0, 0, 1, 1], [], []>, transpose_lhs_hint = false} : vector<1x128xf32>, vector<128x64xf32>, vector<1x64xf32> -> vector<1x64xf32>
    %add3A_493 = arith.addf %add3A_474, %dot_general3A_492 : vector<1x64xf32>
    %slice3A_494 = vector.extract_strided_slice %select_n3A_32 {offsets = [2944, 0], sizes = [128, 64], strides = [1, 1]} : vector<4096x64xf32> to vector<128x64xf32>
    %dot_general3A_495 = arith.constant dense<0.000000e+00> : vector<128x64xf32>
    %dot_general3A_496 = tpu.matmul %select_n3A_57, %slice3A_494, %dot_general3A_495 {dimension_numbers = #tpu.dot_dimension_numbers<[1], [0], [0], [1], [0, 0, 1, 1], [], []>, transpose_lhs_hint = false} : vector<128x128xf32>, vector<128x64xf32>, vector<128x64xf32> -> vector<128x64xf32>
    %add3A_497 = vector.broadcast %add3A_493 : vector<1x64xf32> to vector<128x64xf32>
    %add3A_498 = arith.addf %dot_general3A_496, %add3A_497 : vector<128x64xf32>
    %mul3A_499 = arith.mulf %slice3A_494, %add3A_498 : vector<128x64xf32>
    %reduce_sum3A_500 = arith.constant dense<0.000000e+00> : vector<128xf32>
    %reduce_sum3A_501 = vector.multi_reduction <add>, %mul3A_499, %reduce_sum3A_500 [1] : vector<128x64xf32> to vector<128xf32>
    %broadcast_in_dim3A_502 = vector.shape_cast %reduce_sum3A_501 : vector<128xf32> to vector<128x1xf32>
    %convert_element_type3A_503 = arith.fptosi %broadcast_in_dim3A_502 : vector<128x1xf32> to vector<128x1xi32>
    %swap3A_504 = arith.constant 0 : index
    %swap3A_505 = arith.constant 2944 : index
    %swap3A_506 = arith.constant 0 : index
    %swap3A_507 = vector.load %arg4[%swap3A_504, %swap3A_505, %swap3A_506] : memref<1x4096x1xi32, #tpu.memory_space<vmem>>, vector<1x128x1xi32>
    %swap3A_508 = vector.shape_cast %swap3A_507 : vector<1x128x1xi32> to vector<128x1xi32>
    %swap3A_509 = vector.shape_cast %convert_element_type3A_503 : vector<128x1xi32> to vector<1x128x1xi32>
    tpu.vector_store %arg4[%swap3A_504, %swap3A_505, %swap3A_506], %swap3A_509 {strides = array<i32>} : memref<1x4096x1xi32, #tpu.memory_space<vmem>>, vector<1x128x1xi32>,
    %dot_general3A_510 = arith.constant dense<0.000000e+00> : vector<1x64xf32>
    %dot_general3A_511 = tpu.matmul %broadcast_in_dim3A_59, %slice3A_494, %dot_general3A_510 {dimension_numbers = #tpu.dot_dimension_numbers<[1], [0], [0], [1], [0, 0, 1, 1], [], []>, transpose_lhs_hint = false} : vector<1x128xf32>, vector<128x64xf32>, vector<1x64xf32> -> vector<1x64xf32>
    %add3A_512 = arith.addf %add3A_493, %dot_general3A_511 : vector<1x64xf32>
    %slice3A_513 = vector.extract_strided_slice %select_n3A_32 {offsets = [3072, 0], sizes = [128, 64], strides = [1, 1]} : vector<4096x64xf32> to vector<128x64xf32>
    %dot_general3A_514 = arith.constant dense<0.000000e+00> : vector<128x64xf32>
    %dot_general3A_515 = tpu.matmul %select_n3A_57, %slice3A_513, %dot_general3A_514 {dimension_numbers = #tpu.dot_dimension_numbers<[1], [0], [0], [1], [0, 0, 1, 1], [], []>, transpose_lhs_hint = false} : vector<128x128xf32>, vector<128x64xf32>, vector<128x64xf32> -> vector<128x64xf32>
    %add3A_516 = vector.broadcast %add3A_512 : vector<1x64xf32> to vector<128x64xf32>
    %add3A_517 = arith.addf %dot_general3A_515, %add3A_516 : vector<128x64xf32>
    %mul3A_518 = arith.mulf %slice3A_513, %add3A_517 : vector<128x64xf32>
    %reduce_sum3A_519 = arith.constant dense<0.000000e+00> : vector<128xf32>
    %reduce_sum3A_520 = vector.multi_reduction <add>, %mul3A_518, %reduce_sum3A_519 [1] : vector<128x64xf32> to vector<128xf32>
    %broadcast_in_dim3A_521 = vector.shape_cast %reduce_sum3A_520 : vector<128xf32> to vector<128x1xf32>
    %convert_element_type3A_522 = arith.fptosi %broadcast_in_dim3A_521 : vector<128x1xf32> to vector<128x1xi32>
    %swap3A_523 = arith.constant 0 : index
    %swap3A_524 = arith.constant 3072 : index
    %swap3A_525 = arith.constant 0 : index
    %swap3A_526 = vector.load %arg4[%swap3A_523, %swap3A_524, %swap3A_525] : memref<1x4096x1xi32, #tpu.memory_space<vmem>>, vector<1x128x1xi32>
    %swap3A_527 = vector.shape_cast %swap3A_526 : vector<1x128x1xi32> to vector<128x1xi32>
    %swap3A_528 = vector.shape_cast %convert_element_type3A_522 : vector<128x1xi32> to vector<1x128x1xi32>
    tpu.vector_store %arg4[%swap3A_523, %swap3A_524, %swap3A_525], %swap3A_528 {strides = array<i32>} : memref<1x4096x1xi32, #tpu.memory_space<vmem>>, vector<1x128x1xi32>,
    %dot_general3A_529 = arith.constant dense<0.000000e+00> : vector<1x64xf32>
    %dot_general3A_530 = tpu.matmul %broadcast_in_dim3A_59, %slice3A_513, %dot_general3A_529 {dimension_numbers = #tpu.dot_dimension_numbers<[1], [0], [0], [1], [0, 0, 1, 1], [], []>, transpose_lhs_hint = false} : vector<1x128xf32>, vector<128x64xf32>, vector<1x64xf32> -> vector<1x64xf32>
    %add3A_531 = arith.addf %add3A_512, %dot_general3A_530 : vector<1x64xf32>
    %slice3A_532 = vector.extract_strided_slice %select_n3A_32 {offsets = [3200, 0], sizes = [128, 64], strides = [1, 1]} : vector<4096x64xf32> to vector<128x64xf32>
    %dot_general3A_533 = arith.constant dense<0.000000e+00> : vector<128x64xf32>
    %dot_general3A_534 = tpu.matmul %select_n3A_57, %slice3A_532, %dot_general3A_533 {dimension_numbers = #tpu.dot_dimension_numbers<[1], [0], [0], [1], [0, 0, 1, 1], [], []>, transpose_lhs_hint = false} : vector<128x128xf32>, vector<128x64xf32>, vector<128x64xf32> -> vector<128x64xf32>
    %add3A_535 = vector.broadcast %add3A_531 : vector<1x64xf32> to vector<128x64xf32>
    %add3A_536 = arith.addf %dot_general3A_534, %add3A_535 : vector<128x64xf32>
    %mul3A_537 = arith.mulf %slice3A_532, %add3A_536 : vector<128x64xf32>
    %reduce_sum3A_538 = arith.constant dense<0.000000e+00> : vector<128xf32>
    %reduce_sum3A_539 = vector.multi_reduction <add>, %mul3A_537, %reduce_sum3A_538 [1] : vector<128x64xf32> to vector<128xf32>
    %broadcast_in_dim3A_540 = vector.shape_cast %reduce_sum3A_539 : vector<128xf32> to vector<128x1xf32>
    %convert_element_type3A_541 = arith.fptosi %broadcast_in_dim3A_540 : vector<128x1xf32> to vector<128x1xi32>
    %swap3A_542 = arith.constant 0 : index
    %swap3A_543 = arith.constant 3200 : index
    %swap3A_544 = arith.constant 0 : index
    %swap3A_545 = vector.load %arg4[%swap3A_542, %swap3A_543, %swap3A_544] : memref<1x4096x1xi32, #tpu.memory_space<vmem>>, vector<1x128x1xi32>
    %swap3A_546 = vector.shape_cast %swap3A_545 : vector<1x128x1xi32> to vector<128x1xi32>
    %swap3A_547 = vector.shape_cast %convert_element_type3A_541 : vector<128x1xi32> to vector<1x128x1xi32>
    tpu.vector_store %arg4[%swap3A_542, %swap3A_543, %swap3A_544], %swap3A_547 {strides = array<i32>} : memref<1x4096x1xi32, #tpu.memory_space<vmem>>, vector<1x128x1xi32>,
    %dot_general3A_548 = arith.constant dense<0.000000e+00> : vector<1x64xf32>
    %dot_general3A_549 = tpu.matmul %broadcast_in_dim3A_59, %slice3A_532, %dot_general3A_548 {dimension_numbers = #tpu.dot_dimension_numbers<[1], [0], [0], [1], [0, 0, 1, 1], [], []>, transpose_lhs_hint = false} : vector<1x128xf32>, vector<128x64xf32>, vector<1x64xf32> -> vector<1x64xf32>
    %add3A_550 = arith.addf %add3A_531, %dot_general3A_549 : vector<1x64xf32>
    %slice3A_551 = vector.extract_strided_slice %select_n3A_32 {offsets = [3328, 0], sizes = [128, 64], strides = [1, 1]} : vector<4096x64xf32> to vector<128x64xf32>
    %dot_general3A_552 = arith.constant dense<0.000000e+00> : vector<128x64xf32>
    %dot_general3A_553 = tpu.matmul %select_n3A_57, %slice3A_551, %dot_general3A_552 {dimension_numbers = #tpu.dot_dimension_numbers<[1], [0], [0], [1], [0, 0, 1, 1], [], []>, transpose_lhs_hint = false} : vector<128x128xf32>, vector<128x64xf32>, vector<128x64xf32> -> vector<128x64xf32>
    %add3A_554 = vector.broadcast %add3A_550 : vector<1x64xf32> to vector<128x64xf32>
    %add3A_555 = arith.addf %dot_general3A_553, %add3A_554 : vector<128x64xf32>
    %mul3A_556 = arith.mulf %slice3A_551, %add3A_555 : vector<128x64xf32>
    %reduce_sum3A_557 = arith.constant dense<0.000000e+00> : vector<128xf32>
    %reduce_sum3A_558 = vector.multi_reduction <add>, %mul3A_556, %reduce_sum3A_557 [1] : vector<128x64xf32> to vector<128xf32>
    %broadcast_in_dim3A_559 = vector.shape_cast %reduce_sum3A_558 : vector<128xf32> to vector<128x1xf32>
    %convert_element_type3A_560 = arith.fptosi %broadcast_in_dim3A_559 : vector<128x1xf32> to vector<128x1xi32>
    %swap3A_561 = arith.constant 0 : index
    %swap3A_562 = arith.constant 3328 : index
    %swap3A_563 = arith.constant 0 : index
    %swap3A_564 = vector.load %arg4[%swap3A_561, %swap3A_562, %swap3A_563] : memref<1x4096x1xi32, #tpu.memory_space<vmem>>, vector<1x128x1xi32>
    %swap3A_565 = vector.shape_cast %swap3A_564 : vector<1x128x1xi32> to vector<128x1xi32>
    %swap3A_566 = vector.shape_cast %convert_element_type3A_560 : vector<128x1xi32> to vector<1x128x1xi32>
    tpu.vector_store %arg4[%swap3A_561, %swap3A_562, %swap3A_563], %swap3A_566 {strides = array<i32>} : memref<1x4096x1xi32, #tpu.memory_space<vmem>>, vector<1x128x1xi32>,
    %dot_general3A_567 = arith.constant dense<0.000000e+00> : vector<1x64xf32>
    %dot_general3A_568 = tpu.matmul %broadcast_in_dim3A_59, %slice3A_551, %dot_general3A_567 {dimension_numbers = #tpu.dot_dimension_numbers<[1], [0], [0], [1], [0, 0, 1, 1], [], []>, transpose_lhs_hint = false} : vector<1x128xf32>, vector<128x64xf32>, vector<1x64xf32> -> vector<1x64xf32>
    %add3A_569 = arith.addf %add3A_550, %dot_general3A_568 : vector<1x64xf32>
    %slice3A_570 = vector.extract_strided_slice %select_n3A_32 {offsets = [3456, 0], sizes = [128, 64], strides = [1, 1]} : vector<4096x64xf32> to vector<128x64xf32>
    %dot_general3A_571 = arith.constant dense<0.000000e+00> : vector<128x64xf32>
    %dot_general3A_572 = tpu.matmul %select_n3A_57, %slice3A_570, %dot_general3A_571 {dimension_numbers = #tpu.dot_dimension_numbers<[1], [0], [0], [1], [0, 0, 1, 1], [], []>, transpose_lhs_hint = false} : vector<128x128xf32>, vector<128x64xf32>, vector<128x64xf32> -> vector<128x64xf32>
    %add3A_573 = vector.broadcast %add3A_569 : vector<1x64xf32> to vector<128x64xf32>
    %add3A_574 = arith.addf %dot_general3A_572, %add3A_573 : vector<128x64xf32>
    %mul3A_575 = arith.mulf %slice3A_570, %add3A_574 : vector<128x64xf32>
    %reduce_sum3A_576 = arith.constant dense<0.000000e+00> : vector<128xf32>
    %reduce_sum3A_577 = vector.multi_reduction <add>, %mul3A_575, %reduce_sum3A_576 [1] : vector<128x64xf32> to vector<128xf32>
    %broadcast_in_dim3A_578 = vector.shape_cast %reduce_sum3A_577 : vector<128xf32> to vector<128x1xf32>
    %convert_element_type3A_579 = arith.fptosi %broadcast_in_dim3A_578 : vector<128x1xf32> to vector<128x1xi32>
    %swap3A_580 = arith.constant 0 : index
    %swap3A_581 = arith.constant 3456 : index
    %swap3A_582 = arith.constant 0 : index
    %swap3A_583 = vector.load %arg4[%swap3A_580, %swap3A_581, %swap3A_582] : memref<1x4096x1xi32, #tpu.memory_space<vmem>>, vector<1x128x1xi32>
    %swap3A_584 = vector.shape_cast %swap3A_583 : vector<1x128x1xi32> to vector<128x1xi32>
    %swap3A_585 = vector.shape_cast %convert_element_type3A_579 : vector<128x1xi32> to vector<1x128x1xi32>
    tpu.vector_store %arg4[%swap3A_580, %swap3A_581, %swap3A_582], %swap3A_585 {strides = array<i32>} : memref<1x4096x1xi32, #tpu.memory_space<vmem>>, vector<1x128x1xi32>,
    %dot_general3A_586 = arith.constant dense<0.000000e+00> : vector<1x64xf32>
    %dot_general3A_587 = tpu.matmul %broadcast_in_dim3A_59, %slice3A_570, %dot_general3A_586 {dimension_numbers = #tpu.dot_dimension_numbers<[1], [0], [0], [1], [0, 0, 1, 1], [], []>, transpose_lhs_hint = false} : vector<1x128xf32>, vector<128x64xf32>, vector<1x64xf32> -> vector<1x64xf32>
    %add3A_588 = arith.addf %add3A_569, %dot_general3A_587 : vector<1x64xf32>
    %slice3A_589 = vector.extract_strided_slice %select_n3A_32 {offsets = [3584, 0], sizes = [128, 64], strides = [1, 1]} : vector<4096x64xf32> to vector<128x64xf32>
    %dot_general3A_590 = arith.constant dense<0.000000e+00> : vector<128x64xf32>
    %dot_general3A_591 = tpu.matmul %select_n3A_57, %slice3A_589, %dot_general3A_590 {dimension_numbers = #tpu.dot_dimension_numbers<[1], [0], [0], [1], [0, 0, 1, 1], [], []>, transpose_lhs_hint = false} : vector<128x128xf32>, vector<128x64xf32>, vector<128x64xf32> -> vector<128x64xf32>
    %add3A_592 = vector.broadcast %add3A_588 : vector<1x64xf32> to vector<128x64xf32>
    %add3A_593 = arith.addf %dot_general3A_591, %add3A_592 : vector<128x64xf32>
    %mul3A_594 = arith.mulf %slice3A_589, %add3A_593 : vector<128x64xf32>
    %reduce_sum3A_595 = arith.constant dense<0.000000e+00> : vector<128xf32>
    %reduce_sum3A_596 = vector.multi_reduction <add>, %mul3A_594, %reduce_sum3A_595 [1] : vector<128x64xf32> to vector<128xf32>
    %broadcast_in_dim3A_597 = vector.shape_cast %reduce_sum3A_596 : vector<128xf32> to vector<128x1xf32>
    %convert_element_type3A_598 = arith.fptosi %broadcast_in_dim3A_597 : vector<128x1xf32> to vector<128x1xi32>
    %swap3A_599 = arith.constant 0 : index
    %swap3A_600 = arith.constant 3584 : index
    %swap3A_601 = arith.constant 0 : index
    %swap3A_602 = vector.load %arg4[%swap3A_599, %swap3A_600, %swap3A_601] : memref<1x4096x1xi32, #tpu.memory_space<vmem>>, vector<1x128x1xi32>
    %swap3A_603 = vector.shape_cast %swap3A_602 : vector<1x128x1xi32> to vector<128x1xi32>
    %swap3A_604 = vector.shape_cast %convert_element_type3A_598 : vector<128x1xi32> to vector<1x128x1xi32>
    tpu.vector_store %arg4[%swap3A_599, %swap3A_600, %swap3A_601], %swap3A_604 {strides = array<i32>} : memref<1x4096x1xi32, #tpu.memory_space<vmem>>, vector<1x128x1xi32>,
    %dot_general3A_605 = arith.constant dense<0.000000e+00> : vector<1x64xf32>
    %dot_general3A_606 = tpu.matmul %broadcast_in_dim3A_59, %slice3A_589, %dot_general3A_605 {dimension_numbers = #tpu.dot_dimension_numbers<[1], [0], [0], [1], [0, 0, 1, 1], [], []>, transpose_lhs_hint = false} : vector<1x128xf32>, vector<128x64xf32>, vector<1x64xf32> -> vector<1x64xf32>
    %add3A_607 = arith.addf %add3A_588, %dot_general3A_606 : vector<1x64xf32>
    %slice3A_608 = vector.extract_strided_slice %select_n3A_32 {offsets = [3712, 0], sizes = [128, 64], strides = [1, 1]} : vector<4096x64xf32> to vector<128x64xf32>
    %dot_general3A_609 = arith.constant dense<0.000000e+00> : vector<128x64xf32>
    %dot_general3A_610 = tpu.matmul %select_n3A_57, %slice3A_608, %dot_general3A_609 {dimension_numbers = #tpu.dot_dimension_numbers<[1], [0], [0], [1], [0, 0, 1, 1], [], []>, transpose_lhs_hint = false} : vector<128x128xf32>, vector<128x64xf32>, vector<128x64xf32> -> vector<128x64xf32>
    %add3A_611 = vector.broadcast %add3A_607 : vector<1x64xf32> to vector<128x64xf32>
    %add3A_612 = arith.addf %dot_general3A_610, %add3A_611 : vector<128x64xf32>
    %mul3A_613 = arith.mulf %slice3A_608, %add3A_612 : vector<128x64xf32>
    %reduce_sum3A_614 = arith.constant dense<0.000000e+00> : vector<128xf32>
    %reduce_sum3A_615 = vector.multi_reduction <add>, %mul3A_613, %reduce_sum3A_614 [1] : vector<128x64xf32> to vector<128xf32>
    %broadcast_in_dim3A_616 = vector.shape_cast %reduce_sum3A_615 : vector<128xf32> to vector<128x1xf32>
    %convert_element_type3A_617 = arith.fptosi %broadcast_in_dim3A_616 : vector<128x1xf32> to vector<128x1xi32>
    %swap3A_618 = arith.constant 0 : index
    %swap3A_619 = arith.constant 3712 : index
    %swap3A_620 = arith.constant 0 : index
    %swap3A_621 = vector.load %arg4[%swap3A_618, %swap3A_619, %swap3A_620] : memref<1x4096x1xi32, #tpu.memory_space<vmem>>, vector<1x128x1xi32>
    %swap3A_622 = vector.shape_cast %swap3A_621 : vector<1x128x1xi32> to vector<128x1xi32>
    %swap3A_623 = vector.shape_cast %convert_element_type3A_617 : vector<128x1xi32> to vector<1x128x1xi32>
    tpu.vector_store %arg4[%swap3A_618, %swap3A_619, %swap3A_620], %swap3A_623 {strides = array<i32>} : memref<1x4096x1xi32, #tpu.memory_space<vmem>>, vector<1x128x1xi32>,
    %dot_general3A_624 = arith.constant dense<0.000000e+00> : vector<1x64xf32>
    %dot_general3A_625 = tpu.matmul %broadcast_in_dim3A_59, %slice3A_608, %dot_general3A_624 {dimension_numbers = #tpu.dot_dimension_numbers<[1], [0], [0], [1], [0, 0, 1, 1], [], []>, transpose_lhs_hint = false} : vector<1x128xf32>, vector<128x64xf32>, vector<1x64xf32> -> vector<1x64xf32>
    %add3A_626 = arith.addf %add3A_607, %dot_general3A_625 : vector<1x64xf32>
    %slice3A_627 = vector.extract_strided_slice %select_n3A_32 {offsets = [3840, 0], sizes = [128, 64], strides = [1, 1]} : vector<4096x64xf32> to vector<128x64xf32>
    %dot_general3A_628 = arith.constant dense<0.000000e+00> : vector<128x64xf32>
    %dot_general3A_629 = tpu.matmul %select_n3A_57, %slice3A_627, %dot_general3A_628 {dimension_numbers = #tpu.dot_dimension_numbers<[1], [0], [0], [1], [0, 0, 1, 1], [], []>, transpose_lhs_hint = false} : vector<128x128xf32>, vector<128x64xf32>, vector<128x64xf32> -> vector<128x64xf32>
    %add3A_630 = vector.broadcast %add3A_626 : vector<1x64xf32> to vector<128x64xf32>
    %add3A_631 = arith.addf %dot_general3A_629, %add3A_630 : vector<128x64xf32>
    %mul3A_632 = arith.mulf %slice3A_627, %add3A_631 : vector<128x64xf32>
    %reduce_sum3A_633 = arith.constant dense<0.000000e+00> : vector<128xf32>
    %reduce_sum3A_634 = vector.multi_reduction <add>, %mul3A_632, %reduce_sum3A_633 [1] : vector<128x64xf32> to vector<128xf32>
    %broadcast_in_dim3A_635 = vector.shape_cast %reduce_sum3A_634 : vector<128xf32> to vector<128x1xf32>
    %convert_element_type3A_636 = arith.fptosi %broadcast_in_dim3A_635 : vector<128x1xf32> to vector<128x1xi32>
    %swap3A_637 = arith.constant 0 : index
    %swap3A_638 = arith.constant 3840 : index
    %swap3A_639 = arith.constant 0 : index
    %swap3A_640 = vector.load %arg4[%swap3A_637, %swap3A_638, %swap3A_639] : memref<1x4096x1xi32, #tpu.memory_space<vmem>>, vector<1x128x1xi32>
    %swap3A_641 = vector.shape_cast %swap3A_640 : vector<1x128x1xi32> to vector<128x1xi32>
    %swap3A_642 = vector.shape_cast %convert_element_type3A_636 : vector<128x1xi32> to vector<1x128x1xi32>
    tpu.vector_store %arg4[%swap3A_637, %swap3A_638, %swap3A_639], %swap3A_642 {strides = array<i32>} : memref<1x4096x1xi32, #tpu.memory_space<vmem>>, vector<1x128x1xi32>,
    %dot_general3A_643 = arith.constant dense<0.000000e+00> : vector<1x64xf32>
    %dot_general3A_644 = tpu.matmul %broadcast_in_dim3A_59, %slice3A_627, %dot_general3A_643 {dimension_numbers = #tpu.dot_dimension_numbers<[1], [0], [0], [1], [0, 0, 1, 1], [], []>, transpose_lhs_hint = false} : vector<1x128xf32>, vector<128x64xf32>, vector<1x64xf32> -> vector<1x64xf32>
    %add3A_645 = arith.addf %add3A_626, %dot_general3A_644 : vector<1x64xf32>
    %slice3A_646 = vector.extract_strided_slice %select_n3A_32 {offsets = [3968, 0], sizes = [128, 64], strides = [1, 1]} : vector<4096x64xf32> to vector<128x64xf32>
    %dot_general3A_647 = arith.constant dense<0.000000e+00> : vector<128x64xf32>
    %dot_general3A_648 = tpu.matmul %select_n3A_57, %slice3A_646, %dot_general3A_647 {dimension_numbers = #tpu.dot_dimension_numbers<[1], [0], [0], [1], [0, 0, 1, 1], [], []>, transpose_lhs_hint = false} : vector<128x128xf32>, vector<128x64xf32>, vector<128x64xf32> -> vector<128x64xf32>
    %add3A_649 = vector.broadcast %add3A_645 : vector<1x64xf32> to vector<128x64xf32>
    %add3A_650 = arith.addf %dot_general3A_648, %add3A_649 : vector<128x64xf32>
    %mul3A_651 = arith.mulf %slice3A_646, %add3A_650 : vector<128x64xf32>
    %reduce_sum3A_652 = arith.constant dense<0.000000e+00> : vector<128xf32>
    %reduce_sum3A_653 = vector.multi_reduction <add>, %mul3A_651, %reduce_sum3A_652 [1] : vector<128x64xf32> to vector<128xf32>
    %broadcast_in_dim3A_654 = vector.shape_cast %reduce_sum3A_653 : vector<128xf32> to vector<128x1xf32>
    %convert_element_type3A_655 = arith.fptosi %broadcast_in_dim3A_654 : vector<128x1xf32> to vector<128x1xi32>
    %swap3A_656 = arith.constant 0 : index
    %swap3A_657 = arith.constant 3968 : index
    %swap3A_658 = arith.constant 0 : index
    %swap3A_659 = vector.load %arg4[%swap3A_656, %swap3A_657, %swap3A_658] : memref<1x4096x1xi32, #tpu.memory_space<vmem>>, vector<1x128x1xi32>
    %swap3A_660 = vector.shape_cast %swap3A_659 : vector<1x128x1xi32> to vector<128x1xi32>
    %swap3A_661 = vector.shape_cast %convert_element_type3A_655 : vector<128x1xi32> to vector<1x128x1xi32>
    tpu.vector_store %arg4[%swap3A_656, %swap3A_657, %swap3A_658], %swap3A_661 {strides = array<i32>} : memref<1x4096x1xi32, #tpu.memory_space<vmem>>, vector<1x128x1xi32>,
    return
  }
  func.func @transform_0(%arg0: i32) -> (i32, i32, i32) {
    %c0_i32 = arith.constant 0 : i32
    %c0_i32_0 = arith.constant 0 : i32
    %c0_i32_1 = arith.constant 0 : i32
    return %arg0, %c0_i32, %c0_i32_0 : i32, i32, i32
  }
  func.func @transform_1(%arg0: i32) -> (i32, i32) {
    %c0_i32 = arith.constant 0 : i32
    %c0_i32_0 = arith.constant 0 : i32
    %c0_i32_1 = arith.constant 0 : i32
    return %c0_i32, %c0_i32_0 : i32, i32
  }
  func.func @transform_2(%arg0: i32) -> (i32, i32, i32) {
    %c0_i32 = arith.constant 0 : i32
    %c0_i32_0 = arith.constant 0 : i32
    %c0_i32_1 = arith.constant 0 : i32
    return %arg0, %c0_i32, %c0_i32_0 : i32, i32, i32
  }
  func.func @transform_3(%arg0: i32) -> (i32, i32, i32) {
    %c0_i32 = arith.constant 0 : i32
    %c0_i32_0 = arith.constant 0 : i32
    %c0_i32_1 = arith.constant 0 : i32
    return %arg0, %c0_i32, %c0_i32_0 : i32, i32, i32
  }
}

module attributes {stable_mosaic.version = 14 : i64} {
  func.func @_dm_body(%arg0: i32, %arg1: memref<1x128x128xf32, #tpu.memory_space<vmem>>, %arg2: memref<1x128x1xf32, #tpu.memory_space<vmem>>, %arg3: memref<128x128xf32, #tpu.memory_space<vmem>>, %arg4: memref<1x128x128xf32, #tpu.memory_space<vmem>>) attributes {dimension_semantics = [#tpu.dimension_semantics<arbitrary>], iteration_bounds = array<i64: 128>, scalar_prefetch = 0 : i64, scratch_operands = 0 : i64, tpu.core_type = #tpu.core_type<tc>, window_params = [{transform_indices = @transform_0, window_bounds = array<i64: 1, 128, 128>}, {transform_indices = @transform_1, window_bounds = array<i64: 1, 128, 1>}, {pipeline_mode = #tpu.pipeline_mode<synchronous>, transform_indices = @transform_2, window_bounds = array<i64: 128, 128>}, {transform_indices = @transform_3, window_bounds = array<i64: 1, 128, 128>}]} {
    %get3A = arith.constant 0 : index
    %get3A_0 = arith.constant 0 : index
    %get3A_1 = arith.constant 0 : index
    %get3A_2 = vector.load %arg1[%get3A, %get3A_0, %get3A_1] : memref<1x128x128xf32, #tpu.memory_space<vmem>>, vector<1x128x128xf32>
    %get3A_3 = vector.shape_cast %get3A_2 : vector<1x128x128xf32> to vector<128x128xf32>
    %get3A_4 = arith.constant 0 : index
    %get3A_5 = arith.constant 0 : index
    %get3A_6 = arith.constant 0 : index
    %get3A_7 = vector.load %arg2[%get3A_4, %get3A_5, %get3A_6] : memref<1x128x1xf32, #tpu.memory_space<vmem>>, vector<1x128x1xf32>
    %get3A_8 = vector.shape_cast %get3A_7 : vector<1x128x1xf32> to vector<128x1xf32>
    %get3A_9 = arith.constant 0 : index
    %get3A_10 = arith.constant 0 : index
    %get3A_11 = vector.load %arg3[%get3A_9, %get3A_10] : memref<128x128xf32, #tpu.memory_space<vmem>>, vector<128x128xf32>
    %mul3A = vector.broadcast %get3A_8 : vector<128x1xf32> to vector<128x128xf32>
    %mul3A_12 = arith.mulf %get3A_3, %mul3A : vector<128x128xf32>
    %mul3A_13 = arith.mulf %mul3A_12, %mul3A_12 : vector<128x128xf32>
    %reduce_sum3A = arith.constant dense<0.000000e+00> : vector<128xf32>
    %reduce_sum3A_14 = vector.multi_reduction <add>, %mul3A_13, %reduce_sum3A [1] : vector<128x128xf32> to vector<128xf32>
    %broadcast_in_dim3A = vector.shape_cast %reduce_sum3A_14 : vector<128xf32> to vector<128x1xf32>
    %dot_general3A = arith.constant dense<0.000000e+00> : vector<1x128xf32>
    %dot_general3A_15 = tpu.matmul %broadcast_in_dim3A, %get3A_11, %dot_general3A {dimension_numbers = #tpu.dot_dimension_numbers<[0], [0], [1], [1], [0, 1, 1, 1], [], []>, transpose_lhs_hint = false} : vector<128x1xf32>, vector<128x128xf32>, vector<1x128xf32> -> vector<1x128xf32>
    %dot_general3A_16 = arith.constant dense<0.000000e+00> : vector<1x128xf32>
    %dot_general3A_17 = tpu.matmul %get3A_8, %get3A_11, %dot_general3A_16 {dimension_numbers = #tpu.dot_dimension_numbers<[0], [0], [1], [1], [0, 1, 1, 1], [], []>, transpose_lhs_hint = false} : vector<128x1xf32>, vector<128x128xf32>, vector<1x128xf32> -> vector<1x128xf32>
    %dot_general3A_18 = arith.constant dense<0.000000e+00> : vector<128x128xf32>
    %dot_general3A_19 = tpu.matmul %mul3A_12, %mul3A_12, %dot_general3A_18 {dimension_numbers = #tpu.dot_dimension_numbers<[1], [1], [0], [0], [0, 0, 1, 0], [], []>, transpose_lhs_hint = false} : vector<128x128xf32>, vector<128x128xf32>, vector<128x128xf32> -> vector<128x128xf32>
    %mul3A_20 = arith.constant 2.000000e+00 : f32
    %mul3A_21 = vector.broadcast %mul3A_20 : f32 to vector<128x128xf32>
    %mul3A_22 = arith.mulf %mul3A_21, %dot_general3A_19 : vector<128x128xf32>
    %sub3A = vector.broadcast %broadcast_in_dim3A : vector<128x1xf32> to vector<128x128xf32>
    %sub3A_23 = arith.subf %sub3A, %mul3A_22 : vector<128x128xf32>
    %add3A = vector.broadcast %dot_general3A_15 : vector<1x128xf32> to vector<128x128xf32>
    %add3A_24 = arith.addf %sub3A_23, %add3A : vector<128x128xf32>
    %sub3A_25 = arith.constant 1.000000e+00 : f32
    %sub3A_26 = vector.broadcast %sub3A_25 : f32 to vector<128x128xf32>
    %sub3A_27 = arith.subf %sub3A_26, %get3A_11 : vector<128x128xf32>
    %mul3A_28 = arith.mulf %add3A_24, %sub3A_27 : vector<128x128xf32>
    %max3A = arith.constant 9.99999997E-7 : f32
    %max3A_29 = vector.broadcast %max3A : f32 to vector<128x128xf32>
    %max3A_30 = arith.maximumf %mul3A_28, %max3A_29 : vector<128x128xf32>
    %sqrt3A = math.sqrt %max3A_30 : vector<128x128xf32>
    %mul3A_31 = arith.constant -1.000000e-01 : f32
    %mul3A_32 = vector.broadcast %mul3A_31 : f32 to vector<128x128xf32>
    %mul3A_33 = arith.mulf %mul3A_32, %sqrt3A : vector<128x128xf32>
    %exp3A = math.exp %mul3A_33 : vector<128x128xf32>
    %min3A = arith.constant 1.000000e+00 : f32
    %min3A_34 = vector.broadcast %min3A : f32 to vector<128x128xf32>
    %min3A_35 = arith.minimumf %exp3A, %min3A_34 : vector<128x128xf32>
    %max3A_36 = arith.constant 0.000000e+00 : f32
    %max3A_37 = vector.broadcast %max3A_36 : f32 to vector<128x128xf32>
    %max3A_38 = arith.maximumf %min3A_35, %max3A_37 : vector<128x128xf32>
    %mul3A_39 = vector.broadcast %get3A_8 : vector<128x1xf32> to vector<128x128xf32>
    %mul3A_40 = arith.mulf %max3A_38, %mul3A_39 : vector<128x128xf32>
    %mul3A_41 = vector.broadcast %dot_general3A_17 : vector<1x128xf32> to vector<128x128xf32>
    %mul3A_42 = arith.mulf %mul3A_40, %mul3A_41 : vector<128x128xf32>
    %swap3A = arith.constant 0 : index
    %swap3A_43 = arith.constant 0 : index
    %swap3A_44 = arith.constant 0 : index
    %swap3A_45 = vector.load %arg4[%swap3A, %swap3A_43, %swap3A_44] : memref<1x128x128xf32, #tpu.memory_space<vmem>>, vector<1x128x128xf32>
    %swap3A_46 = vector.shape_cast %swap3A_45 : vector<1x128x128xf32> to vector<128x128xf32>
    %swap3A_47 = vector.shape_cast %mul3A_42 : vector<128x128xf32> to vector<1x128x128xf32>
    tpu.vector_store %arg4[%swap3A, %swap3A_43, %swap3A_44], %swap3A_47 {strides = array<i32>} : memref<1x128x128xf32, #tpu.memory_space<vmem>>, vector<1x128x128xf32>,
    return
  }
  func.func @transform_0(%arg0: i32) -> (i32, i32, i32) {
    %c0_i32 = arith.constant 0 : i32
    %c0_i32_0 = arith.constant 0 : i32
    %c0_i32_1 = arith.constant 0 : i32
    return %arg0, %c0_i32, %c0_i32_0 : i32, i32, i32
  }
  func.func @transform_1(%arg0: i32) -> (i32, i32, i32) {
    %c0_i32 = arith.constant 0 : i32
    %c0_i32_0 = arith.constant 0 : i32
    %c0_i32_1 = arith.constant 0 : i32
    return %arg0, %c0_i32, %c0_i32_0 : i32, i32, i32
  }
  func.func @transform_2(%arg0: i32) -> (i32, i32) {
    %c0_i32 = arith.constant 0 : i32
    %c0_i32_0 = arith.constant 0 : i32
    %c0_i32_1 = arith.constant 0 : i32
    return %c0_i32, %c0_i32_0 : i32, i32
  }
  func.func @transform_3(%arg0: i32) -> (i32, i32, i32) {
    %c0_i32 = arith.constant 0 : i32
    %c0_i32_0 = arith.constant 0 : i32
    %c0_i32_1 = arith.constant 0 : i32
    return %arg0, %c0_i32, %c0_i32_0 : i32, i32, i32
  }
}

</mosaic_0001>

<sc_bundles>
// kernel: kernel.6.cloned.1.call-start
scs
__scs_entry_jumppad:
0x0: {  	(pc) =	sbr.rel $0x88, $3  }
0x1: {  	(tag) =	ssettag $0x0;
	lr =	simm.s32 $0x1  }
0x2: {  	[smem:$0x3F9D] =	sst lr;
	_ =	strace $0xD0000000  }
0x3: {  	_ = 	snop  }
0x4: {  	_ = 	snop  }
0x5: {  	_ = 	snop  }
0x6: {  	_ = 	snop  }
0x7: {  	_ = 	snop  }
__scs_overlays_trampoline_lowered:
0x8: {  	[smem:$0x3FAC] =	sst s0  }
0x9: {  	[smem:$0x3FAD] =	sst s1  }
0xa: {  	[smem:$0x3FAE] =	sst s2  }
0xb: {  	[smem:$0x3FAF] =	sst s3  }
0xc: {  	[smem:$0x3FB0] =	sst s4  }
0xd: {  	[smem:$0x3FB1] =	sst s5  }
0xe: {  	[smem:$0x3FB2] =	sst s6  }
0xf: {  	[smem:$0x3FB3] =	sst s7  }
0x10: {  	[smem:$0x3FB4] =	sst s8  }
0x11: {  	[smem:$0x3FB5] =	sst s9;
	s0 =	simm.s32 @!p0 $0x0  }
0x12: {  	s1 =	sld [smem:$0x3F9B];
	s0 =	simm.s32 @p0 $0x1  }
0x13: {  	[smem:$0x3FB6] =	sst s0;
	s0 =	simm.s32 @!p1 $0x0  }
0x14: {  	s2 =	sld [smem:$0x3F9A];
	s0 =	simm.s32 @p1 $0x1  }
0x15: {  	[smem:$0x3FB7] =	sst s0;
	s0 =	simm.s32 @!p2 $0x0  }
0x16: {  	s3 =	sld [smem:$0x3FDB];
	s0 =	simm.s32 @p2 $0x1  }
0x17: {  	s4 =	simm.s32 $0x1BF5;
	[smem:$0x3FB9] =	sst s0  }
0x18: {  	s0 =	sld [smem:$0x3F9C];
	_ =	swait.ge [sflag:s4], $0x0  }
0x19: {  	s7 =	sld [smem:$0x3F9D]  }
0x1a: {  	s8 =	sadd.s32 $0xFFFFE003, lr  }
0x1b: {  	s9 =	sadd.s32 $0xFFFFFEF7, lr;
	s5 =	simm.s32 $0xFFFFFFFF;
	p2 =	slt.u32 s8, $0xFFFFF086  }
0x1c: {  	p1 =	slt.u32 s9, $0xF7A;
	s5 =	simm.s32 @!p2 $0x0  }
0x1d: {  	s5 =	simm.s32 @p1 $0x1;
	p0 =	seq.s32 s7, s2  }
0x1e: {  	s7 =	smul.u32 @!p0 $0xF7A, s2;
	p2 =	seq.s32 @!p0 s5, $0x0  }
0x1f: {  	s9 =	smul.u32 $0xF7A, s1;
	s8 =	simm.s32 @!p0 $0x1BF5;
	p2 =	por !p2, p0  }
0x20: {  	[sflag:s8] =	ssyncset.s32 @!p0 $0xFFFFF086;
	s6 =	sadd.s32 @!p0 s3, s7;
	s7 =	simm.s32 @!p0 $0x108  }
0x21: {  	s3 =	sadd.s32 s3, s9;
	s6 =	sadd.s32 @!p0 $0x88, s6;
	s7 =	simm.s32 @p2 $0x1082  }
0x22: {  	[simem:s7], [sflag:s8] =	dma.local @!p0 [hbm:s6], $0xF7A  }
0x23: {  	s9 =	sor.u32 $0xD0000000, s2;
	s6 =	simm.s32 $0x108;
	_ =	swait.ge @!p0 [sflag:s8], $0x0  }
0x24: {  	s3 =	sadd.s32 $0x88, s3;
	s6 =	simm.s32 @!p1 $0x1082;
	[sflag:s4] =	ssyncset.s32 $0xFFFFF086  }
0x25: {  	[simem:s6], [sflag:s4] =	dma.local [hbm:s3], $0xF7A  }
0x26: {  	[smem:$0x3F9D] =	sst s1;
	(tag) =	ssettag s2;
	_ =	strace s9  }
0x27: {  	s1 =	sld [smem:$0x3FAD]  }
0x28: {  	s2 =	sld [smem:$0x3FAE]  }
0x29: {  	s4 =	sld [smem:$0x3FB0]  }
0x2a: {  	p0 =	seq.s32 s5, $0x0;
	s5 =	sld [smem:$0x3FB1]  }
0x2b: {  	s6 =	sld [smem:$0x3FB2]  }
0x2c: {  	s7 =	sld [smem:$0x3FB3]  }
0x2d: {  	s3 =	simm.s32 $0x108;
	s8 =	sld [smem:$0x3FB4]  }
0x2e: {  	s3 =	simm.s32 @!p0 $0x1082;
	s9 =	sld [smem:$0x3FB5]  }
0x2f: {  	lr =	sadd.s32 s0, s3;
	s0 =	sld [smem:$0x3FAC]  }
0x30: {  	s3 =	sld [smem:$0x3FAF]  }
0x31: {  	[smem:$0x3FB8] =	sst s10  }
0x32: {  	s10 =	sld [smem:$0x3FB6];
	_ =	sdelay $0x3  }
0x33: {  	p0 =	seq.s32 s10, $0x1;
	s10 =	sld [smem:$0x3FB8];
	_ =	sdelay $0x3  }
0x34: {  	[smem:$0x3FB8] =	sst s10  }
0x35: {  	s10 =	sld [smem:$0x3FB7];
	_ =	sdelay $0x3  }
0x36: {  	p1 =	seq.s32 s10, $0x1;
	s10 =	sld [smem:$0x3FB8];
	_ =	sdelay $0x3  }
0x37: {  	[smem:$0x3FB8] =	sst s10  }
0x38: {  	s10 =	sld [smem:$0x3FB9]  }
0x39: {  	_ = 	snop;
	(pc) =	sbr.ind lr, $3  }
0x3a: {  	_ = 	snop  }
0x3b: {  	_ = 	snop  }
0x3c: {  	p2 =	seq.s32 s10, $0x1;
	s10 =	sld [smem:$0x3FB8]  }
0x3d: {  	_ =	shalt  }
0x3e: {  	_ =	shalt  }
0x3f: {  	_ =	shalt  }
0x40: {  	_ =	shalt  }
0x41: {  	_ =	shalt  }
0x42: {  	_ =	shalt  }
0x43: {  	_ =	shalt  }
0x44: {  	_ =	shalt  }
0x45: {  	_ =	shalt  }
0x46: {  	_ =	shalt  }
0x47: {  	_ =	shalt  }
0x48: {  	_ =	shalt  }
0x49: {  	_ =	shalt  }
0x4a: {  	_ =	shalt  }
0x4b: {  	_ =	shalt  }
0x4c: {  	_ =	shalt  }
0x4d: {  	_ =	shalt  }
0x4e: {  	_ =	shalt  }
0x4f: {  	_ =	shalt  }
0x50: {  	_ =	shalt  }
0x51: {  	_ =	shalt  }
0x52: {  	_ =	shalt  }
0x53: {  	_ =	shalt  }
0x54: {  	_ =	shalt  }
0x55: {  	_ =	shalt  }
0x56: {  	_ =	shalt  }
0x57: {  	_ =	shalt  }
0x58: {  	_ =	shalt  }
0x59: {  	_ =	shalt  }
0x5a: {  	_ =	shalt  }
0x5b: {  	_ =	shalt  }
0x5c: {  	_ =	shalt  }
0x5d: {  	_ =	shalt  }
0x5e: {  	_ =	shalt  }
0x5f: {  	_ =	shalt  }
0x60: {  	_ =	shalt  }
0x61: {  	_ =	shalt  }
0x62: {  	_ =	shalt  }
0x63: {  	_ =	shalt  }
0x64: {  	_ =	shalt  }
0x65: {  	_ =	shalt  }
0x66: {  	_ =	shalt  }
0x67: {  	_ =	shalt  }
0x68: {  	_ =	shalt  }
0x69: {  	_ =	shalt  }
0x6a: {  	_ =	shalt  }
0x6b: {  	_ =	shalt  }
0x6c: {  	_ =	shalt  }
0x6d: {  	_ =	shalt  }
0x6e: {  	_ =	shalt  }
0x6f: {  	_ =	shalt  }
0x70: {  	_ =	shalt  }
0x71: {  	_ =	shalt  }
0x72: {  	_ =	shalt  }
0x73: {  	_ =	shalt  }
0x74: {  	_ =	shalt  }
0x75: {  	_ =	shalt  }
0x76: {  	_ =	shalt  }
0x77: {  	_ =	shalt  }
0x78: {  	_ =	shalt  }
0x79: {  	_ =	shalt  }
0x7a: {  	_ =	shalt  }
0x7b: {  	_ =	shalt  }
0x7c: {  	_ =	shalt  }
0x7d: {  	_ =	shalt  }
0x7e: {  	_ =	shalt  }
0x7f: {  	_ =	shalt  }
0x80: {  	_ =	shalt  }
0x81: {  	_ =	shalt  }
0x82: {  	_ =	shalt  }
0x83: {  	_ =	shalt  }
0x84: {  	_ =	shalt  }
0x85: {  	_ =	shalt  }
0x86: {  	_ =	shalt  }
0x87: {  	_ =	shalt  }
.Lfunc_end0:
.L_simem_size_0:
called_computation_lowered:
.L_overlay_start_0:
0x88: {  	s2 =	sld [smem:$0x3FD9]  }
0x89: {  	s3 =	sld [smem:$0x3FFE];
	_ =	sdelay $0x1  }
0x8a: {  	s1 =	srdreg.scid  }
0x8b: {  	s0 =	sand.u32 $0x1, s1  }
0x8c: {  	s14 =	sshll.u32 s0, $0xA;
	s2 =	sadd.s32 s3, s2  }
0x8d: {  	s2 =	sadd.s32 s2, s14  }
0x8e: {  	[smem:$0x3FC4] =	sst s2  }
0x8f: {  	_ = 	snop  }
0x90: {  	s2 =	sld [smem:$0x3FD0];
	_ =	sdelay $0x2  }
0x91: {  	s4 =	simm.s32 $0xB;
	s5 =	simm.s32 $0x10;
	s15 =	sld [smem:$0x3FC9]  }
0x92: {  	[smem:s5], [sflag:s4] =	dma.local [hbm:s2], $0x1  }
0x93: {  	_ =	swait.eq [sflag:s4], $0x1  }
0x94: {  	[sflag:s4] =	ssyncset.done $0x0  }
0x95: {  	[sflag:s4] =	ssyncadd.s32 $0xFFFFFFFF  }
0x96: {  	s16 =	sld [smem:$0x12];
	(tm) =	ssettm $0x1  }
0x97: {  	s17 =	sld [smem:$0x3FFB];
	_ =	sdelay $0x3  }
0x98: {  	_ =	strace s17  }
0x99: {  	s4 =	sld [smem:$0x3FFC];
	_ =	sdelay $0x3  }
0x9a: {  	_ =	strace s4  }
0x9b: {  	s4 =	sld [smem:$0x3FFD];
	_ =	sdelay $0x3  }
0x9c: {  	_ =	strace s4  }
0x9d: {  	_ =	strace $0x8FFFFFFF  }
0x9e: {  	s18 =	sld [smem:$0x3FDB];
	_ =	sdelay $0x1  }
0x9f: {  	s19 =	simm.s32 $_scs_section_size  }
0xa0: {  	s6 =	simm.s32 $_size__tile_overlayer_lowered;
	s7 =	simm.s32 $_tile_overlayer_lowered  }
0xa1: {  	s22 =	simm.s32 $0x1BFF;
	s21 =	sshll.u32 s7, $0x1;
	s4 =	sadd.s32 s19, s18  }
0xa2: {  	s8 =	simm.s32 $0x0;
	s20 =	sshll.u32 s6, $0x1;
	s6 =	sadd.s32 s21, s4  }
0xa3: {  	[timem:s8], [sflag:s22] =	dma.local [hbm:s6], s20  }
0xa4: {  	_ =	swait.ge [sflag:s22], s20  }
0xa5: {  	s5 =	ssub.s32 $0x0, s20;
	[sflag:s22] =	ssyncset.done $0x0  }
0xa6: {  	[sflag:s22] =	ssyncadd.s32 s5;
	_ =	sdelay $0x1  }
0xa7: {  	s23 =	simm.s32 $0x1B8B  }
0xa8: {  	_ =	swait.ge [sflag:s23], $0x1  }
0xa9: {  	[sflag:s23] =	ssyncset.done $0x0  }
0xaa: {  	s25 =	simm.s32 $0x1B8E;
	s24 =	sld [smem:$0x3FFE];
	[sflag:s23] =	ssyncadd.s32 $0xFFFFFFFF  }
0xab: {  	s26 =	simm.s32 $execute0_lowered;
	[smem:$0x3FD2] =	sst s25  }
0xac: {  	s6 =	sshll.u32 s26, $0x1;
	_ =	strace $0x80000046;
	[dreg:$0x1] =	wrdreg $0xFFFFFFFF  }
0xad: {  	s28 =	simm.s32 $_size_execute0_lowered;
	s4 =	sadd.s32 s4, s6;
	[dreg:$0x0] =	wrdreg $0x0  }
0xae: {  	s6 =	sshll.u32 s28, $0x1;
	[dreg:$0x2] =	wrdreg s4  }
0xaf: {  	[dreg:$0x3] =	wrdreg s6  }
0xb0: {  	[dreg:$0x4] =	wrdreg $0xC0  }
0xb1: {  	_ =	task [dreg:s8], $0x5FFFF  }
0xb2: {  	[dreg:$0x1] =	wrdreg $0xFFFFFFFF  }
0xb3: {  	[dreg:$0x0] =	wrdreg $0x60  }
0xb4: {  	[dreg:$0x2] =	wrdreg s24  }
0xb5: {  	[dreg:$0x3] =	wrdreg s16  }
0xb6: {  	[dreg:$0x4] =	wrdreg s15  }
0xb7: {  	[dreg:$0x5] =	wrdreg $0x9  }
0xb8: {  	_ =	task.clear_ibuf [dreg:s8], $0x6FFFF;
	_ =	strace $0x90000046  }
0xb9: {  	s29 =	simm.s32 $0x9;
	_ =	strace $0x80000048  }
0xba: {  	_ =	swait.ge [sflag:s29], $0x1  }
0xbb: {  	[sflag:s29] =	ssyncadd.s32 $0xFFFFFFFF  }
0xbc: {  	_ =	strace $0x90000048  }
0xbd: {  	_ =	sfence  }
0xbe: {  	s30 =	sld [smem:$0x0];
	_ =	sdelay $0x2  }
0xbf: {  	s31 =	sshll.u32 s1, $0xD;
	s1 =	sshrl.u32 s1, $0x2  }
0xc0: {  	s3 =	sand.u32 $0x4000, s31;
	s1 =	sadd.s32 s1, s30  }
0xc1: {  	s0 =	sor.u32 s3, s0;
	s1 =	sshll.u32 s1, $0x11  }
0xc2: {  	s0 =	sor.u32 s1, s0  }
0xc3: {  	s0 =	sadd.s32 $0x8F2B, s0  }
0xc4: {  	[sflag:s0] =	ssyncadd.remote.s32 $0x1  }
0xc5: {  	_ =	sfence.sel $0xFFFF  }
0xc6: {  	[dreg:$0x0] =	wrdreg $0xFFFFFFFF;
	(pc) =	sbr.abs _section_cstart, $3  }
0xc7: {  	[dreg:$0x1] =	wrdreg $0xFFFFFFFF  }
0xc8: {  	_ =	task.clear_ibuf [dreg:s8], $0x2FFFF;
	_ =	strace $0x9FFFFFFF  }
0xc9: {  	(tm) =	ssettm $0x7FFFFFFF  }
tec
execute0_lowered:
.L_overlay_start_1:
0x0: {  	(tag) =	ssettag $0x1  }
0x1: {  	s1 =	srdreg.scid  }
0x2: {  	s0 =	stileid.u32;
	s28 =	sand.u32 $0x1, s1  }
0x3: {  	s26 =	rddreg [dreg:$0x0];
	s30 =	sshll.u32 s0, $0x8;
	s2 =	sshll.u32 s28, $0x7  }
0x4: {  	s23 =	rddreg [dreg:$0x1];
	s5 =	sor.u32 s2, s30  }
0x5: {  	s24 =	rddreg [dreg:$0x2];
	s2 =	simm.s32 $0x0;
	s22 =	sshrl.u32 s5, $0x1  }
0x6: {  	s4 =	simm.s32 $0x2;
	[smem:$0x7FF] =	sst s2;
	s3 =	sadd.s32 s22, s26  }
0x7: {  	s1 =	rddreg [dreg:$0x3];
	_ =	strace $0x80000047;
	s3 =	sadd.s32 $0x1000, s3  }
0x8: {  	[tilespmem:s2], [sflag:$0x2] =	stream.linear.gather [hbm4b:s3+s2], $0x80, $0x38;
	[tilespmem:$0x8080] =	vst v63  }
0x9: {  	_ =	swait.ge [sflag:s4], $0x80  }
0xa: {  	s25 =	sshll.u32 s5, $0x4;
	[sflag:s4] =	ssyncset.done $0x0  }
0xb: {  	s6 =	simm.s32 $0x80;
	s5 =	sadd.s32 s23, s25;
	[sflag:s4] =	ssyncadd.s32 $0xFFFFFF80  }
0xc: {  	[tilespmem:s6], [sflag:$0x2] =	stream.linear.gather [hbm4b:s5+s2], $0x4000, $0x38;
	[tilespmem:$0x8080] =	vst v63  }
0xd: {  	_ =	swait.ge [sflag:s4], $0x4000  }
0xe: {  	[sflag:s4] =	ssyncset.done $0x0  }
0xf: {  	s8 =	simm.s32 $0x4080;
	s7 =	sadd.s32 s24, s25;
	[sflag:s4] =	ssyncadd.s32 $0xFFFFC000  }
0x10: {  	[tilespmem:s8], [sflag:$0x2] =	stream.linear.gather [hbm4b:s7+s2], $0x4000, $0x38;
	[tilespmem:$0x8080] =	vst v63  }
0x11: {  	_ =	swait.ge [sflag:s4], $0x4000  }
0x12: {  	[sflag:s4] =	ssyncset.done $0x0  }
0x13: {  	s9 =	sadd.s32 $0x1800, s26;
	[sflag:s4] =	ssyncadd.s32 $0xFFFFC000  }
0x14: {  	[hbm4b:s9+s6] =	stream.indirect.scatter [tilespmem:s6], [sflag:$0x1], $0x80, s2, s6, $0xb8;
	[tilespmem:$0x8080] =	vst v63  }
0x15: {  	s10 =	simm.s32 $0x1;
	s11 =	sadd.s32 $0x41800, s26  }
0x16: {  	[hbm4b:s11+s6] =	stream.indirect.scatter [tilespmem:s8], [sflag:$0x1], $0x80, s2, s6, $0xb8;
	[tilespmem:$0x8080] =	vst v63  }
0x17: {  	_ =	swait.ge [sflag:s10], $0x4000  }
0x18: {  	[sflag:s10] =	ssyncset.done $0x0  }
0x19: {  	[sflag:s10] =	ssyncadd.s32 $0xFFFFC000  }
0x1a: {  	_ =	swait.ge [sflag:s10], $0x4000  }
0x1b: {  	s12 =	sadd.s32 $0x1010, s26;
	[sflag:s10] =	ssyncset.done $0x0  }
0x1c: {  	s12 =	sadd.s32 s22, s12;
	[sflag:s10] =	ssyncadd.s32 $0xFFFFC000  }
0x1d: {  	[tilespmem:s2], [sflag:$0x2] =	stream.linear.gather [hbm4b:s12+s2], $0x80, $0x38;
	[tilespmem:$0x8080] =	vst v63  }
0x1e: {  	_ =	swait.ge [sflag:s4], $0x80  }
0x1f: {  	s13 =	sadd.s32 $0x10000, s23;
	[sflag:s4] =	ssyncset.done $0x0  }
0x20: {  	s13 =	sadd.s32 s25, s13;
	[sflag:s4] =	ssyncadd.s32 $0xFFFFFF80  }
0x21: {  	[tilespmem:s6], [sflag:$0x2] =	stream.linear.gather [hbm4b:s13+s2], $0x4000, $0x38;
	[tilespmem:$0x8080] =	vst v63  }
0x22: {  	_ =	swait.ge [sflag:s4], $0x4000  }
0x23: {  	s14 =	sadd.s32 $0x10000, s24;
	[sflag:s4] =	ssyncset.done $0x0  }
0x24: {  	s14 =	sadd.s32 s25, s14;
	[sflag:s4] =	ssyncadd.s32 $0xFFFFC000  }
0x25: {  	[tilespmem:s8], [sflag:$0x2] =	stream.linear.gather [hbm4b:s14+s2], $0x4000, $0x38;
	[tilespmem:$0x8080] =	vst v63  }
0x26: {  	_ =	swait.ge [sflag:s4], $0x4000  }
0x27: {  	[sflag:s4] =	ssyncset.done $0x0  }
0x28: {  	s15 =	sadd.s32 $0x11800, s26;
	[sflag:s4] =	ssyncadd.s32 $0xFFFFC000  }
0x29: {  	[hbm4b:s15+s6] =	stream.indirect.scatter [tilespmem:s6], [sflag:$0x1], $0x80, s2, s6, $0xb8;
	[tilespmem:$0x8080] =	vst v63  }
0x2a: {  	s16 =	sadd.s32 $0x51800, s26  }
0x2b: {  	[hbm4b:s16+s6] =	stream.indirect.scatter [tilespmem:s8], [sflag:$0x1], $0x80, s2, s6, $0xb8;
	[tilespmem:$0x8080] =	vst v63  }
0x2c: {  	_ =	swait.ge [sflag:s10], $0x4000  }
0x2d: {  	[sflag:s10] =	ssyncset.done $0x0  }
0x2e: {  	[sflag:s10] =	ssyncadd.s32 $0xFFFFC000  }
0x2f: {  	_ =	swait.ge [sflag:s10], $0x4000  }
0x30: {  	s17 =	sadd.s32 $0x1020, s26;
	[sflag:s10] =	ssyncset.done $0x0  }
0x31: {  	s17 =	sadd.s32 s22, s17;
	[sflag:s10] =	ssyncadd.s32 $0xFFFFC000  }
0x32: {  	[tilespmem:s2], [sflag:$0x2] =	stream.linear.gather [hbm4b:s17+s2], $0x80, $0x38;
	[tilespmem:$0x8080] =	vst v63  }
0x33: {  	_ =	swait.ge [sflag:s4], $0x80  }
0x34: {  	s18 =	sadd.s32 $0x20000, s23;
	[sflag:s4] =	ssyncset.done $0x0  }
0x35: {  	s18 =	sadd.s32 s25, s18;
	[sflag:s4] =	ssyncadd.s32 $0xFFFFFF80  }
0x36: {  	[tilespmem:s6], [sflag:$0x2] =	stream.linear.gather [hbm4b:s18+s2], $0x4000, $0x38;
	[tilespmem:$0x8080] =	vst v63  }
0x37: {  	_ =	swait.ge [sflag:s4], $0x4000  }
0x38: {  	s19 =	sadd.s32 $0x20000, s24;
	[sflag:s4] =	ssyncset.done $0x0  }
0x39: {  	s19 =	sadd.s32 s25, s19;
	[sflag:s4] =	ssyncadd.s32 $0xFFFFC000  }
0x3a: {  	[tilespmem:s8], [sflag:$0x2] =	stream.linear.gather [hbm4b:s19+s2], $0x4000, $0x38;
	[tilespmem:$0x8080] =	vst v63  }
0x3b: {  	_ =	swait.ge [sflag:s4], $0x4000  }
0x3c: {  	[sflag:s4] =	ssyncset.done $0x0  }
0x3d: {  	s20 =	sadd.s32 $0x21800, s26;
	[sflag:s4] =	ssyncadd.s32 $0xFFFFC000  }
0x3e: {  	[hbm4b:s20+s6] =	stream.indirect.scatter [tilespmem:s6], [sflag:$0x1], $0x80, s2, s6, $0xb8;
	[tilespmem:$0x8080] =	vst v63  }
0x3f: {  	s21 =	sadd.s32 $0x61800, s26  }
0x40: {  	[hbm4b:s21+s6] =	stream.indirect.scatter [tilespmem:s8], [sflag:$0x1], $0x80, s2, s6, $0xb8;
	[tilespmem:$0x8080] =	vst v63  }
0x41: {  	_ =	swait.ge [sflag:s10], $0x4000  }
0x42: {  	[sflag:s10] =	ssyncset.done $0x0  }
0x43: {  	[sflag:s10] =	ssyncadd.s32 $0xFFFFC000  }
0x44: {  	_ =	swait.ge [sflag:s10], $0x4000  }
0x45: {  	s29 =	sadd.s32 $0x1030, s26;
	[sflag:s10] =	ssyncset.done $0x0  }
0x46: {  	s22 =	sadd.s32 s22, s29;
	[sflag:s10] =	ssyncadd.s32 $0xFFFFC000  }
0x47: {  	[tilespmem:s2], [sflag:$0x2] =	stream.linear.gather [hbm4b:s22+s2], $0x80, $0x38;
	[tilespmem:$0x8080] =	vst v63  }
0x48: {  	_ =	swait.ge [sflag:s4], $0x80  }
0x49: {  	s23 =	sadd.s32 $0x30000, s23;
	[sflag:s4] =	ssyncset.done $0x0  }
0x4a: {  	s23 =	sadd.s32 s25, s23;
	[sflag:s4] =	ssyncadd.s32 $0xFFFFFF80  }
0x4b: {  	[tilespmem:s6], [sflag:$0x2] =	stream.linear.gather [hbm4b:s23+s2], $0x4000, $0x38;
	[tilespmem:$0x8080] =	vst v63  }
0x4c: {  	_ =	swait.ge [sflag:s4], $0x4000  }
0x4d: {  	s24 =	sadd.s32 $0x30000, s24;
	[sflag:s4] =	ssyncset.done $0x0  }
0x4e: {  	s28 =	ssub.s32 $0x2, s28;
	s24 =	sadd.s32 s25, s24;
	[sflag:s4] =	ssyncadd.s32 $0xFFFFC000  }
0x4f: {  	[tilespmem:s8], [sflag:$0x2] =	stream.linear.gather [hbm4b:s24+s2], $0x4000, $0x38;
	[tilespmem:$0x8080] =	vst v63  }
0x50: {  	s31 =	sshrl.u32 s28, $0x1;
	_ =	swait.ge [sflag:s4], $0x4000  }
0x51: {  	s28 =	ssub.s32 s28, s31;
	[sflag:s4] =	ssyncset.done $0x0  }
0x52: {  	s28 =	smax.u32 s28, $0x1;
	s25 =	sadd.s32 $0x31800, s26;
	[sflag:s4] =	ssyncadd.s32 $0xFFFFC000  }
0x53: {  	[hbm4b:s25+s6] =	stream.indirect.scatter [tilespmem:s6], [sflag:$0x1], $0x80, s2, s6, $0xb8;
	[tilespmem:$0x8080] =	vst v63  }
0x54: {  	s26 =	sadd.s32 $0x71800, s26;
	p0 =	sne.s32 s28, $0x1  }
0x55: {  	[hbm4b:s26+s6] =	stream.indirect.scatter [tilespmem:s8], [sflag:$0x1], $0x80, s2, s6, $0xb8;
	[tilespmem:$0x8080] =	vst v63  }
.Ltmp0:
0x56: {  	_ =	swait.ge [sflag:s10], $0x4000;
	(pc) =	sbr.rel @!p0 .LBB2_2-.Ltmp0, $4  }
0x57: {  	[sflag:s10] =	ssyncset.done $0x0  }
0x58: {  	[sflag:s10] =	ssyncadd.s32 $0xFFFFC000  }
0x59: {  	_ =	swait.ge [sflag:s10], $0x4000  }
0x5a: {  	s28 =	sadd.s32 $0xFFFFFFFF, s28;
	[sflag:s10] =	ssyncset.done $0x0  }
.LBB2_1:
0x5b: {  	p0 =	sne.s32 s28, $0x1;
	s28 =	sadd.s32 $0xFFFFFFFF, s28;
	[sflag:s10] =	ssyncadd.s32 $0xFFFFC000  }
0x5c: {  	[tilespmem:s2], [sflag:$0x2] =	stream.linear.gather [hbm4b:s3+s2], $0x80, $0x38;
	[tilespmem:$0x8080] =	vst v63  }
0x5d: {  	_ =	swait.ge [sflag:s4], $0x80  }
0x5e: {  	[sflag:s4] =	ssyncset.done $0x0  }
0x5f: {  	[sflag:s4] =	ssyncadd.s32 $0xFFFFFF80  }
0x60: {  	[tilespmem:s6], [sflag:$0x2] =	stream.linear.gather [hbm4b:s5+s2], $0x4000, $0x38;
	[tilespmem:$0x8080] =	vst v63  }
0x61: {  	_ =	swait.ge [sflag:s4], $0x4000  }
0x62: {  	[sflag:s4] =	ssyncset.done $0x0  }
0x63: {  	[sflag:s4] =	ssyncadd.s32 $0xFFFFC000  }
0x64: {  	[tilespmem:s8], [sflag:$0x2] =	stream.linear.gather [hbm4b:s7+s2], $0x4000, $0x38;
	[tilespmem:$0x8080] =	vst v63  }
0x65: {  	_ =	swait.ge [sflag:s4], $0x4000  }
0x66: {  	[sflag:s4] =	ssyncset.done $0x0  }
0x67: {  	[sflag:s4] =	ssyncadd.s32 $0xFFFFC000  }
0x68: {  	[hbm4b:s9+s6] =	stream.indirect.scatter [tilespmem:s6], [sflag:$0x1], $0x80, s2, s6, $0xb8;
	[tilespmem:$0x8080] =	vst v63  }
0x69: {  	_ = 	snop  }
0x6a: {  	[hbm4b:s11+s6] =	stream.indirect.scatter [tilespmem:s8], [sflag:$0x1], $0x80, s2, s6, $0xb8;
	[tilespmem:$0x8080] =	vst v63  }
0x6b: {  	_ =	swait.ge [sflag:s10], $0x4000  }
0x6c: {  	[sflag:s10] =	ssyncset.done $0x0  }
0x6d: {  	[sflag:s10] =	ssyncadd.s32 $0xFFFFC000  }
0x6e: {  	_ =	swait.ge [sflag:s10], $0x4000  }
0x6f: {  	[sflag:s10] =	ssyncset.done $0x0  }
0x70: {  	[sflag:s10] =	ssyncadd.s32 $0xFFFFC000  }
0x71: {  	[tilespmem:s2], [sflag:$0x2] =	stream.linear.gather [hbm4b:s12+s2], $0x80, $0x38;
	[tilespmem:$0x8080] =	vst v63  }
0x72: {  	_ =	swait.ge [sflag:s4], $0x80  }
0x73: {  	[sflag:s4] =	ssyncset.done $0x0  }
0x74: {  	[sflag:s4] =	ssyncadd.s32 $0xFFFFFF80  }
0x75: {  	[tilespmem:s6], [sflag:$0x2] =	stream.linear.gather [hbm4b:s13+s2], $0x4000, $0x38;
	[tilespmem:$0x8080] =	vst v63  }
0x76: {  	_ =	swait.ge [sflag:s4], $0x4000  }
0x77: {  	[sflag:s4] =	ssyncset.done $0x0  }
0x78: {  	[sflag:s4] =	ssyncadd.s32 $0xFFFFC000  }
0x79: {  	[tilespmem:s8], [sflag:$0x2] =	stream.linear.gather [hbm4b:s14+s2], $0x4000, $0x38;
	[tilespmem:$0x8080] =	vst v63  }
0x7a: {  	_ =	swait.ge [sflag:s4], $0x4000  }
0x7b: {  	[sflag:s4] =	ssyncset.done $0x0  }
0x7c: {  	[sflag:s4] =	ssyncadd.s32 $0xFFFFC000  }
0x7d: {  	[hbm4b:s15+s6] =	stream.indirect.scatter [tilespmem:s6], [sflag:$0x1], $0x80, s2, s6, $0xb8;
	[tilespmem:$0x8080] =	vst v63  }
0x7e: {  	_ = 	snop  }
0x7f: {  	[hbm4b:s16+s6] =	stream.indirect.scatter [tilespmem:s8], [sflag:$0x1], $0x80, s2, s6, $0xb8;
	[tilespmem:$0x8080] =	vst v63  }
0x80: {  	_ =	swait.ge [sflag:s10], $0x4000  }
0x81: {  	[sflag:s10] =	ssyncset.done $0x0  }
0x82: {  	[sflag:s10] =	ssyncadd.s32 $0xFFFFC000  }
0x83: {  	_ =	swait.ge [sflag:s10], $0x4000  }
0x84: {  	[sflag:s10] =	ssyncset.done $0x0  }
0x85: {  	[sflag:s10] =	ssyncadd.s32 $0xFFFFC000  }
0x86: {  	[tilespmem:s2], [sflag:$0x2] =	stream.linear.gather [hbm4b:s17+s2], $0x80, $0x38;
	[tilespmem:$0x8080] =	vst v63  }
0x87: {  	_ =	swait.ge [sflag:s4], $0x80  }
0x88: {  	[sflag:s4] =	ssyncset.done $0x0  }
0x89: {  	[sflag:s4] =	ssyncadd.s32 $0xFFFFFF80  }
0x8a: {  	[tilespmem:s6], [sflag:$0x2] =	stream.linear.gather [hbm4b:s18+s2], $0x4000, $0x38;
	[tilespmem:$0x8080] =	vst v63  }
0x8b: {  	_ =	swait.ge [sflag:s4], $0x4000  }
0x8c: {  	[sflag:s4] =	ssyncset.done $0x0  }
0x8d: {  	[sflag:s4] =	ssyncadd.s32 $0xFFFFC000  }
0x8e: {  	[tilespmem:s8], [sflag:$0x2] =	stream.linear.gather [hbm4b:s19+s2], $0x4000, $0x38;
	[tilespmem:$0x8080] =	vst v63  }
0x8f: {  	_ =	swait.ge [sflag:s4], $0x4000  }
0x90: {  	[sflag:s4] =	ssyncset.done $0x0  }
0x91: {  	[sflag:s4] =	ssyncadd.s32 $0xFFFFC000  }
0x92: {  	[hbm4b:s20+s6] =	stream.indirect.scatter [tilespmem:s6], [sflag:$0x1], $0x80, s2, s6, $0xb8;
	[tilespmem:$0x8080] =	vst v63  }
0x93: {  	_ = 	snop  }
0x94: {  	[hbm4b:s21+s6] =	stream.indirect.scatter [tilespmem:s8], [sflag:$0x1], $0x80, s2, s6, $0xb8;
	[tilespmem:$0x8080] =	vst v63  }
0x95: {  	_ =	swait.ge [sflag:s10], $0x4000  }
0x96: {  	[sflag:s10] =	ssyncset.done $0x0  }
0x97: {  	[sflag:s10] =	ssyncadd.s32 $0xFFFFC000  }
0x98: {  	_ =	swait.ge [sflag:s10], $0x4000  }
0x99: {  	[sflag:s10] =	ssyncset.done $0x0  }
0x9a: {  	[sflag:s10] =	ssyncadd.s32 $0xFFFFC000  }
0x9b: {  	[tilespmem:s2], [sflag:$0x2] =	stream.linear.gather [hbm4b:s22+s2], $0x80, $0x38;
	[tilespmem:$0x8080] =	vst v63  }
0x9c: {  	_ =	swait.ge [sflag:s4], $0x80  }
0x9d: {  	[sflag:s4] =	ssyncset.done $0x0  }
0x9e: {  	[sflag:s4] =	ssyncadd.s32 $0xFFFFFF80  }
0x9f: {  	[tilespmem:s6], [sflag:$0x2] =	stream.linear.gather [hbm4b:s23+s2], $0x4000, $0x38;
	[tilespmem:$0x8080] =	vst v63  }
0xa0: {  	_ =	swait.ge [sflag:s4], $0x4000  }
0xa1: {  	[sflag:s4] =	ssyncset.done $0x0  }
0xa2: {  	[sflag:s4] =	ssyncadd.s32 $0xFFFFC000  }
0xa3: {  	[tilespmem:s8], [sflag:$0x2] =	stream.linear.gather [hbm4b:s24+s2], $0x4000, $0x38;
	[tilespmem:$0x8080] =	vst v63  }
0xa4: {  	_ =	swait.ge [sflag:s4], $0x4000  }
0xa5: {  	[sflag:s4] =	ssyncset.done $0x0  }
0xa6: {  	[sflag:s4] =	ssyncadd.s32 $0xFFFFC000  }
0xa7: {  	[hbm4b:s25+s6] =	stream.indirect.scatter [tilespmem:s6], [sflag:$0x1], $0x80, s2, s6, $0xb8;
	[tilespmem:$0x8080] =	vst v63  }
0xa8: {  	_ = 	snop  }
0xa9: {  	[hbm4b:s26+s6] =	stream.indirect.scatter [tilespmem:s8], [sflag:$0x1], $0x80, s2, s6, $0xb8;
	[tilespmem:$0x8080] =	vst v63  }
.Ltmp1:
0xaa: {  	_ =	swait.ge [sflag:s10], $0x4000;
	(pc) =	sbr.rel @p0 .LBB2_1-.Ltmp1, $4  }
0xab: {  	[sflag:s10] =	ssyncset.done $0x0  }
0xac: {  	[sflag:s10] =	ssyncadd.s32 $0xFFFFC000  }
0xad: {  	_ =	swait.ge [sflag:s10], $0x4000  }
0xae: {  	[sflag:s10] =	ssyncset.done $0x0  }
.LBB2_2:
0xaf: {  	[sflag:s10] =	ssyncadd.s32 $0xFFFFC000  }
0xb0: {  	_ =	sfence.sel $0x180000  }
0xb1: {  	[bflag:$0x0] =	sbarrier.arrive $0xFFFF  }
0xb2: {  	p0 =	sne.s32 s0, $0x0;
	_ =	strace $0x90000047  }
0xb3: {  	s0 =	sadd.s32 @!p0 $0x100000, s1;
	[bflag:$0x2] =	sbarrier.arrive $0xFFFF  }
0xb4: {  	[sflag:s0] =	ssyncadd.tile.s32 @!p0 $0x1;
	_ =	shalt  }
.Lfunc_end2:
_tile_overlayer_lowered:
.L_overlay_start_2:
0xb5: {  	(tag) =	ssettag $0x2  }
0xb6: {  	s0 =	rddreg [dreg:$0x0];
	s2 =	stileid.u32  }
0xb7: {  	s1 =	rddreg [dreg:$0x1];
	p0 =	sne.s32 s2, $0x0  }
0xb8: {  	s3 =	rddreg [dreg:$0x2];
	[bflag:$0x3] =	sbarrier.arrive $0xFFFF;
	s2 =	simm.s32 @!p0 $0x1C02  }
0xb9: {  	[timem:s3], [sflag:s2] =	dma.local @!p0 [hbm:s0], s1  }
0xba: {  	s0 =	simm.s32 @!p0 $0x2  }
0xbb: {  	_ =	swait.ge @!p0 [sflag:s0], s1  }
0xbc: {  	s1 =	ssub.s32 @!p0 $0x0, s1;
	[sflag:s0] =	ssyncset.done @!p0 $0x0  }
0xbd: {  	[sflag:s0] =	ssyncadd.s32 @!p0 s1  }
0xbe: {  	[bflag:$0x3] =	sbarrier.arrive $0xFFFF  }
0xbf: {  	_ =	shalt  }

// kernel: kernel.9.cloned.1.call-start
scs
__scs_entry_jumppad:
0x0: {  	(pc) =	sbr.rel $0x88, $3  }
0x1: {  	(tag) =	ssettag $0x0;
	lr =	simm.s32 $0x1  }
0x2: {  	[smem:$0x3F9D] =	sst lr;
	_ =	strace $0xD0000000  }
0x3: {  	_ = 	snop  }
0x4: {  	_ = 	snop  }
0x5: {  	_ = 	snop  }
0x6: {  	_ = 	snop  }
0x7: {  	_ = 	snop  }
__scs_overlays_trampoline_lowered:
0x8: {  	[smem:$0x3FAC] =	sst s0  }
0x9: {  	[smem:$0x3FAD] =	sst s1  }
0xa: {  	[smem:$0x3FAE] =	sst s2  }
0xb: {  	[smem:$0x3FAF] =	sst s3  }
0xc: {  	[smem:$0x3FB0] =	sst s4  }
0xd: {  	[smem:$0x3FB1] =	sst s5  }
0xe: {  	[smem:$0x3FB2] =	sst s6  }
0xf: {  	[smem:$0x3FB3] =	sst s7  }
0x10: {  	[smem:$0x3FB4] =	sst s8  }
0x11: {  	[smem:$0x3FB5] =	sst s9;
	s0 =	simm.s32 @!p0 $0x0  }
0x12: {  	s1 =	sld [smem:$0x3F9B];
	s0 =	simm.s32 @p0 $0x1  }
0x13: {  	[smem:$0x3FB6] =	sst s0;
	s0 =	simm.s32 @!p1 $0x0  }
0x14: {  	s2 =	sld [smem:$0x3F9A];
	s0 =	simm.s32 @p1 $0x1  }
0x15: {  	[smem:$0x3FB7] =	sst s0;
	s0 =	simm.s32 @!p2 $0x0  }
0x16: {  	s3 =	sld [smem:$0x3FDB];
	s0 =	simm.s32 @p2 $0x1  }
0x17: {  	s4 =	simm.s32 $0x1BF5;
	[smem:$0x3FB9] =	sst s0  }
0x18: {  	s0 =	sld [smem:$0x3F9C];
	_ =	swait.ge [sflag:s4], $0x0  }
0x19: {  	s7 =	sld [smem:$0x3F9D]  }
0x1a: {  	s8 =	sadd.s32 $0xFFFFE003, lr  }
0x1b: {  	s9 =	sadd.s32 $0xFFFFFEF7, lr;
	s5 =	simm.s32 $0xFFFFFFFF;
	p2 =	slt.u32 s8, $0xFFFFF086  }
0x1c: {  	p1 =	slt.u32 s9, $0xF7A;
	s5 =	simm.s32 @!p2 $0x0  }
0x1d: {  	s5 =	simm.s32 @p1 $0x1;
	p0 =	seq.s32 s7, s2  }
0x1e: {  	s7 =	smul.u32 @!p0 $0xF7A, s2;
	p2 =	seq.s32 @!p0 s5, $0x0  }
0x1f: {  	s9 =	smul.u32 $0xF7A, s1;
	s8 =	simm.s32 @!p0 $0x1BF5;
	p2 =	por !p2, p0  }
0x20: {  	[sflag:s8] =	ssyncset.s32 @!p0 $0xFFFFF086;
	s6 =	sadd.s32 @!p0 s3, s7;
	s7 =	simm.s32 @!p0 $0x108  }
0x21: {  	s3 =	sadd.s32 s3, s9;
	s6 =	sadd.s32 @!p0 $0x88, s6;
	s7 =	simm.s32 @p2 $0x1082  }
0x22: {  	[simem:s7], [sflag:s8] =	dma.local @!p0 [hbm:s6], $0xF7A  }
0x23: {  	s9 =	sor.u32 $0xD0000000, s2;
	s6 =	simm.s32 $0x108;
	_ =	swait.ge @!p0 [sflag:s8], $0x0  }
0x24: {  	s3 =	sadd.s32 $0x88, s3;
	s6 =	simm.s32 @!p1 $0x1082;
	[sflag:s4] =	ssyncset.s32 $0xFFFFF086  }
0x25: {  	[simem:s6], [sflag:s4] =	dma.local [hbm:s3], $0xF7A  }
0x26: {  	[smem:$0x3F9D] =	sst s1;
	(tag) =	ssettag s2;
	_ =	strace s9  }
0x27: {  	s1 =	sld [smem:$0x3FAD]  }
0x28: {  	s2 =	sld [smem:$0x3FAE]  }
0x29: {  	s4 =	sld [smem:$0x3FB0]  }
0x2a: {  	p0 =	seq.s32 s5, $0x0;
	s5 =	sld [smem:$0x3FB1]  }
0x2b: {  	s6 =	sld [smem:$0x3FB2]  }
0x2c: {  	s7 =	sld [smem:$0x3FB3]  }
0x2d: {  	s3 =	simm.s32 $0x108;
	s8 =	sld [smem:$0x3FB4]  }
0x2e: {  	s3 =	simm.s32 @!p0 $0x1082;
	s9 =	sld [smem:$0x3FB5]  }
0x2f: {  	lr =	sadd.s32 s0, s3;
	s0 =	sld [smem:$0x3FAC]  }
0x30: {  	s3 =	sld [smem:$0x3FAF]  }
0x31: {  	[smem:$0x3FB8] =	sst s10  }
0x32: {  	s10 =	sld [smem:$0x3FB6];
	_ =	sdelay $0x3  }
0x33: {  	p0 =	seq.s32 s10, $0x1;
	s10 =	sld [smem:$0x3FB8];
	_ =	sdelay $0x3  }
0x34: {  	[smem:$0x3FB8] =	sst s10  }
0x35: {  	s10 =	sld [smem:$0x3FB7];
	_ =	sdelay $0x3  }
0x36: {  	p1 =	seq.s32 s10, $0x1;
	s10 =	sld [smem:$0x3FB8];
	_ =	sdelay $0x3  }
0x37: {  	[smem:$0x3FB8] =	sst s10  }
0x38: {  	s10 =	sld [smem:$0x3FB9]  }
0x39: {  	_ = 	snop;
	(pc) =	sbr.ind lr, $3  }
0x3a: {  	_ = 	snop  }
0x3b: {  	_ = 	snop  }
0x3c: {  	p2 =	seq.s32 s10, $0x1;
	s10 =	sld [smem:$0x3FB8]  }
0x3d: {  	_ =	shalt  }
0x3e: {  	_ =	shalt  }
0x3f: {  	_ =	shalt  }
0x40: {  	_ =	shalt  }
0x41: {  	_ =	shalt  }
0x42: {  	_ =	shalt  }
0x43: {  	_ =	shalt  }
0x44: {  	_ =	shalt  }
0x45: {  	_ =	shalt  }
0x46: {  	_ =	shalt  }
0x47: {  	_ =	shalt  }
0x48: {  	_ =	shalt  }
0x49: {  	_ =	shalt  }
0x4a: {  	_ =	shalt  }
0x4b: {  	_ =	shalt  }
0x4c: {  	_ =	shalt  }
0x4d: {  	_ =	shalt  }
0x4e: {  	_ =	shalt  }
0x4f: {  	_ =	shalt  }
0x50: {  	_ =	shalt  }
0x51: {  	_ =	shalt  }
0x52: {  	_ =	shalt  }
0x53: {  	_ =	shalt  }
0x54: {  	_ =	shalt  }
0x55: {  	_ =	shalt  }
0x56: {  	_ =	shalt  }
0x57: {  	_ =	shalt  }
0x58: {  	_ =	shalt  }
0x59: {  	_ =	shalt  }
0x5a: {  	_ =	shalt  }
0x5b: {  	_ =	shalt  }
0x5c: {  	_ =	shalt  }
0x5d: {  	_ =	shalt  }
0x5e: {  	_ =	shalt  }
0x5f: {  	_ =	shalt  }
0x60: {  	_ =	shalt  }
0x61: {  	_ =	shalt  }
0x62: {  	_ =	shalt  }
0x63: {  	_ =	shalt  }
0x64: {  	_ =	shalt  }
0x65: {  	_ =	shalt  }
0x66: {  	_ =	shalt  }
0x67: {  	_ =	shalt  }
0x68: {  	_ =	shalt  }
0x69: {  	_ =	shalt  }
0x6a: {  	_ =	shalt  }
0x6b: {  	_ =	shalt  }
0x6c: {  	_ =	shalt  }
0x6d: {  	_ =	shalt  }
0x6e: {  	_ =	shalt  }
0x6f: {  	_ =	shalt  }
0x70: {  	_ =	shalt  }
0x71: {  	_ =	shalt  }
0x72: {  	_ =	shalt  }
0x73: {  	_ =	shalt  }
0x74: {  	_ =	shalt  }
0x75: {  	_ =	shalt  }
0x76: {  	_ =	shalt  }
0x77: {  	_ =	shalt  }
0x78: {  	_ =	shalt  }
0x79: {  	_ =	shalt  }
0x7a: {  	_ =	shalt  }
0x7b: {  	_ =	shalt  }
0x7c: {  	_ =	shalt  }
0x7d: {  	_ =	shalt  }
0x7e: {  	_ =	shalt  }
0x7f: {  	_ =	shalt  }
0x80: {  	_ =	shalt  }
0x81: {  	_ =	shalt  }
0x82: {  	_ =	shalt  }
0x83: {  	_ =	shalt  }
0x84: {  	_ =	shalt  }
0x85: {  	_ =	shalt  }
0x86: {  	_ =	shalt  }
0x87: {  	_ =	shalt  }
.Lfunc_end0:
.L_simem_size_0:
called_computation.1_lowered:
.L_overlay_start_0:
0x88: {  	s2 =	sld [smem:$0x3FD9]  }
0x89: {  	s3 =	sld [smem:$0x3FFE];
	_ =	sdelay $0x1  }
0x8a: {  	s1 =	srdreg.scid  }
0x8b: {  	s0 =	sand.u32 $0x1, s1  }
0x8c: {  	s15 =	sshll.u32 s0, $0xA;
	s2 =	sadd.s32 s3, s2  }
0x8d: {  	s2 =	sadd.s32 s2, s15  }
0x8e: {  	[smem:$0x3FC4] =	sst s2  }
0x8f: {  	_ = 	snop  }
0x90: {  	s16 =	sld [smem:$0x3FD0];
	_ =	sdelay $0x2  }
0x91: {  	s4 =	simm.s32 $0xB;
	s5 =	simm.s32 $0x10;
	s2 =	sld [smem:$0x3FC8]  }
0x92: {  	[smem:s5], [sflag:s4] =	dma.local [hbm:s16], $0x1  }
0x93: {  	_ =	swait.eq [sflag:s4], $0x1  }
0x94: {  	[sflag:s4] =	ssyncset.done $0x0  }
0x95: {  	[sflag:s4] =	ssyncadd.s32 $0xFFFFFFFF  }
0x96: {  	s17 =	sld [smem:$0x11];
	(tm) =	ssettm $0x1  }
0x97: {  	s18 =	sld [smem:$0x3FFB];
	_ =	sdelay $0x3  }
0x98: {  	_ =	strace s18  }
0x99: {  	s3 =	sld [smem:$0x3FFC];
	_ =	sdelay $0x3  }
0x9a: {  	_ =	strace s3  }
0x9b: {  	s3 =	sld [smem:$0x3FFD];
	_ =	sdelay $0x3  }
0x9c: {  	_ =	strace s3  }
0x9d: {  	_ =	strace $0x8FFFFFFF  }
0x9e: {  	s19 =	sld [smem:$0x3FDB];
	_ =	sdelay $0x1  }
0x9f: {  	s20 =	simm.s32 $_scs_section_size  }
0xa0: {  	s6 =	simm.s32 $_size__tile_overlayer_lowered;
	s7 =	simm.s32 $_tile_overlayer_lowered  }
0xa1: {  	s8 =	simm.s32 $0x1BFF;
	s21 =	sshll.u32 s7, $0x1;
	s5 =	sadd.s32 s20, s19  }
0xa2: {  	s22 =	simm.s32 $0x0;
	s6 =	sshll.u32 s6, $0x1;
	s7 =	sadd.s32 s21, s5  }
0xa3: {  	[timem:s22], [sflag:s8] =	dma.local [hbm:s7], s6  }
0xa4: {  	_ =	swait.ge [sflag:s8], s6  }
0xa5: {  	s6 =	ssub.s32 $0x0, s6;
	[sflag:s8] =	ssyncset.done $0x0  }
0xa6: {  	[sflag:s8] =	ssyncadd.s32 s6;
	_ =	sdelay $0x1  }
0xa7: {  	s23 =	simm.s32 $0x1B8B  }
0xa8: {  	_ =	swait.ge [sflag:s23], $0x1  }
0xa9: {  	[sflag:s23] =	ssyncset.done $0x0  }
0xaa: {  	[sflag:s23] =	ssyncadd.s32 $0xFFFFFFFF  }
0xab: {  	s6 =	sld [smem:$0x0]  }
0xac: {  	s7 =	sand.u32 $0xFFFFFFFE, s1  }
0xad: {  	p0 =	sne.s32 s1, s7  }
0xae: {  	s7 =	sshll.u32 @p0 s7, $0xE  }
0xaf: {  	s7 =	sadd.s32 @p0 $0x11B8D, s7;
	s8 =	sshll.u32 @p0 s6, $0x11  }
0xb0: {  	s7 =	sor.u32 @p0 s8, s7  }
0xb1: {  	[sflag:s7] =	ssyncadd.remote.s32 @p0 $0x1;
	_ =	sdelay $0x1  }
0xb2: {  	s7 =	simm.s32 @p0 $0x1B8D  }
0xb3: {  	_ =	swait.eq @p0 [sflag:s7], $0x1  }
0xb4: {  	[sflag:s7] =	ssyncadd.s32 @p0 $0xFFFFFFFF  }
0xb5: {  	s8 =	sshll.u32 @!p0 s1, $0xE  }
0xb6: {  	s8 =	sor.u32 @!p0 $0x4000, s8;
	s7 =	simm.s32 @!p0 $0x1B8D  }
0xb7: {  	s6 =	sshll.u32 @!p0 s6, $0x11;
	s8 =	sadd.s32 @!p0 $0x11B8D, s8;
	_ =	swait.eq @!p0 [sflag:s7], $0x1  }
0xb8: {  	s6 =	sor.u32 @!p0 s6, s8;
	[sflag:s7] =	ssyncadd.s32 @!p0 $0xFFFFFFFF  }
0xb9: {  	s25 =	simm.s32 $0x1B8E;
	s24 =	sld [smem:$0x3FFE];
	[sflag:s6] =	ssyncadd.remote.s32 @!p0 $0x1  }
0xba: {  	s26 =	simm.s32 $execute0_lowered;
	[smem:$0x3FD2] =	sst s25  }
0xbb: {  	s7 =	sshll.u32 s26, $0x1;
	_ =	strace $0x80000049;
	[dreg:$0x1] =	wrdreg $0xFFFFFFFF  }
0xbc: {  	s28 =	simm.s32 $_size_execute0_lowered;
	s5 =	sadd.s32 s5, s7;
	[dreg:$0x0] =	wrdreg $0x0  }
0xbd: {  	s7 =	sshll.u32 s28, $0x1;
	[dreg:$0x2] =	wrdreg s5  }
0xbe: {  	[dreg:$0x3] =	wrdreg s7  }
0xbf: {  	[dreg:$0x4] =	wrdreg $0xC0  }
0xc0: {  	_ =	task [dreg:s22], $0x5FFFF  }
0xc1: {  	[dreg:$0x1] =	wrdreg $0xFFFFFFFF  }
0xc2: {  	[dreg:$0x0] =	wrdreg $0x60  }
0xc3: {  	[dreg:$0x2] =	wrdreg s24  }
0xc4: {  	[dreg:$0x3] =	wrdreg s2  }
0xc5: {  	[dreg:$0x4] =	wrdreg s17  }
0xc6: {  	[dreg:$0x5] =	wrdreg $0xA  }
0xc7: {  	_ =	task.clear_ibuf [dreg:s22], $0x6FFFF;
	_ =	strace $0x90000049  }
0xc8: {  	s29 =	simm.s32 $0xA;
	_ =	strace $0x8000004B  }
0xc9: {  	_ =	swait.ge [sflag:s29], $0x1  }
0xca: {  	[sflag:s29] =	ssyncadd.s32 $0xFFFFFFFF  }
0xcb: {  	_ =	strace $0x9000004B  }
0xcc: {  	_ =	sfence  }
0xcd: {  	s30 =	sld [smem:$0x0];
	_ =	sdelay $0x2  }
0xce: {  	s31 =	sshll.u32 s1, $0xD;
	s1 =	sshrl.u32 s1, $0x2  }
0xcf: {  	s4 =	sand.u32 $0x4000, s31;
	s1 =	sadd.s32 s1, s30  }
0xd0: {  	s0 =	sor.u32 s4, s0;
	s1 =	sshll.u32 s1, $0x11  }
0xd1: {  	s0 =	sor.u32 s1, s0  }
0xd2: {  	s0 =	sadd.s32 $0x8F2B, s0  }
0xd3: {  	[sflag:s0] =	ssyncadd.remote.s32 $0x1  }
0xd4: {  	_ =	sfence.sel $0xFFFF  }
0xd5: {  	[dreg:$0x0] =	wrdreg $0xFFFFFFFF;
	(pc) =	sbr.abs _section_cstart, $3  }
0xd6: {  	[dreg:$0x1] =	wrdreg $0xFFFFFFFF  }
0xd7: {  	_ =	task.clear_ibuf [dreg:s22], $0x2FFFF;
	_ =	strace $0x9FFFFFFF  }
0xd8: {  	(tm) =	ssettm $0x7FFFFFFF  }
0xd9: {  	_ =	shalt  }
tec
execute0_lowered:
.L_overlay_start_1:
0x0: {  	(tag) =	ssettag $0x1  }
0x1: {  	s1 =	rddreg [dreg:$0x0];
	s2 =	srdreg.scid  }
0x2: {  	s6 =	rddreg [dreg:$0x1];
	s0 =	stileid.u32;
	s3 =	simm.s32 $0x0  }
0x3: {  	s9 =	simm.s32 $0x80;
	s10 =	simm.s32 $0x880;
	s11 =	simm.s32 $0x1080  }
0x4: {  	s12 =	simm.s32 $0x1880;
	s13 =	simm.s32 $0x2080;
	s14 =	simm.s32 $0x2880  }
0x5: {  	s15 =	simm.s32 $0x3080;
	s16 =	simm.s32 $0x3880;
	s17 =	simm.s32 $0x4080  }
0x6: {  	s21 =	simm.s32 $0x4880;
	s28 =	simm.s32 $0x6080;
	s29 =	simm.s32 $0x6880  }
0x7: {  	s30 =	simm.s32 $0x7080;
	s4 =	sand.u32 $0x1, s2;
	s2 =	rddreg [dreg:$0x2]  }
0x8: {  	s31 =	simm.s32 $0x7880;
	s5 =	sshll.u32 s0, $0x8;
	[smem:$0x7FF] =	sst s3  }
0x9: {  	s18 =	sadd.s32 $0x1010, s1;
	s22 =	sadd.s32 $0x20000, s6;
	s19 =	sadd.s32 $0x1020, s1  }
0xa: {  	s23 =	sadd.s32 $0x40000, s6;
	s7 =	sshll.u32 s4, $0x7;
	s4 =	ssub.s32 $0x2, s4  }
0xb: {  	_ =	strace $0x8000004A;
	s5 =	sor.u32 s7, s5;
	s25 =	sshrl.u32 s4, $0x1  }
0xc: {  	s20 =	sshrl.u32 s5, $0x1;
	s8 =	ssub.s32 s4, s25;
	s4 =	sadd.s32 $0x20000, s2  }
0xd: {  	s25 =	sadd.s32 $0x60000, s6;
	s24 =	sadd.s32 s20, s1;
	s1 =	sadd.s32 $0x1030, s1  }
0xe: {  	s18 =	sadd.s32 s20, s18;
	s19 =	sadd.s32 s20, s19;
	s7 =	sadd.s32 $0x1000, s24  }
0xf: {  	s24 =	sshll.u32 s5, $0x5;
	s5 =	sadd.s32 $0x40000, s2;
	s20 =	sadd.s32 s20, s1  }
0x10: {  	s1 =	simm.s32 $0x1;
	[dreg:$0x4] =	wrdreg s7;
	s26 =	sadd.s32 s6, s24  }
0x11: {  	v2 =	vlaneseq.u32;
	s6 =	sadd.s32 $0x60000, s2;
	s7 =	smax.u32 s8, $0x1;
	s8 =	simm.s32 $0x2  }
0x12: {  	vm0 =	vmmov $0xffff;
	v1 =	vshrl.u32 v2, $0x3;
	s22 =	sadd.s32 s24, s22;
	s23 =	sadd.s32 s24, s23;
	s24 =	sadd.s32 s24, s25  }
0x13: {  	v0 =	vand.u32 $0x7, v2;
	v2 =	vor.u32 $0x8, v2;
	v1 =	vmul.u32 $0x8, v1;
	s25 =	simm.s32 $0x5080;
	[dreg:$0x5] =	wrdreg s26;
	s26 =	simm.s32 $0x5880  }
.LBB2_1:
0x14: {  	s0 =	rddreg [dreg:$0x4]  }
0x15: {  	[tilespmem:s3], [sflag:$0x2] =	stream.linear.gather [hbm4b:s0+s3], $0x80, $0x38;
	[tilespmem:$0x8080] =	vst v63  }
0x16: {  	_ =	swait.ge [sflag:s8], $0x80  }
0x17: {  	[sflag:s8] =	ssyncset.done $0x0  }
0x18: {  	s0 =	rddreg [dreg:$0x5];
	[sflag:s8] =	ssyncadd.s32 $0xFFFFFF80  }
0x19: {  	[tilespmem:s9], [sflag:$0x2] =	stream.linear.gather [hbm4b:s0+s3], $0x8000, $0x38;
	[tilespmem:$0x8080] =	vst v63  }
0x1a: {  	_ =	swait.ge [sflag:s8], $0x8000  }
0x1b: {  	[sflag:s8] =	ssyncset.done $0x0  }
0x1c: {  	[sflag:s8] =	ssyncadd.s32 $0xFFFF8000  }
0x1d: {  	v3 =	vld [tilespmem:$0x0];
	_ =	sdelay $0x4  }
0x1e: {  	v4 =	vshll.u32 v3, $0x1  }
0x1f: {  	v3 =	vand.u32 $0x7, v3;
	v4 =	vand.u32 $0xFFFFFFF0, v4  }
0x20: {  	v3 =	vor.u32 v3, v4  }
0x21: {  	v4 =	vperm.xlane v3, v0;
	_ =	sdelay $0x1  }
0x22: {  	v3 =	vperm.xlane v3, v2;
	v4 =	vadd.s32 v1, v4;
	_ =	sdelay $0x1  }
0x23: {  	v3 =	vadd.s32 v1, v3;
	_ =	sdelay $0x2  }
0x24: {  	[hbm4b:s2+s3] =	stream.indirect_vreg.scatter [tilespmem:s9], [sflag:$0x1], $0x80, v4, vm0, $0xb8;
	[tilespmem:$0x8080] =	vst v63  }
0x25: {  	_ = 	snop  }
0x26: {  	[hbm4b:s2+s3] =	stream.indirect_vreg.scatter [tilespmem:s10], [sflag:$0x1], $0x80, v3, vm0, $0xb8;
	[tilespmem:$0x8080] =	vst v63  }
0x27: {  	v3 =	vld [tilespmem:$0x10];
	_ =	sdelay $0x4  }
0x28: {  	v33 =	vshll.u32 v3, $0x1  }
0x29: {  	v3 =	vand.u32 $0x7, v3;
	v4 =	vand.u32 $0xFFFFFFF0, v33  }
0x2a: {  	v3 =	vor.u32 v3, v4  }
0x2b: {  	v4 =	vperm.xlane v3, v0;
	_ =	sdelay $0x1  }
0x2c: {  	v3 =	vperm.xlane v3, v2;
	v4 =	vadd.s32 v1, v4;
	_ =	sdelay $0x1  }
0x2d: {  	v3 =	vadd.s32 v1, v3;
	_ =	sdelay $0x2  }
0x2e: {  	[hbm4b:s2+s3] =	stream.indirect_vreg.scatter [tilespmem:s11], [sflag:$0x1], $0x80, v4, vm0, $0xb8;
	[tilespmem:$0x8080] =	vst v63  }
0x2f: {  	_ = 	snop  }
0x30: {  	[hbm4b:s2+s3] =	stream.indirect_vreg.scatter [tilespmem:s12], [sflag:$0x1], $0x80, v3, vm0, $0xb8;
	[tilespmem:$0x8080] =	vst v63  }
0x31: {  	v3 =	vld [tilespmem:$0x20];
	_ =	sdelay $0x4  }
0x32: {  	v34 =	vshll.u32 v3, $0x1  }
0x33: {  	v3 =	vand.u32 $0x7, v3;
	v4 =	vand.u32 $0xFFFFFFF0, v34  }
0x34: {  	v3 =	vor.u32 v3, v4  }
0x35: {  	v4 =	vperm.xlane v3, v0;
	_ =	sdelay $0x1  }
0x36: {  	v3 =	vperm.xlane v3, v2;
	v4 =	vadd.s32 v1, v4;
	_ =	sdelay $0x1  }
0x37: {  	v3 =	vadd.s32 v1, v3;
	_ =	sdelay $0x2  }
0x38: {  	[hbm4b:s2+s3] =	stream.indirect_vreg.scatter [tilespmem:s13], [sflag:$0x1], $0x80, v4, vm0, $0xb8;
	[tilespmem:$0x8080] =	vst v63  }
0x39: {  	_ = 	snop  }
0x3a: {  	[hbm4b:s2+s3] =	stream.indirect_vreg.scatter [tilespmem:s14], [sflag:$0x1], $0x80, v3, vm0, $0xb8;
	[tilespmem:$0x8080] =	vst v63  }
0x3b: {  	v3 =	vld [tilespmem:$0x30];
	_ =	sdelay $0x4  }
0x3c: {  	v35 =	vshll.u32 v3, $0x1  }
0x3d: {  	v3 =	vand.u32 $0x7, v3;
	v4 =	vand.u32 $0xFFFFFFF0, v35  }
0x3e: {  	v3 =	vor.u32 v3, v4  }
0x3f: {  	v4 =	vperm.xlane v3, v0;
	_ =	sdelay $0x1  }
0x40: {  	v3 =	vperm.xlane v3, v2;
	v4 =	vadd.s32 v1, v4;
	_ =	sdelay $0x1  }
0x41: {  	v3 =	vadd.s32 v1, v3;
	_ =	sdelay $0x2  }
0x42: {  	[hbm4b:s2+s3] =	stream.indirect_vreg.scatter [tilespmem:s15], [sflag:$0x1], $0x80, v4, vm0, $0xb8;
	[tilespmem:$0x8080] =	vst v63  }
0x43: {  	_ = 	snop  }
0x44: {  	[hbm4b:s2+s3] =	stream.indirect_vreg.scatter [tilespmem:s16], [sflag:$0x1], $0x80, v3, vm0, $0xb8;
	[tilespmem:$0x8080] =	vst v63  }
0x45: {  	v3 =	vld [tilespmem:$0x40];
	_ =	sdelay $0x4  }
0x46: {  	v36 =	vshll.u32 v3, $0x1  }
0x47: {  	v3 =	vand.u32 $0x7, v3;
	v4 =	vand.u32 $0xFFFFFFF0, v36  }
0x48: {  	v3 =	vor.u32 v3, v4  }
0x49: {  	v4 =	vperm.xlane v3, v0;
	_ =	sdelay $0x1  }
0x4a: {  	v3 =	vperm.xlane v3, v2;
	v4 =	vadd.s32 v1, v4;
	_ =	sdelay $0x1  }
0x4b: {  	v3 =	vadd.s32 v1, v3;
	_ =	sdelay $0x2  }
0x4c: {  	[hbm4b:s2+s3] =	stream.indirect_vreg.scatter [tilespmem:s17], [sflag:$0x1], $0x80, v4, vm0, $0xb8;
	[tilespmem:$0x8080] =	vst v63  }
0x4d: {  	_ = 	snop  }
0x4e: {  	[hbm4b:s2+s3] =	stream.indirect_vreg.scatter [tilespmem:s21], [sflag:$0x1], $0x80, v3, vm0, $0xb8;
	[tilespmem:$0x8080] =	vst v63  }
0x4f: {  	v3 =	vld [tilespmem:$0x50];
	_ =	sdelay $0x4  }
0x50: {  	v37 =	vshll.u32 v3, $0x1  }
0x51: {  	v3 =	vand.u32 $0x7, v3;
	v4 =	vand.u32 $0xFFFFFFF0, v37  }
0x52: {  	v3 =	vor.u32 v3, v4  }
0x53: {  	v4 =	vperm.xlane v3, v0;
	_ =	sdelay $0x1  }
0x54: {  	v3 =	vperm.xlane v3, v2;
	v4 =	vadd.s32 v1, v4;
	_ =	sdelay $0x1  }
0x55: {  	v3 =	vadd.s32 v1, v3;
	_ =	sdelay $0x2  }
0x56: {  	[hbm4b:s2+s3] =	stream.indirect_vreg.scatter [tilespmem:s25], [sflag:$0x1], $0x80, v4, vm0, $0xb8;
	[tilespmem:$0x8080] =	vst v63  }
0x57: {  	_ = 	snop  }
0x58: {  	[hbm4b:s2+s3] =	stream.indirect_vreg.scatter [tilespmem:s26], [sflag:$0x1], $0x80, v3, vm0, $0xb8;
	[tilespmem:$0x8080] =	vst v63  }
0x59: {  	v3 =	vld [tilespmem:$0x60];
	_ =	sdelay $0x4  }
0x5a: {  	v38 =	vshll.u32 v3, $0x1  }
0x5b: {  	v3 =	vand.u32 $0x7, v3;
	v4 =	vand.u32 $0xFFFFFFF0, v38  }
0x5c: {  	v3 =	vor.u32 v3, v4  }
0x5d: {  	v4 =	vperm.xlane v3, v0;
	_ =	sdelay $0x1  }
0x5e: {  	v3 =	vperm.xlane v3, v2;
	v4 =	vadd.s32 v1, v4;
	_ =	sdelay $0x1  }
0x5f: {  	v3 =	vadd.s32 v1, v3;
	_ =	sdelay $0x2  }
0x60: {  	[hbm4b:s2+s3] =	stream.indirect_vreg.scatter [tilespmem:s28], [sflag:$0x1], $0x80, v4, vm0, $0xb8;
	[tilespmem:$0x8080] =	vst v63  }
0x61: {  	_ = 	snop  }
0x62: {  	[hbm4b:s2+s3] =	stream.indirect_vreg.scatter [tilespmem:s29], [sflag:$0x1], $0x80, v3, vm0, $0xb8;
	[tilespmem:$0x8080] =	vst v63  }
0x63: {  	v3 =	vld [tilespmem:$0x70];
	_ =	sdelay $0x4  }
0x64: {  	v39 =	vshll.u32 v3, $0x1  }
0x65: {  	v3 =	vand.u32 $0x7, v3;
	v4 =	vand.u32 $0xFFFFFFF0, v39  }
0x66: {  	v3 =	vor.u32 v3, v4  }
0x67: {  	v4 =	vperm.xlane v3, v0;
	_ =	sdelay $0x1  }
0x68: {  	v3 =	vperm.xlane v3, v2;
	v4 =	vadd.s32 v1, v4;
	_ =	sdelay $0x1  }
0x69: {  	v3 =	vadd.s32 v1, v3;
	_ =	sdelay $0x2  }
0x6a: {  	[hbm4b:s2+s3] =	stream.indirect_vreg.scatter [tilespmem:s30], [sflag:$0x1], $0x80, v4, vm0, $0xb8;
	[tilespmem:$0x8080] =	vst v63  }
0x6b: {  	_ = 	snop  }
0x6c: {  	[hbm4b:s2+s3] =	stream.indirect_vreg.scatter [tilespmem:s31], [sflag:$0x1], $0x80, v3, vm0, $0xb8;
	[tilespmem:$0x8080] =	vst v63  }
0x6d: {  	_ =	swait.ge [sflag:s1], $0x8000  }
0x6e: {  	[sflag:s1] =	ssyncset.done $0x0  }
0x6f: {  	[sflag:s1] =	ssyncadd.s32 $0xFFFF8000  }
0x70: {  	[tilespmem:s3], [sflag:$0x2] =	stream.linear.gather [hbm4b:s18+s3], $0x80, $0x38;
	[tilespmem:$0x8080] =	vst v63  }
0x71: {  	_ =	swait.ge [sflag:s8], $0x80  }
0x72: {  	[sflag:s8] =	ssyncset.done $0x0  }
0x73: {  	[sflag:s8] =	ssyncadd.s32 $0xFFFFFF80  }
0x74: {  	[tilespmem:s9], [sflag:$0x2] =	stream.linear.gather [hbm4b:s22+s3], $0x8000, $0x38;
	[tilespmem:$0x8080] =	vst v63  }
0x75: {  	_ =	swait.ge [sflag:s8], $0x8000  }
0x76: {  	[sflag:s8] =	ssyncset.done $0x0  }
0x77: {  	[sflag:s8] =	ssyncadd.s32 $0xFFFF8000  }
0x78: {  	v3 =	vld [tilespmem:$0x0];
	_ =	sdelay $0x4  }
0x79: {  	v40 =	vshll.u32 v3, $0x1  }
0x7a: {  	v3 =	vand.u32 $0x7, v3;
	v4 =	vand.u32 $0xFFFFFFF0, v40  }
0x7b: {  	v3 =	vor.u32 v3, v4  }
0x7c: {  	v4 =	vperm.xlane v3, v0;
	_ =	sdelay $0x1  }
0x7d: {  	v3 =	vperm.xlane v3, v2;
	v4 =	vadd.s32 v1, v4;
	_ =	sdelay $0x1  }
0x7e: {  	v3 =	vadd.s32 v1, v3;
	_ =	sdelay $0x2  }
0x7f: {  	[hbm4b:s4+s3] =	stream.indirect_vreg.scatter [tilespmem:s9], [sflag:$0x1], $0x80, v4, vm0, $0xb8;
	[tilespmem:$0x8080] =	vst v63  }
0x80: {  	_ = 	snop  }
0x81: {  	[hbm4b:s4+s3] =	stream.indirect_vreg.scatter [tilespmem:s10], [sflag:$0x1], $0x80, v3, vm0, $0xb8;
	[tilespmem:$0x8080] =	vst v63  }
0x82: {  	v3 =	vld [tilespmem:$0x10];
	_ =	sdelay $0x4  }
0x83: {  	v41 =	vshll.u32 v3, $0x1  }
0x84: {  	v3 =	vand.u32 $0x7, v3;
	v4 =	vand.u32 $0xFFFFFFF0, v41  }
0x85: {  	v3 =	vor.u32 v3, v4  }
0x86: {  	v4 =	vperm.xlane v3, v0;
	_ =	sdelay $0x1  }
0x87: {  	v3 =	vperm.xlane v3, v2;
	v4 =	vadd.s32 v1, v4;
	_ =	sdelay $0x1  }
0x88: {  	v3 =	vadd.s32 v1, v3;
	_ =	sdelay $0x2  }
0x89: {  	[hbm4b:s4+s3] =	stream.indirect_vreg.scatter [tilespmem:s11], [sflag:$0x1], $0x80, v4, vm0, $0xb8;
	[tilespmem:$0x8080] =	vst v63  }
0x8a: {  	_ = 	snop  }
0x8b: {  	[hbm4b:s4+s3] =	stream.indirect_vreg.scatter [tilespmem:s12], [sflag:$0x1], $0x80, v3, vm0, $0xb8;
	[tilespmem:$0x8080] =	vst v63  }
0x8c: {  	v3 =	vld [tilespmem:$0x20];
	_ =	sdelay $0x4  }
0x8d: {  	v42 =	vshll.u32 v3, $0x1  }
0x8e: {  	v3 =	vand.u32 $0x7, v3;
	v4 =	vand.u32 $0xFFFFFFF0, v42  }
0x8f: {  	v3 =	vor.u32 v3, v4  }
0x90: {  	v4 =	vperm.xlane v3, v0;
	_ =	sdelay $0x1  }
0x91: {  	v3 =	vperm.xlane v3, v2;
	v4 =	vadd.s32 v1, v4;
	_ =	sdelay $0x1  }
0x92: {  	v3 =	vadd.s32 v1, v3;
	_ =	sdelay $0x2  }
0x93: {  	[hbm4b:s4+s3] =	stream.indirect_vreg.scatter [tilespmem:s13], [sflag:$0x1], $0x80, v4, vm0, $0xb8;
	[tilespmem:$0x8080] =	vst v63  }
0x94: {  	_ = 	snop  }
0x95: {  	[hbm4b:s4+s3] =	stream.indirect_vreg.scatter [tilespmem:s14], [sflag:$0x1], $0x80, v3, vm0, $0xb8;
	[tilespmem:$0x8080] =	vst v63  }
0x96: {  	v3 =	vld [tilespmem:$0x30];
	_ =	sdelay $0x4  }
0x97: {  	v43 =	vshll.u32 v3, $0x1  }
0x98: {  	v3 =	vand.u32 $0x7, v3;
	v4 =	vand.u32 $0xFFFFFFF0, v43  }
0x99: {  	v3 =	vor.u32 v3, v4  }
0x9a: {  	v4 =	vperm.xlane v3, v0;
	_ =	sdelay $0x1  }
0x9b: {  	v3 =	vperm.xlane v3, v2;
	v4 =	vadd.s32 v1, v4;
	_ =	sdelay $0x1  }
0x9c: {  	v3 =	vadd.s32 v1, v3;
	_ =	sdelay $0x2  }
0x9d: {  	[hbm4b:s4+s3] =	stream.indirect_vreg.scatter [tilespmem:s15], [sflag:$0x1], $0x80, v4, vm0, $0xb8;
	[tilespmem:$0x8080] =	vst v63  }
0x9e: {  	_ = 	snop  }
0x9f: {  	[hbm4b:s4+s3] =	stream.indirect_vreg.scatter [tilespmem:s16], [sflag:$0x1], $0x80, v3, vm0, $0xb8;
	[tilespmem:$0x8080] =	vst v63  }
0xa0: {  	v3 =	vld [tilespmem:$0x40];
	_ =	sdelay $0x4  }
0xa1: {  	v44 =	vshll.u32 v3, $0x1  }
0xa2: {  	v3 =	vand.u32 $0x7, v3;
	v4 =	vand.u32 $0xFFFFFFF0, v44  }
0xa3: {  	v3 =	vor.u32 v3, v4  }
0xa4: {  	v4 =	vperm.xlane v3, v0;
	_ =	sdelay $0x1  }
0xa5: {  	v3 =	vperm.xlane v3, v2;
	v4 =	vadd.s32 v1, v4;
	_ =	sdelay $0x1  }
0xa6: {  	v3 =	vadd.s32 v1, v3;
	_ =	sdelay $0x2  }
0xa7: {  	[hbm4b:s4+s3] =	stream.indirect_vreg.scatter [tilespmem:s17], [sflag:$0x1], $0x80, v4, vm0, $0xb8;
	[tilespmem:$0x8080] =	vst v63  }
0xa8: {  	_ = 	snop  }
0xa9: {  	[hbm4b:s4+s3] =	stream.indirect_vreg.scatter [tilespmem:s21], [sflag:$0x1], $0x80, v3, vm0, $0xb8;
	[tilespmem:$0x8080] =	vst v63  }
0xaa: {  	v3 =	vld [tilespmem:$0x50];
	_ =	sdelay $0x4  }
0xab: {  	v45 =	vshll.u32 v3, $0x1  }
0xac: {  	v3 =	vand.u32 $0x7, v3;
	v4 =	vand.u32 $0xFFFFFFF0, v45  }
0xad: {  	v3 =	vor.u32 v3, v4  }
0xae: {  	v4 =	vperm.xlane v3, v0;
	_ =	sdelay $0x1  }
0xaf: {  	v3 =	vperm.xlane v3, v2;
	v4 =	vadd.s32 v1, v4;
	_ =	sdelay $0x1  }
0xb0: {  	v3 =	vadd.s32 v1, v3;
	_ =	sdelay $0x2  }
0xb1: {  	[hbm4b:s4+s3] =	stream.indirect_vreg.scatter [tilespmem:s25], [sflag:$0x1], $0x80, v4, vm0, $0xb8;
	[tilespmem:$0x8080] =	vst v63  }
0xb2: {  	_ = 	snop  }
0xb3: {  	[hbm4b:s4+s3] =	stream.indirect_vreg.scatter [tilespmem:s26], [sflag:$0x1], $0x80, v3, vm0, $0xb8;
	[tilespmem:$0x8080] =	vst v63  }
0xb4: {  	v3 =	vld [tilespmem:$0x60];
	_ =	sdelay $0x4  }
0xb5: {  	v46 =	vshll.u32 v3, $0x1  }
0xb6: {  	v3 =	vand.u32 $0x7, v3;
	v4 =	vand.u32 $0xFFFFFFF0, v46  }
0xb7: {  	v3 =	vor.u32 v3, v4  }
0xb8: {  	v4 =	vperm.xlane v3, v0;
	_ =	sdelay $0x1  }
0xb9: {  	v3 =	vperm.xlane v3, v2;
	v4 =	vadd.s32 v1, v4;
	_ =	sdelay $0x1  }
0xba: {  	v3 =	vadd.s32 v1, v3;
	_ =	sdelay $0x2  }
0xbb: {  	[hbm4b:s4+s3] =	stream.indirect_vreg.scatter [tilespmem:s28], [sflag:$0x1], $0x80, v4, vm0, $0xb8;
	[tilespmem:$0x8080] =	vst v63  }
0xbc: {  	_ = 	snop  }
0xbd: {  	[hbm4b:s4+s3] =	stream.indirect_vreg.scatter [tilespmem:s29], [sflag:$0x1], $0x80, v3, vm0, $0xb8;
	[tilespmem:$0x8080] =	vst v63  }
0xbe: {  	v3 =	vld [tilespmem:$0x70];
	_ =	sdelay $0x4  }
0xbf: {  	v47 =	vshll.u32 v3, $0x1  }
0xc0: {  	v3 =	vand.u32 $0x7, v3;
	v4 =	vand.u32 $0xFFFFFFF0, v47  }
0xc1: {  	v3 =	vor.u32 v3, v4  }
0xc2: {  	v4 =	vperm.xlane v3, v0;
	_ =	sdelay $0x1  }
0xc3: {  	v3 =	vperm.xlane v3, v2;
	v4 =	vadd.s32 v1, v4;
	_ =	sdelay $0x1  }
0xc4: {  	v3 =	vadd.s32 v1, v3;
	_ =	sdelay $0x2  }
0xc5: {  	[hbm4b:s4+s3] =	stream.indirect_vreg.scatter [tilespmem:s30], [sflag:$0x1], $0x80, v4, vm0, $0xb8;
	[tilespmem:$0x8080] =	vst v63  }
0xc6: {  	_ = 	snop  }
0xc7: {  	[hbm4b:s4+s3] =	stream.indirect_vreg.scatter [tilespmem:s31], [sflag:$0x1], $0x80, v3, vm0, $0xb8;
	[tilespmem:$0x8080] =	vst v63  }
0xc8: {  	_ =	swait.ge [sflag:s1], $0x8000  }
0xc9: {  	[sflag:s1] =	ssyncset.done $0x0  }
0xca: {  	[sflag:s1] =	ssyncadd.s32 $0xFFFF8000  }
0xcb: {  	[tilespmem:s3], [sflag:$0x2] =	stream.linear.gather [hbm4b:s19+s3], $0x80, $0x38;
	[tilespmem:$0x8080] =	vst v63  }
0xcc: {  	_ =	swait.ge [sflag:s8], $0x80  }
0xcd: {  	[sflag:s8] =	ssyncset.done $0x0  }
0xce: {  	[sflag:s8] =	ssyncadd.s32 $0xFFFFFF80  }
0xcf: {  	[tilespmem:s9], [sflag:$0x2] =	stream.linear.gather [hbm4b:s23+s3], $0x8000, $0x38;
	[tilespmem:$0x8080] =	vst v63  }
0xd0: {  	_ =	swait.ge [sflag:s8], $0x8000  }
0xd1: {  	[sflag:s8] =	ssyncset.done $0x0  }
0xd2: {  	[sflag:s8] =	ssyncadd.s32 $0xFFFF8000  }
0xd3: {  	v3 =	vld [tilespmem:$0x0];
	_ =	sdelay $0x4  }
0xd4: {  	v48 =	vshll.u32 v3, $0x1  }
0xd5: {  	v3 =	vand.u32 $0x7, v3;
	v4 =	vand.u32 $0xFFFFFFF0, v48  }
0xd6: {  	v3 =	vor.u32 v3, v4  }
0xd7: {  	v4 =	vperm.xlane v3, v0;
	_ =	sdelay $0x1  }
0xd8: {  	v3 =	vperm.xlane v3, v2;
	v4 =	vadd.s32 v1, v4;
	_ =	sdelay $0x1  }
0xd9: {  	v3 =	vadd.s32 v1, v3;
	_ =	sdelay $0x2  }
0xda: {  	[hbm4b:s5+s3] =	stream.indirect_vreg.scatter [tilespmem:s9], [sflag:$0x1], $0x80, v4, vm0, $0xb8;
	[tilespmem:$0x8080] =	vst v63  }
0xdb: {  	_ = 	snop  }
0xdc: {  	[hbm4b:s5+s3] =	stream.indirect_vreg.scatter [tilespmem:s10], [sflag:$0x1], $0x80, v3, vm0, $0xb8;
	[tilespmem:$0x8080] =	vst v63  }
0xdd: {  	v3 =	vld [tilespmem:$0x10];
	_ =	sdelay $0x4  }
0xde: {  	v49 =	vshll.u32 v3, $0x1  }
0xdf: {  	v3 =	vand.u32 $0x7, v3;
	v4 =	vand.u32 $0xFFFFFFF0, v49  }
0xe0: {  	v3 =	vor.u32 v3, v4  }
0xe1: {  	v4 =	vperm.xlane v3, v0;
	_ =	sdelay $0x1  }
0xe2: {  	v3 =	vperm.xlane v3, v2;
	v4 =	vadd.s32 v1, v4;
	_ =	sdelay $0x1  }
0xe3: {  	v3 =	vadd.s32 v1, v3;
	_ =	sdelay $0x2  }
0xe4: {  	[hbm4b:s5+s3] =	stream.indirect_vreg.scatter [tilespmem:s11], [sflag:$0x1], $0x80, v4, vm0, $0xb8;
	[tilespmem:$0x8080] =	vst v63  }
0xe5: {  	_ = 	snop  }
0xe6: {  	[hbm4b:s5+s3] =	stream.indirect_vreg.scatter [tilespmem:s12], [sflag:$0x1], $0x80, v3, vm0, $0xb8;
	[tilespmem:$0x8080] =	vst v63  }
0xe7: {  	v3 =	vld [tilespmem:$0x20];
	_ =	sdelay $0x4  }
0xe8: {  	v50 =	vshll.u32 v3, $0x1  }
0xe9: {  	v3 =	vand.u32 $0x7, v3;
	v4 =	vand.u32 $0xFFFFFFF0, v50  }
0xea: {  	v3 =	vor.u32 v3, v4  }
0xeb: {  	v4 =	vperm.xlane v3, v0;
	_ =	sdelay $0x1  }
0xec: {  	v3 =	vperm.xlane v3, v2;
	v4 =	vadd.s32 v1, v4;
	_ =	sdelay $0x1  }
0xed: {  	v3 =	vadd.s32 v1, v3;
	_ =	sdelay $0x2  }
0xee: {  	[hbm4b:s5+s3] =	stream.indirect_vreg.scatter [tilespmem:s13], [sflag:$0x1], $0x80, v4, vm0, $0xb8;
	[tilespmem:$0x8080] =	vst v63  }
0xef: {  	_ = 	snop  }
0xf0: {  	[hbm4b:s5+s3] =	stream.indirect_vreg.scatter [tilespmem:s14], [sflag:$0x1], $0x80, v3, vm0, $0xb8;
	[tilespmem:$0x8080] =	vst v63  }
0xf1: {  	v3 =	vld [tilespmem:$0x30];
	_ =	sdelay $0x4  }
0xf2: {  	v51 =	vshll.u32 v3, $0x1  }
0xf3: {  	v3 =	vand.u32 $0x7, v3;
	v4 =	vand.u32 $0xFFFFFFF0, v51  }
0xf4: {  	v3 =	vor.u32 v3, v4  }
0xf5: {  	v4 =	vperm.xlane v3, v0;
	_ =	sdelay $0x1  }
0xf6: {  	v3 =	vperm.xlane v3, v2;
	v4 =	vadd.s32 v1, v4;
	_ =	sdelay $0x1  }
0xf7: {  	v3 =	vadd.s32 v1, v3;
	_ =	sdelay $0x2  }
0xf8: {  	[hbm4b:s5+s3] =	stream.indirect_vreg.scatter [tilespmem:s15], [sflag:$0x1], $0x80, v4, vm0, $0xb8;
	[tilespmem:$0x8080] =	vst v63  }
0xf9: {  	_ = 	snop  }
0xfa: {  	[hbm4b:s5+s3] =	stream.indirect_vreg.scatter [tilespmem:s16], [sflag:$0x1], $0x80, v3, vm0, $0xb8;
	[tilespmem:$0x8080] =	vst v63  }
0xfb: {  	v3 =	vld [tilespmem:$0x40];
	_ =	sdelay $0x4  }
0xfc: {  	v52 =	vshll.u32 v3, $0x1  }
0xfd: {  	v3 =	vand.u32 $0x7, v3;
	v4 =	vand.u32 $0xFFFFFFF0, v52  }
0xfe: {  	v3 =	vor.u32 v3, v4  }
0xff: {  	v4 =	vperm.xlane v3, v0;
	_ =	sdelay $0x1  }
0x100: {  	v3 =	vperm.xlane v3, v2;
	v4 =	vadd.s32 v1, v4;
	_ =	sdelay $0x1  }
0x101: {  	v3 =	vadd.s32 v1, v3;
	_ =	sdelay $0x2  }
0x102: {  	[hbm4b:s5+s3] =	stream.indirect_vreg.scatter [tilespmem:s17], [sflag:$0x1], $0x80, v4, vm0, $0xb8;
	[tilespmem:$0x8080] =	vst v63  }
0x103: {  	_ = 	snop  }
0x104: {  	[hbm4b:s5+s3] =	stream.indirect_vreg.scatter [tilespmem:s21], [sflag:$0x1], $0x80, v3, vm0, $0xb8;
	[tilespmem:$0x8080] =	vst v63  }
0x105: {  	v3 =	vld [tilespmem:$0x50];
	_ =	sdelay $0x4  }
0x106: {  	v53 =	vshll.u32 v3, $0x1  }
0x107: {  	v3 =	vand.u32 $0x7, v3;
	v4 =	vand.u32 $0xFFFFFFF0, v53  }
0x108: {  	v3 =	vor.u32 v3, v4  }
0x109: {  	v4 =	vperm.xlane v3, v0;
	_ =	sdelay $0x1  }
0x10a: {  	v3 =	vperm.xlane v3, v2;
	v4 =	vadd.s32 v1, v4;
	_ =	sdelay $0x1  }
0x10b: {  	v3 =	vadd.s32 v1, v3;
	_ =	sdelay $0x2  }
0x10c: {  	[hbm4b:s5+s3] =	stream.indirect_vreg.scatter [tilespmem:s25], [sflag:$0x1], $0x80, v4, vm0, $0xb8;
	[tilespmem:$0x8080] =	vst v63  }
0x10d: {  	_ = 	snop  }
0x10e: {  	[hbm4b:s5+s3] =	stream.indirect_vreg.scatter [tilespmem:s26], [sflag:$0x1], $0x80, v3, vm0, $0xb8;
	[tilespmem:$0x8080] =	vst v63  }
0x10f: {  	v3 =	vld [tilespmem:$0x60];
	_ =	sdelay $0x4  }
0x110: {  	v54 =	vshll.u32 v3, $0x1  }
0x111: {  	v3 =	vand.u32 $0x7, v3;
	v4 =	vand.u32 $0xFFFFFFF0, v54  }
0x112: {  	v3 =	vor.u32 v3, v4  }
0x113: {  	v4 =	vperm.xlane v3, v0;
	_ =	sdelay $0x1  }
0x114: {  	v3 =	vperm.xlane v3, v2;
	v4 =	vadd.s32 v1, v4;
	_ =	sdelay $0x1  }
0x115: {  	v3 =	vadd.s32 v1, v3;
	_ =	sdelay $0x2  }
0x116: {  	[hbm4b:s5+s3] =	stream.indirect_vreg.scatter [tilespmem:s28], [sflag:$0x1], $0x80, v4, vm0, $0xb8;
	[tilespmem:$0x8080] =	vst v63  }
0x117: {  	_ = 	snop  }
0x118: {  	[hbm4b:s5+s3] =	stream.indirect_vreg.scatter [tilespmem:s29], [sflag:$0x1], $0x80, v3, vm0, $0xb8;
	[tilespmem:$0x8080] =	vst v63  }
0x119: {  	v3 =	vld [tilespmem:$0x70];
	_ =	sdelay $0x4  }
0x11a: {  	v55 =	vshll.u32 v3, $0x1  }
0x11b: {  	v3 =	vand.u32 $0x7, v3;
	v4 =	vand.u32 $0xFFFFFFF0, v55  }
0x11c: {  	v3 =	vor.u32 v3, v4  }
0x11d: {  	v4 =	vperm.xlane v3, v0;
	_ =	sdelay $0x1  }
0x11e: {  	v3 =	vperm.xlane v3, v2;
	v4 =	vadd.s32 v1, v4;
	_ =	sdelay $0x1  }
0x11f: {  	v3 =	vadd.s32 v1, v3;
	_ =	sdelay $0x2  }
0x120: {  	[hbm4b:s5+s3] =	stream.indirect_vreg.scatter [tilespmem:s30], [sflag:$0x1], $0x80, v4, vm0, $0xb8;
	[tilespmem:$0x8080] =	vst v63  }
0x121: {  	_ = 	snop  }
0x122: {  	[hbm4b:s5+s3] =	stream.indirect_vreg.scatter [tilespmem:s31], [sflag:$0x1], $0x80, v3, vm0, $0xb8;
	[tilespmem:$0x8080] =	vst v63  }
0x123: {  	_ =	swait.ge [sflag:s1], $0x8000  }
0x124: {  	[sflag:s1] =	ssyncset.done $0x0  }
0x125: {  	[sflag:s1] =	ssyncadd.s32 $0xFFFF8000  }
0x126: {  	[tilespmem:s3], [sflag:$0x2] =	stream.linear.gather [hbm4b:s20+s3], $0x80, $0x38;
	[tilespmem:$0x8080] =	vst v63  }
0x127: {  	_ =	swait.ge [sflag:s8], $0x80  }
0x128: {  	[sflag:s8] =	ssyncset.done $0x0  }
0x129: {  	[sflag:s8] =	ssyncadd.s32 $0xFFFFFF80  }
0x12a: {  	[tilespmem:s9], [sflag:$0x2] =	stream.linear.gather [hbm4b:s24+s3], $0x8000, $0x38;
	[tilespmem:$0x8080] =	vst v63  }
0x12b: {  	_ =	swait.ge [sflag:s8], $0x8000  }
0x12c: {  	[sflag:s8] =	ssyncset.done $0x0  }
0x12d: {  	[sflag:s8] =	ssyncadd.s32 $0xFFFF8000  }
0x12e: {  	v3 =	vld [tilespmem:$0x0];
	_ =	sdelay $0x4  }
0x12f: {  	v56 =	vshll.u32 v3, $0x1  }
0x130: {  	v3 =	vand.u32 $0x7, v3;
	v4 =	vand.u32 $0xFFFFFFF0, v56  }
0x131: {  	v3 =	vor.u32 v3, v4  }
0x132: {  	v4 =	vperm.xlane v3, v0;
	_ =	sdelay $0x1  }
0x133: {  	v3 =	vperm.xlane v3, v2;
	v4 =	vadd.s32 v1, v4;
	_ =	sdelay $0x1  }
0x134: {  	v3 =	vadd.s32 v1, v3;
	_ =	sdelay $0x2  }
0x135: {  	[hbm4b:s6+s3] =	stream.indirect_vreg.scatter [tilespmem:s9], [sflag:$0x1], $0x80, v4, vm0, $0xb8;
	[tilespmem:$0x8080] =	vst v63  }
0x136: {  	_ = 	snop  }
0x137: {  	[hbm4b:s6+s3] =	stream.indirect_vreg.scatter [tilespmem:s10], [sflag:$0x1], $0x80, v3, vm0, $0xb8;
	[tilespmem:$0x8080] =	vst v63  }
0x138: {  	v3 =	vld [tilespmem:$0x10];
	_ =	sdelay $0x4  }
0x139: {  	v57 =	vshll.u32 v3, $0x1  }
0x13a: {  	v3 =	vand.u32 $0x7, v3;
	v4 =	vand.u32 $0xFFFFFFF0, v57  }
0x13b: {  	v3 =	vor.u32 v3, v4  }
0x13c: {  	v4 =	vperm.xlane v3, v0;
	_ =	sdelay $0x1  }
0x13d: {  	v3 =	vperm.xlane v3, v2;
	v4 =	vadd.s32 v1, v4;
	_ =	sdelay $0x1  }
0x13e: {  	v3 =	vadd.s32 v1, v3;
	_ =	sdelay $0x2  }
0x13f: {  	[hbm4b:s6+s3] =	stream.indirect_vreg.scatter [tilespmem:s11], [sflag:$0x1], $0x80, v4, vm0, $0xb8;
	[tilespmem:$0x8080] =	vst v63  }
0x140: {  	_ = 	snop  }
0x141: {  	[hbm4b:s6+s3] =	stream.indirect_vreg.scatter [tilespmem:s12], [sflag:$0x1], $0x80, v3, vm0, $0xb8;
	[tilespmem:$0x8080] =	vst v63  }
0x142: {  	v3 =	vld [tilespmem:$0x20];
	_ =	sdelay $0x4  }
0x143: {  	v58 =	vshll.u32 v3, $0x1  }
0x144: {  	v3 =	vand.u32 $0x7, v3;
	v4 =	vand.u32 $0xFFFFFFF0, v58  }
0x145: {  	v3 =	vor.u32 v3, v4  }
0x146: {  	v4 =	vperm.xlane v3, v0;
	_ =	sdelay $0x1  }
0x147: {  	v3 =	vperm.xlane v3, v2;
	v4 =	vadd.s32 v1, v4;
	_ =	sdelay $0x1  }
0x148: {  	v3 =	vadd.s32 v1, v3;
	_ =	sdelay $0x2  }
0x149: {  	[hbm4b:s6+s3] =	stream.indirect_vreg.scatter [tilespmem:s13], [sflag:$0x1], $0x80, v4, vm0, $0xb8;
	[tilespmem:$0x8080] =	vst v63  }
0x14a: {  	_ = 	snop  }
0x14b: {  	[hbm4b:s6+s3] =	stream.indirect_vreg.scatter [tilespmem:s14], [sflag:$0x1], $0x80, v3, vm0, $0xb8;
	[tilespmem:$0x8080] =	vst v63  }
0x14c: {  	v3 =	vld [tilespmem:$0x30];
	_ =	sdelay $0x4  }
0x14d: {  	v59 =	vshll.u32 v3, $0x1  }
0x14e: {  	v3 =	vand.u32 $0x7, v3;
	v4 =	vand.u32 $0xFFFFFFF0, v59  }
0x14f: {  	v3 =	vor.u32 v3, v4  }
0x150: {  	v4 =	vperm.xlane v3, v0;
	_ =	sdelay $0x1  }
0x151: {  	v3 =	vperm.xlane v3, v2;
	v4 =	vadd.s32 v1, v4;
	_ =	sdelay $0x1  }
0x152: {  	v3 =	vadd.s32 v1, v3;
	_ =	sdelay $0x2  }
0x153: {  	[hbm4b:s6+s3] =	stream.indirect_vreg.scatter [tilespmem:s15], [sflag:$0x1], $0x80, v4, vm0, $0xb8;
	[tilespmem:$0x8080] =	vst v63  }
0x154: {  	_ = 	snop  }
0x155: {  	[hbm4b:s6+s3] =	stream.indirect_vreg.scatter [tilespmem:s16], [sflag:$0x1], $0x80, v3, vm0, $0xb8;
	[tilespmem:$0x8080] =	vst v63  }
0x156: {  	v3 =	vld [tilespmem:$0x40];
	_ =	sdelay $0x4  }
0x157: {  	v60 =	vshll.u32 v3, $0x1  }
0x158: {  	v3 =	vand.u32 $0x7, v3;
	v4 =	vand.u32 $0xFFFFFFF0, v60  }
0x159: {  	v3 =	vor.u32 v3, v4  }
0x15a: {  	v4 =	vperm.xlane v3, v0;
	_ =	sdelay $0x1  }
0x15b: {  	v3 =	vperm.xlane v3, v2;
	v4 =	vadd.s32 v1, v4;
	_ =	sdelay $0x1  }
0x15c: {  	v3 =	vadd.s32 v1, v3;
	_ =	sdelay $0x2  }
0x15d: {  	[hbm4b:s6+s3] =	stream.indirect_vreg.scatter [tilespmem:s17], [sflag:$0x1], $0x80, v4, vm0, $0xb8;
	[tilespmem:$0x8080] =	vst v63  }
0x15e: {  	_ = 	snop  }
0x15f: {  	[hbm4b:s6+s3] =	stream.indirect_vreg.scatter [tilespmem:s21], [sflag:$0x1], $0x80, v3, vm0, $0xb8;
	[tilespmem:$0x8080] =	vst v63  }
0x160: {  	v3 =	vld [tilespmem:$0x50];
	_ =	sdelay $0x4  }
0x161: {  	v61 =	vshll.u32 v3, $0x1  }
0x162: {  	v3 =	vand.u32 $0x7, v3;
	v4 =	vand.u32 $0xFFFFFFF0, v61  }
0x163: {  	v3 =	vor.u32 v3, v4  }
0x164: {  	v4 =	vperm.xlane v3, v0;
	_ =	sdelay $0x1  }
0x165: {  	v3 =	vperm.xlane v3, v2;
	v4 =	vadd.s32 v1, v4;
	_ =	sdelay $0x1  }
0x166: {  	v3 =	vadd.s32 v1, v3;
	_ =	sdelay $0x2  }
0x167: {  	[hbm4b:s6+s3] =	stream.indirect_vreg.scatter [tilespmem:s25], [sflag:$0x1], $0x80, v4, vm0, $0xb8;
	[tilespmem:$0x8080] =	vst v63  }
0x168: {  	_ = 	snop  }
0x169: {  	[hbm4b:s6+s3] =	stream.indirect_vreg.scatter [tilespmem:s26], [sflag:$0x1], $0x80, v3, vm0, $0xb8;
	[tilespmem:$0x8080] =	vst v63  }
0x16a: {  	v3 =	vld [tilespmem:$0x60];
	_ =	sdelay $0x4  }
0x16b: {  	v62 =	vshll.u32 v3, $0x1  }
0x16c: {  	v3 =	vand.u32 $0x7, v3;
	v4 =	vand.u32 $0xFFFFFFF0, v62  }
0x16d: {  	v3 =	vor.u32 v3, v4  }
0x16e: {  	v4 =	vperm.xlane v3, v0;
	_ =	sdelay $0x1  }
0x16f: {  	v3 =	vperm.xlane v3, v2;
	v4 =	vadd.s32 v1, v4;
	_ =	sdelay $0x1  }
0x170: {  	v3 =	vadd.s32 v1, v3;
	_ =	sdelay $0x2  }
0x171: {  	[hbm4b:s6+s3] =	stream.indirect_vreg.scatter [tilespmem:s28], [sflag:$0x1], $0x80, v4, vm0, $0xb8;
	[tilespmem:$0x8080] =	vst v63  }
0x172: {  	_ = 	snop  }
0x173: {  	[hbm4b:s6+s3] =	stream.indirect_vreg.scatter [tilespmem:s29], [sflag:$0x1], $0x80, v3, vm0, $0xb8;
	[tilespmem:$0x8080] =	vst v63  }
0x174: {  	v3 =	vld [tilespmem:$0x70];
	_ =	sdelay $0x4  }
0x175: {  	v63 =	vshll.u32 v3, $0x1  }
0x176: {  	v3 =	vand.u32 $0x7, v3;
	v4 =	vand.u32 $0xFFFFFFF0, v63  }
0x177: {  	v3 =	vor.u32 v3, v4  }
0x178: {  	v4 =	vperm.xlane v3, v0;
	_ =	sdelay $0x1  }
0x179: {  	v3 =	vperm.xlane v3, v2;
	v4 =	vadd.s32 v1, v4;
	_ =	sdelay $0x1  }
0x17a: {  	v3 =	vadd.s32 v1, v3;
	_ =	sdelay $0x1  }
0x17b: {  	p0 =	sne.s32 s7, $0x1  }
0x17c: {  	[hbm4b:s6+s3] =	stream.indirect_vreg.scatter [tilespmem:s30], [sflag:$0x1], $0x80, v4, vm0, $0xb8;
	[tilespmem:$0x8080] =	vst v63  }
.Ltmp0:
0x17d: {  	_ = 	snop;
	(pc) =	sbr.rel @p0 .LBB2_1-.Ltmp0, $4  }
0x17e: {  	[hbm4b:s6+s3] =	stream.indirect_vreg.scatter [tilespmem:s31], [sflag:$0x1], $0x80, v3, vm0, $0xb8;
	[tilespmem:$0x8080] =	vst v63  }
0x17f: {  	_ =	swait.ge [sflag:s1], $0x8000  }
0x180: {  	[sflag:s1] =	ssyncset.done $0x0  }
0x181: {  	s7 =	sadd.s32 $0xFFFFFFFF, s7;
	[sflag:s1] =	ssyncadd.s32 $0xFFFF8000  }
0x182: {  	_ =	sfence.sel $0x180000  }
0x183: {  	[bflag:$0x0] =	sbarrier.arrive $0xFFFF  }
0x184: {  	_ =	strace $0x9000004A  }
0x185: {  	s0 =	stileid.u32;
	[bflag:$0x2] =	sbarrier.arrive $0xFFFF  }
0x186: {  	p0 =	sne.s32 s0, $0x0;
	s0 =	rddreg [dreg:$0x3]  }
0x187: {  	s0 =	sadd.s32 @!p0 $0x100000, s0  }
0x188: {  	[sflag:s0] =	ssyncadd.tile.s32 @!p0 $0x1;
	_ =	shalt  }
.Lfunc_end2:
_tile_overlayer_lowered:
.L_overlay_start_2:
0x189: {  	(tag) =	ssettag $0x2  }
0x18a: {  	s0 =	rddreg [dreg:$0x0];
	s2 =	stileid.u32  }
0x18b: {  	s1 =	rddreg [dreg:$0x1];
	p0 =	sne.s32 s2, $0x0  }
0x18c: {  	s3 =	rddreg [dreg:$0x2];
	[bflag:$0x3] =	sbarrier.arrive $0xFFFF;
	s2 =	simm.s32 @!p0 $0x1C02  }
0x18d: {  	[timem:s3], [sflag:s2] =	dma.local @!p0 [hbm:s0], s1  }
0x18e: {  	s0 =	simm.s32 @!p0 $0x2  }
0x18f: {  	_ =	swait.ge @!p0 [sflag:s0], s1  }
0x190: {  	s1 =	ssub.s32 @!p0 $0x0, s1;
	[sflag:s0] =	ssyncset.done @!p0 $0x0  }
0x191: {  	[sflag:s0] =	ssyncadd.s32 @!p0 s1  }
0x192: {  	[bflag:$0x3] =	sbarrier.arrive $0xFFFF  }
0x193: {  	_ =	shalt  }

</sc_bundles>
